<compile_context>
chip_gen: v7x
topology: tpu7x:2x2x1
jax: 0.10.2.dev20260603
libtpu: 0.0.44.dev20260713+nightly
codegen_flags: <defaults>
</compile_context>

<pallas_src>
import functools

import jax
import jax.numpy as jnp
from jax import lax
from jax.experimental import pallas as pl
from jax.experimental.pallas import tpu as pltpu
from jax.experimental.pallas import tpu_sc as plsc

N = 10000
E = 160000
DB = 2048
DBH = 1024
DF = 512
H = 32

NW = 32
EPW = 5024
NCH = EPW // 16
E_TAIL = E - (NW - 1) * EPW
C = 16



def _prep_body(xb_ref, x_ref, W1_ref, b1_ref, g_ref, be_ref, a_ref,
               W2_ref, b2_ref, Wb_ref, bb_ref, Pb_ref, Wf_ref, bf_ref, Pf_ref,
               vb_ref, vf_ref,
               vq_lo_ref, vq_hi_ref, vn_lo_ref, vn_hi_ref, vqf_ref, vnf_ref):
    ha = jnp.dot(x_ref[...], W1_ref[...], preferred_element_type=jnp.float32)
    ha = ha + b1_ref[...]
    mu = jnp.mean(ha, axis=0)
    var = jnp.mean((ha - mu) ** 2, axis=0)
    h = jnp.dot(xb_ref[...], W1_ref[...], preferred_element_type=jnp.float32)
    h = h + b1_ref[...]
    h = (h - mu) / jnp.sqrt(var + 1e-5) * g_ref[...] + be_ref[...]
    h = jnp.where(h >= 0, h, a_ref[0, 0] * h)
    h = jnp.dot(h, W2_ref[...], preferred_element_type=jnp.float32) + b2_ref[...]
    wb = jnp.dot(Wb_ref[...], Pb_ref[...], preferred_element_type=jnp.float32)
    wf = jnp.dot(Wf_ref[...], Pf_ref[...], preferred_element_type=jnp.float32)
    qb = (jnp.dot(h, wb, preferred_element_type=jnp.float32)
          + jnp.dot(bb_ref[...], Pb_ref[...], preferred_element_type=jnp.float32))
    qf = (jnp.dot(h, wf, preferred_element_type=jnp.float32)
          + jnp.dot(bf_ref[...], Pf_ref[...], preferred_element_type=jnp.float32))
    v = vb_ref[...]
    ss = jnp.sum(v * v, axis=1, keepdims=True)
    inv = 1.0 / (jnp.sqrt(ss) + 1e-8)
    vn = v * inv
    vq = vn * qb
    vq_lo_ref[...] = vq[:, :DBH].astype(jnp.bfloat16)
    vq_hi_ref[...] = vq[:, DBH:].astype(jnp.bfloat16)
    vn_lo_ref[...] = vn[:, :DBH].astype(jnp.bfloat16)
    vn_hi_ref[...] = vn[:, DBH:].astype(jnp.bfloat16)
    w = vf_ref[...]
    ssf = jnp.sum(w * w, axis=1, keepdims=True)
    invf = 1.0 / (jnp.sqrt(ssf) + 1e-8)
    wn = w * invf
    vqf_ref[...] = (wn * qf).astype(jnp.bfloat16)
    vnf_ref[...] = wn.astype(jnp.bfloat16)


def _fin_body(p_ref, pb_ref, pf_ref, o_ref):
    o_ref[...] = jnp.sum(p_ref[...], axis=0) + pb_ref[0] + pf_ref[0]



def _allsum16(t, lanes):
    dnums = lax.GatherDimensionNumbers(
        offset_dims=(), collapsed_slice_dims=(0,), start_index_map=(0,))
    for k in (8, 4, 2, 1):
        perm = lax.gather(t, (lanes ^ k)[:, None], dimension_numbers=dnums,
                          slice_sizes=(1,),
                          mode=lax.GatherScatterMode.PROMISE_IN_BOUNDS)
        t = t + perm
    return t


def _dots16(s_ref, d_ref, dh):
    lanes = lax.iota(jnp.int32, 16)
    zf = jnp.zeros((16,), jnp.float32)
    zb = jnp.zeros((32,), jnp.bfloat16)
    nld = dh // 32

    def estep(i, res):
        f0, f1 = zf, zf
        a, b = zb, zb
        for u in range(nld):
            sv = s_ref[i, pl.ds(u * 32, 32)]
            dv = d_ref[i, pl.ds(u * 32, 32)]
            p = sv * dv
            if u % 2 == 0:
                a = a + p
            else:
                b = b + p
            if u % 8 == 7 or u == nld - 1:
                for acc in (a, b):
                    p0, p1 = plsc.unpack(acc, format=plsc.PackFormat.INTERLEAVED)
                    f0 = f0 + p0
                    f1 = f1 + p1
                a, b = zb, zb
        t = _allsum16(f0 + f1, lanes)
        return jnp.where(lanes == i, t, res)

    return lax.fori_loop(0, C, estep, zf)


def _sc_edge_kernel(vqb_lo, vqb_hi, vnb_lo, vnb_hi, vqf, vnf,
                    eib, eif, out_hbm,
                    sb0, sb1, db0, db1, sf0, sf1, df0, df1,
                    sib, dib, acc_v,
                    semb0, semb1, semf0, semf1):
    wid = lax.axis_index("s") * 2 + lax.axis_index("c")
    ebase = wid * EPW
    lanes = lax.iota(jnp.int32, 16)
    zero16 = jnp.zeros((16,), jnp.float32)

    def zstep(i, _):
        acc_v[pl.ds(i * 16, 16)] = zero16
        return 0
    lax.fori_loop(0, N // 16, zstep, 0)

    izero16 = jnp.zeros((16,), jnp.int32)

    def stage(src_hbm, dst_ref):
        @pl.when(wid < NW - 1)
        def _():
            pltpu.sync_copy(src_hbm.at[pl.ds(ebase, EPW)], dst_ref)

        @pl.when(wid == NW - 1)
        def _():
            pltpu.sync_copy(src_hbm.at[pl.ds(E - E_TAIL, E_TAIL)],
                            dst_ref.at[pl.ds(0, E_TAIL)])
            def zz(i, _):
                dst_ref[pl.ds(E_TAIL + i * 16, 16)] = izero16
                return 0
            lax.fori_loop(0, (EPW - E_TAIL) // 16, zz, 0)

    stage(eib.at[0], sib)
    stage(eib.at[1], dib)

    sbufs = (sb0, sb1)
    dbufs = (db0, db1)
    bsems = (semb0, semb1)
    vq_tabs = (vqb_lo, vqb_hi)
    vn_tabs = (vnb_lo, vnb_hi)

    def issue_b(c, h):
        si = sib.at[pl.ds(c * 16, 16)]
        di = dib.at[pl.ds(c * 16, 16)]
        pltpu.async_copy(vq_tabs[h].at[si], sbufs[h], bsems[h])
        pltpu.async_copy(vn_tabs[h].at[di], dbufs[h], bsems[h])

    def wait_b(c, h):
        si = sib.at[pl.ds(c * 16, 16)]
        di = dib.at[pl.ds(c * 16, 16)]
        pltpu.make_async_copy(vq_tabs[h].at[si], sbufs[h], bsems[h]).wait()
        pltpu.make_async_copy(vn_tabs[h].at[di], dbufs[h], bsems[h]).wait()

    issue_b(0, 0)
    issue_b(0, 1)

    def bstep(c, _):
        dots = zero16
        for h in range(2):
            wait_b(c, h)
            dots = _dots16(sbufs[h], dbufs[h], DBH) + dots

            @pl.when(c + 1 < NCH)
            def _():
                issue_b(c + 1, h)
        didx = dib[pl.ds(c * 16, 16)]
        mask = (ebase + c * 16 + lanes) < E
        plsc.addupdate_scatter(acc_v, [didx], dots, mask=mask)
        return 0
    lax.fori_loop(0, NCH, bstep, 0)

    fsbufs = (sf0, sf1)
    fdbufs = (df0, df1)
    fsems = (semf0, semf1)
    stage(eif.at[0], sib)
    stage(eif.at[1], dib)

    def issue_f(c, h):
        si = sib.at[pl.ds(c * 16, 16)]
        di = dib.at[pl.ds(c * 16, 16)]
        pltpu.async_copy(vqf.at[si], fsbufs[h], fsems[h])
        pltpu.async_copy(vnf.at[di], fdbufs[h], fsems[h])

    def wait_f(c, h):
        si = sib.at[pl.ds(c * 16, 16)]
        di = dib.at[pl.ds(c * 16, 16)]
        pltpu.make_async_copy(vqf.at[si], fsbufs[h], fsems[h]).wait()
        pltpu.make_async_copy(vnf.at[di], fdbufs[h], fsems[h]).wait()

    issue_f(0, 0)
    issue_f(1, 1)

    def fstep(cc, _):
        for h in range(2):
            c = cc * 2 + h
            wait_f(c, h)
            dots = _dots16(fsbufs[h], fdbufs[h], DF)

            @pl.when(c + 2 < NCH)
            def _():
                issue_f(c + 2, h)
            didx = dib[pl.ds(c * 16, 16)]
            mask = (ebase + c * 16 + lanes) < E
            plsc.addupdate_scatter(acc_v, [didx], dots, mask=mask)
        return 0
    lax.fori_loop(0, NCH // 2, fstep, 0)

    pltpu.sync_copy(acc_v, out_hbm.at[wid])



def kernel(x, edge_index_body, edge_index_face, visual_body, visual_face,
           W1, b1, bn_gamma, bn_beta, prelu_a, W2, b2,
           Wb, bb, Wf, bf, Pb, pb, Pf, pf):
    f32 = jnp.float32

    RB = 400
    full = lambda i: (0, 0)
    blk = lambda i: (i, 0)
    vqb_lo, vqb_hi, vnb_lo, vnb_hi, vqf, vnf = pl.pallas_call(
        _prep_body,
        grid=(N // RB,),
        in_specs=[pl.BlockSpec((RB, 2), blk),
                  pl.BlockSpec((N, 2), full),
                  pl.BlockSpec((2, H), full), pl.BlockSpec((H,), lambda i: (0,)),
                  pl.BlockSpec((H,), lambda i: (0,)), pl.BlockSpec((H,), lambda i: (0,)),
                  pl.BlockSpec((1, 1), full),
                  pl.BlockSpec((H, H), full), pl.BlockSpec((H,), lambda i: (0,)),
                  pl.BlockSpec((H, H), full), pl.BlockSpec((H,), lambda i: (0,)),
                  pl.BlockSpec((H, 1), full),
                  pl.BlockSpec((H, H), full), pl.BlockSpec((H,), lambda i: (0,)),
                  pl.BlockSpec((H, 1), full),
                  pl.BlockSpec((RB, DB), blk),
                  pl.BlockSpec((RB, DF), blk)],
        out_specs=[pl.BlockSpec((RB, DBH), blk)] * 4
                  + [pl.BlockSpec((RB, DF), blk)] * 2,
        out_shape=(jax.ShapeDtypeStruct((N, DBH), jnp.bfloat16),) * 4
                  + (jax.ShapeDtypeStruct((N, DF), jnp.bfloat16),) * 2,
    )(x, x, W1, b1, bn_gamma, bn_beta, prelu_a.reshape(1, 1).astype(f32),
      W2, b2, Wb, bb, Pb, Wf, bf, Pf, visual_body, visual_face)

    mesh = plsc.VectorSubcoreMesh(core_axis_name="c", subcore_axis_name="s")
    partial = pl.kernel(
        _sc_edge_kernel,
        out_type=jax.ShapeDtypeStruct((NW, N), f32),
        mesh=mesh,
        compiler_params=pltpu.CompilerParams(use_tc_tiling_on_sc=False, needs_layout_passes=False),
        scratch_types=[
            pltpu.VMEM((C, DBH), jnp.bfloat16), pltpu.VMEM((C, DBH), jnp.bfloat16),
            pltpu.VMEM((C, DBH), jnp.bfloat16), pltpu.VMEM((C, DBH), jnp.bfloat16),
            pltpu.VMEM((C, DF), jnp.bfloat16), pltpu.VMEM((C, DF), jnp.bfloat16),
            pltpu.VMEM((C, DF), jnp.bfloat16), pltpu.VMEM((C, DF), jnp.bfloat16),
            pltpu.VMEM((EPW,), jnp.int32), pltpu.VMEM((EPW,), jnp.int32),
            pltpu.VMEM((N,), f32),
            pltpu.SemaphoreType.DMA, pltpu.SemaphoreType.DMA,
            pltpu.SemaphoreType.DMA, pltpu.SemaphoreType.DMA,
        ],
    )(vqb_lo, vqb_hi, vnb_lo, vnb_hi, vqf, vnf, edge_index_body, edge_index_face)

    out = pl.pallas_call(
        _fin_body,
        out_shape=jax.ShapeDtypeStruct((N,), f32),
    )(partial, pb, pf)
    return out

# --- scband reference (transcript-rebuilt; emitter-appended) ---
"""Pipeline reference for scband-body-face-20023137534018 (READ-ONLY COPY).

The authoritative reference and input builder live on the scoring server;
editing this copy changes nothing except your own understanding.
"""

import jax, jax.numpy as jnp
import numpy as np

N = 10000
E = 160000
D_VIS_BODY = 2048
D_VIS_FACE = 512
H = 32
N_CHUNKS = 10


def _cos_conv(h, vis, src, dst, W, b):
    # cosine similarity between visual features of src/dst nodes as edge weights
    vn = vis / (jnp.linalg.norm(vis, axis=1, keepdims=True) + 1e-8)
    src2 = src.reshape(N_CHUNKS, -1)
    dst2 = dst.reshape(N_CHUNKS, -1)

    def _chunk(pair):
        s, d = pair
        return jnp.sum(vn[s] * vn[d], axis=1)

    sim = jax.lax.map(_chunk, (src2, dst2)).reshape(-1)
    m = h @ W + b
    msg = m[src] * sim[:, None]
    return jax.ops.segment_sum(msg, dst, num_segments=h.shape[0])


def _forward(x, eib, eif, vb, vf, W1, b1, bn_gamma, bn_beta, prelu_a, W2, b2,
             Wb, bb, Wf, bf, Pb, pb, Pf, pf):
    # input_mlp: Linear(2,32) -> BatchNorm1d(32) (training-mode batch stats) -> PReLU -> Dropout(p=0) -> Linear(32,32)
    h = x @ W1 + b1
    mu = jnp.mean(h, axis=0)
    var = jnp.var(h, axis=0)
    h = (h - mu) / jnp.sqrt(var + 1e-5) * bn_gamma + bn_beta
    h = jnp.where(h >= 0, h, prelu_a * h)
    h = h @ W2 + b2
    # shared features fed into body and face CMCosConv branches
    hb = _cos_conv(h, vb, eib[0], eib[1], Wb, bb)
    hf = _cos_conv(h, vf, eif[0], eif[1], Wf, bf)
    sb = jnp.squeeze(hb @ Pb + pb, axis=-1)
    sf = jnp.squeeze(hf @ Pf + pf, axis=-1)
    return sb + sf


def setup_inputs(seed: int = 0):
    key = jax.random.key(seed)
    ks = jax.random.split(key, 16)
    inp = {}
    inp["x"] = jax.random.normal(ks[0], (N, 2), dtype=jnp.float32)
    inp["edge_index_body"] = jax.random.randint(ks[1], (2, E), 0, N, dtype=jnp.int32)
    inp["edge_index_face"] = jax.random.randint(ks[2], (2, E), 0, N, dtype=jnp.int32)
    inp["visual_body"] = jax.random.normal(ks[3], (N, D_VIS_BODY), dtype=jnp.float32)
    inp["visual_face"] = jax.random.normal(ks[4], (N, D_VIS_FACE), dtype=jnp.float32)
    inp["W1"] = jax.random.normal(ks[5], (2, H), dtype=jnp.float32) / np.sqrt(2.0)
    inp["b1"] = jnp.zeros((H,), dtype=jnp.float32)
    inp["bn_gamma"] = jnp.ones((H,), dtype=jnp.float32)
    inp["bn_beta"] = jnp.zeros((H,), dtype=jnp.float32)
    inp["prelu_a"] = jnp.float32(0.25)
    inp["W2"] = jax.random.normal(ks[6], (H, H), dtype=jnp.float32) / np.sqrt(float(H))
    inp["b2"] = jnp.zeros((H,), dtype=jnp.float32)
    inp["Wb"] = jax.random.normal(ks[7], (H, H), dtype=jnp.float32) / np.sqrt(float(H))
    inp["bb"] = jnp.zeros((H,), dtype=jnp.float32)
    inp["Wf"] = jax.random.normal(ks[8], (H, H), dtype=jnp.float32) / np.sqrt(float(H))
    inp["bf"] = jnp.zeros((H,), dtype=jnp.float32)
    inp["Pb"] = jax.random.normal(ks[9], (H, 1), dtype=jnp.float32) / np.sqrt(float(H))
    inp["pb"] = jnp.zeros((1,), dtype=jnp.float32)
    inp["Pf"] = jax.random.normal(ks[10], (H, 1), dtype=jnp.float32) / np.sqrt(float(H))
    inp["pf"] = jnp.zeros((1,), dtype=jnp.float32)
    return inp


def reference(x, edge_index_body, edge_index_face, visual_body, visual_face,
              W1, b1, bn_gamma, bn_beta, prelu_a, W2, b2,
              Wb, bb, Wf, bf, Pb, pb, Pf, pf):
    return _forward(x, edge_index_body, edge_index_face, visual_body, visual_face,
                    W1, b1, bn_gamma, bn_beta, prelu_a, W2, b2,
                    Wb, bb, Wf, bf, Pb, pb, Pf, pf)

if __name__ == "__main__":
    import jax
    _d = setup_inputs()
    print(jax.jit(kernel)(*tuple(_d.values())))

</pallas_src>

<mosaic_0001>
#map = affine_map<(d0, d1) -> (0, 0)>
module attributes {stable_mosaic.version = 14 : i64} {
  func.func @_sc_edge_kernel(%arg0: i32, %arg1: i32, %arg2: memref<10000x1024xbf16, #tpu.memory_space<hbm>>, %arg3: memref<10000x1024xbf16, #tpu.memory_space<hbm>>, %arg4: memref<10000x1024xbf16, #tpu.memory_space<hbm>>, %arg5: memref<10000x1024xbf16, #tpu.memory_space<hbm>>, %arg6: memref<10000x512xbf16, #tpu.memory_space<hbm>>, %arg7: memref<10000x512xbf16, #tpu.memory_space<hbm>>, %arg8: memref<2x160000xi32, #tpu.memory_space<hbm>>, %arg9: memref<2x160000xi32, #tpu.memory_space<hbm>>, %arg10: memref<32x10000xf32, #tpu.memory_space<hbm>>, %arg11: memref<16x1024xbf16, #tpu.memory_space<vmem>>, %arg12: memref<16x1024xbf16, #tpu.memory_space<vmem>>, %arg13: memref<16x1024xbf16, #tpu.memory_space<vmem>>, %arg14: memref<16x1024xbf16, #tpu.memory_space<vmem>>, %arg15: memref<16x512xbf16, #tpu.memory_space<vmem>>, %arg16: memref<16x512xbf16, #tpu.memory_space<vmem>>, %arg17: memref<16x512xbf16, #tpu.memory_space<vmem>>, %arg18: memref<16x512xbf16, #tpu.memory_space<vmem>>, %arg19: memref<5024xi32, #tpu.memory_space<vmem>>, %arg20: memref<5024xi32, #tpu.memory_space<vmem>>, %arg21: memref<10000xf32, #tpu.memory_space<vmem>>, %arg22: memref<!tpu.dma_semaphore, #tpu.memory_space<semaphore_mem>>, %arg23: memref<!tpu.dma_semaphore, #tpu.memory_space<semaphore_mem>>, %arg24: memref<!tpu.dma_semaphore, #tpu.memory_space<semaphore_mem>>, %arg25: memref<!tpu.dma_semaphore, #tpu.memory_space<semaphore_mem>>) attributes {dimension_semantics = [#tpu.dimension_semantics<core_parallel>, #tpu.dimension_semantics<subcore_parallel>], iteration_bounds = array<i64: 2, 16>, scalar_prefetch = 0 : i64, scratch_operands = 15 : i64, tpu.core_type = #tpu.core_type<sc_vector_subcore>, window_params = [{transform_indices = #map}, {transform_indices = #map}, {transform_indices = #map}, {transform_indices = #map}, {transform_indices = #map}, {transform_indices = #map}, {transform_indices = #map}, {transform_indices = #map}, {transform_indices = #map}]} {
    %mul3A = arith.constant 2 : i32
    %mul3A_0 = arith.muli %arg1, %mul3A : i32
    %add3A = arith.addi %mul3A_0, %arg0 : i32
    %mul3A_1 = arith.constant 5024 : i32
    %mul3A_2 = arith.muli %add3A, %mul3A_1 : i32
    %iota3A = tpu.iota {dimensions = array<i32: 0>} : vector<16xi32>
    %broadcast_in_dim3A = arith.constant 0.000000e+00 : f32
    %broadcast_in_dim3A_3 = vector.broadcast %broadcast_in_dim3A : f32 to vector<16xf32>
    %scan3A = arith.constant 0 : i32
    %scan3A_4 = arith.constant 0 : i32
    %scan3A_5 = arith.constant 625 : i32
    %scan3A_6 = arith.addi %scan3A_4, %scan3A_5 : i32
    %scan3A_7 = arith.constant 1 : i32
    %scan3A_8 = scf.for %scan3A_109 = %scan3A_4 to %scan3A_6 step %scan3A_7 iter_args(%scan3A_110 = %scan3A) -> (i32)  : i32 {
      %mul3A_111 = arith.constant 16 : i32
      %mul3A_112 = arith.muli %scan3A_109, %mul3A_111 : i32
      %swap3A = arith.index_cast %mul3A_112 : i32 to index
      %swap3A_113 = tpu.vector_load %arg21[%swap3A] {strides = array<i32>} : memref<10000xf32, #tpu.memory_space<vmem>>, vector<16xf32>,
      tpu.vector_store %arg21[%swap3A], %broadcast_in_dim3A_3 {strides = array<i32>} : memref<10000xf32, #tpu.memory_space<vmem>>, vector<16xf32>,
      %scan3A_114 = arith.constant 0 : i32
      scf.yield %scan3A_114 : i32
    }
    %scan3A_9 = arith.constant 625 : i32
    %broadcast_in_dim3A_10 = arith.constant 0 : i32
    %broadcast_in_dim3A_11 = vector.broadcast %broadcast_in_dim3A_10 : i32 to vector<16xi32>
    %lt3A = arith.constant 31 : i32
    %lt3A_12 = arith.cmpi slt, %add3A, %lt3A : i32
    %convert_element_type3A = arith.extui %lt3A_12 : i1 to i32
    %cond3A = arith.constant 0 : i32
    %cond3A_13 = arith.constant 0 : i32
    %cond3A_14 = arith.cmpi ne, %convert_element_type3A, %cond3A_13 : i32
    scf.if %cond3A_14 {
      "tpu.region"() ({
        %run_scoped3A = tpu.sem_alloc : memref<!tpu.dma_semaphore, #tpu.memory_space<semaphore_mem>>
        %dma_start3A_109 = arith.constant 0 : i32
        %dma_start3A_110 = tpu.memref_slice %arg8[%cond3A, %dma_start3A_109] : memref<2x160000xi32, #tpu.memory_space<hbm>> -> memref<1x160000xi32, #tpu.memory_space<hbm>>
        %dma_start3A_111 = tpu.memref_squeeze %dma_start3A_110 : memref<1x160000xi32, #tpu.memory_space<hbm>> -> memref<160000xi32, #tpu.memory_space<hbm>>
        %dma_start3A_112 = tpu.memref_slice %dma_start3A_111[%mul3A_2] : memref<160000xi32, #tpu.memory_space<hbm>> -> memref<5024xi32, #tpu.memory_space<hbm>>
        %dma_start3A_113 = arith.constant 0 : i32
        %dma_start3A_114 = tpu.memref_slice %arg8[%cond3A, %dma_start3A_113] : memref<2x160000xi32, #tpu.memory_space<hbm>> -> memref<1x160000xi32, #tpu.memory_space<hbm>>
        %dma_start3A_115 = tpu.memref_squeeze %dma_start3A_114 : memref<1x160000xi32, #tpu.memory_space<hbm>> -> memref<160000xi32, #tpu.memory_space<hbm>>
        %dma_start3A_116 = tpu.memref_slice %dma_start3A_115[%mul3A_2] : memref<160000xi32, #tpu.memory_space<hbm>> -> memref<5024xi32, #tpu.memory_space<hbm>>
        tpu.enqueue_dma source(%dma_start3A_116 : memref<5024xi32, #tpu.memory_space<hbm>>) target(%arg19 : memref<5024xi32, #tpu.memory_space<vmem>>) target_semaphore(%run_scoped3A : memref<!tpu.dma_semaphore, #tpu.memory_space<semaphore_mem>>)
        %dma_wait3A = arith.constant 0 : i32
        %dma_wait3A_117 = tpu.memref_slice %arg8[%cond3A, %dma_wait3A] : memref<2x160000xi32, #tpu.memory_space<hbm>> -> memref<1x160000xi32, #tpu.memory_space<hbm>>
        %dma_wait3A_118 = tpu.memref_squeeze %dma_wait3A_117 : memref<1x160000xi32, #tpu.memory_space<hbm>> -> memref<160000xi32, #tpu.memory_space<hbm>>
        %dma_wait3A_119 = tpu.memref_slice %dma_wait3A_118[%mul3A_2] : memref<160000xi32, #tpu.memory_space<hbm>> -> memref<5024xi32, #tpu.memory_space<hbm>>
        %dma_wait3A_120 = arith.constant 0 : i32
        %dma_wait3A_121 = tpu.memref_slice %arg8[%cond3A, %dma_wait3A_120] : memref<2x160000xi32, #tpu.memory_space<hbm>> -> memref<1x160000xi32, #tpu.memory_space<hbm>>
        %dma_wait3A_122 = tpu.memref_squeeze %dma_wait3A_121 : memref<1x160000xi32, #tpu.memory_space<hbm>> -> memref<160000xi32, #tpu.memory_space<hbm>>
        %dma_wait3A_123 = tpu.memref_slice %dma_wait3A_122[%mul3A_2] : memref<160000xi32, #tpu.memory_space<hbm>> -> memref<5024xi32, #tpu.memory_space<hbm>>
        tpu.wait_dma2 semaphore(%run_scoped3A : memref<!tpu.dma_semaphore, #tpu.memory_space<semaphore_mem>>) src(%dma_wait3A_123 : memref<5024xi32, #tpu.memory_space<hbm>>) dst(%arg19 : memref<5024xi32, #tpu.memory_space<vmem>>)
        tpu.yield
      }) : () -> ()
    } else {
    }
    %eq3A = arith.constant 31 : i32
    %eq3A_15 = arith.cmpi eq, %add3A, %eq3A : i32
    %convert_element_type3A_16 = arith.extui %eq3A_15 : i1 to i32
    %cond3A_17 = arith.constant 0 : i32
    %cond3A_18 = arith.constant 0 : i32
    %cond3A_19 = arith.cmpi ne, %convert_element_type3A_16, %cond3A_18 : i32
    scf.if %cond3A_19 {
      "tpu.region"() ({
        %run_scoped3A = tpu.sem_alloc : memref<!tpu.dma_semaphore, #tpu.memory_space<semaphore_mem>>
        %dma_start3A_116 = arith.constant 0 : i32
        %dma_start3A_117 = tpu.memref_slice %arg19[%dma_start3A_116] : memref<5024xi32, #tpu.memory_space<vmem>> -> memref<4256xi32, #tpu.memory_space<vmem>>
        %dma_start3A_118 = arith.constant 0 : i32
        %dma_start3A_119 = tpu.memref_slice %arg8[%cond3A_17, %dma_start3A_118] : memref<2x160000xi32, #tpu.memory_space<hbm>> -> memref<1x160000xi32, #tpu.memory_space<hbm>>
        %dma_start3A_120 = tpu.memref_squeeze %dma_start3A_119 : memref<1x160000xi32, #tpu.memory_space<hbm>> -> memref<160000xi32, #tpu.memory_space<hbm>>
        %dma_start3A_121 = arith.constant 155744 : i32
        %dma_start3A_122 = tpu.memref_slice %dma_start3A_120[%dma_start3A_121] : memref<160000xi32, #tpu.memory_space<hbm>> -> memref<4256xi32, #tpu.memory_space<hbm>>
        %dma_start3A_123 = arith.constant 0 : i32
        %dma_start3A_124 = tpu.memref_slice %arg19[%dma_start3A_123] : memref<5024xi32, #tpu.memory_space<vmem>> -> memref<4256xi32, #tpu.memory_space<vmem>>
        %dma_start3A_125 = arith.constant 0 : i32
        %dma_start3A_126 = tpu.memref_slice %arg8[%cond3A_17, %dma_start3A_125] : memref<2x160000xi32, #tpu.memory_space<hbm>> -> memref<1x160000xi32, #tpu.memory_space<hbm>>
        %dma_start3A_127 = tpu.memref_squeeze %dma_start3A_126 : memref<1x160000xi32, #tpu.memory_space<hbm>> -> memref<160000xi32, #tpu.memory_space<hbm>>
        %dma_start3A_128 = arith.constant 155744 : i32
        %dma_start3A_129 = tpu.memref_slice %dma_start3A_127[%dma_start3A_128] : memref<160000xi32, #tpu.memory_space<hbm>> -> memref<4256xi32, #tpu.memory_space<hbm>>
        tpu.enqueue_dma source(%dma_start3A_129 : memref<4256xi32, #tpu.memory_space<hbm>>) target(%dma_start3A_124 : memref<4256xi32, #tpu.memory_space<vmem>>) target_semaphore(%run_scoped3A : memref<!tpu.dma_semaphore, #tpu.memory_space<semaphore_mem>>)
        %dma_wait3A = arith.constant 0 : i32
        %dma_wait3A_130 = tpu.memref_slice %arg19[%dma_wait3A] : memref<5024xi32, #tpu.memory_space<vmem>> -> memref<4256xi32, #tpu.memory_space<vmem>>
        %dma_wait3A_131 = arith.constant 0 : i32
        %dma_wait3A_132 = tpu.memref_slice %arg8[%cond3A_17, %dma_wait3A_131] : memref<2x160000xi32, #tpu.memory_space<hbm>> -> memref<1x160000xi32, #tpu.memory_space<hbm>>
        %dma_wait3A_133 = tpu.memref_squeeze %dma_wait3A_132 : memref<1x160000xi32, #tpu.memory_space<hbm>> -> memref<160000xi32, #tpu.memory_space<hbm>>
        %dma_wait3A_134 = arith.constant 155744 : i32
        %dma_wait3A_135 = tpu.memref_slice %dma_wait3A_133[%dma_wait3A_134] : memref<160000xi32, #tpu.memory_space<hbm>> -> memref<4256xi32, #tpu.memory_space<hbm>>
        %dma_wait3A_136 = arith.constant 0 : i32
        %dma_wait3A_137 = tpu.memref_slice %arg19[%dma_wait3A_136] : memref<5024xi32, #tpu.memory_space<vmem>> -> memref<4256xi32, #tpu.memory_space<vmem>>
        %dma_wait3A_138 = arith.constant 0 : i32
        %dma_wait3A_139 = tpu.memref_slice %arg8[%cond3A_17, %dma_wait3A_138] : memref<2x160000xi32, #tpu.memory_space<hbm>> -> memref<1x160000xi32, #tpu.memory_space<hbm>>
        %dma_wait3A_140 = tpu.memref_squeeze %dma_wait3A_139 : memref<1x160000xi32, #tpu.memory_space<hbm>> -> memref<160000xi32, #tpu.memory_space<hbm>>
        %dma_wait3A_141 = arith.constant 155744 : i32
        %dma_wait3A_142 = tpu.memref_slice %dma_wait3A_140[%dma_wait3A_141] : memref<160000xi32, #tpu.memory_space<hbm>> -> memref<4256xi32, #tpu.memory_space<hbm>>
        tpu.wait_dma2 semaphore(%run_scoped3A : memref<!tpu.dma_semaphore, #tpu.memory_space<semaphore_mem>>) src(%dma_wait3A_142 : memref<4256xi32, #tpu.memory_space<hbm>>) dst(%dma_wait3A_137 : memref<4256xi32, #tpu.memory_space<vmem>>)
        tpu.yield
      }) : () -> ()
      %scan3A_109 = arith.constant 0 : i32
      %scan3A_110 = arith.constant 0 : i32
      %scan3A_111 = arith.constant 48 : i32
      %scan3A_112 = arith.addi %scan3A_110, %scan3A_111 : i32
      %scan3A_113 = arith.constant 1 : i32
      %scan3A_114 = scf.for %scan3A_116 = %scan3A_110 to %scan3A_112 step %scan3A_113 iter_args(%scan3A_117 = %scan3A_109) -> (i32)  : i32 {
        %mul3A_118 = arith.constant 16 : i32
        %mul3A_119 = arith.muli %scan3A_116, %mul3A_118 : i32
        %add3A_120 = arith.constant 4256 : i32
        %add3A_121 = arith.addi %add3A_120, %mul3A_119 : i32
        %swap3A = arith.index_cast %add3A_121 : i32 to index
        %swap3A_122 = tpu.vector_load %arg19[%swap3A] {strides = array<i32>} : memref<5024xi32, #tpu.memory_space<vmem>>, vector<16xi32>,
        tpu.vector_store %arg19[%swap3A], %broadcast_in_dim3A_11 {strides = array<i32>} : memref<5024xi32, #tpu.memory_space<vmem>>, vector<16xi32>,
        %scan3A_123 = arith.constant 0 : i32
        scf.yield %scan3A_123 : i32
      }
      %scan3A_115 = arith.constant 48 : i32
    } else {
    }
    %lt3A_20 = arith.constant 31 : i32
    %lt3A_21 = arith.cmpi slt, %add3A, %lt3A_20 : i32
    %convert_element_type3A_22 = arith.extui %lt3A_21 : i1 to i32
    %cond3A_23 = arith.constant 1 : i32
    %cond3A_24 = arith.constant 0 : i32
    %cond3A_25 = arith.cmpi ne, %convert_element_type3A_22, %cond3A_24 : i32
    scf.if %cond3A_25 {
      "tpu.region"() ({
        %run_scoped3A = tpu.sem_alloc : memref<!tpu.dma_semaphore, #tpu.memory_space<semaphore_mem>>
        %dma_start3A_109 = arith.constant 0 : i32
        %dma_start3A_110 = tpu.memref_slice %arg8[%cond3A_23, %dma_start3A_109] : memref<2x160000xi32, #tpu.memory_space<hbm>> -> memref<1x160000xi32, #tpu.memory_space<hbm>>
        %dma_start3A_111 = tpu.memref_squeeze %dma_start3A_110 : memref<1x160000xi32, #tpu.memory_space<hbm>> -> memref<160000xi32, #tpu.memory_space<hbm>>
        %dma_start3A_112 = tpu.memref_slice %dma_start3A_111[%mul3A_2] : memref<160000xi32, #tpu.memory_space<hbm>> -> memref<5024xi32, #tpu.memory_space<hbm>>
        %dma_start3A_113 = arith.constant 0 : i32
        %dma_start3A_114 = tpu.memref_slice %arg8[%cond3A_23, %dma_start3A_113] : memref<2x160000xi32, #tpu.memory_space<hbm>> -> memref<1x160000xi32, #tpu.memory_space<hbm>>
        %dma_start3A_115 = tpu.memref_squeeze %dma_start3A_114 : memref<1x160000xi32, #tpu.memory_space<hbm>> -> memref<160000xi32, #tpu.memory_space<hbm>>
        %dma_start3A_116 = tpu.memref_slice %dma_start3A_115[%mul3A_2] : memref<160000xi32, #tpu.memory_space<hbm>> -> memref<5024xi32, #tpu.memory_space<hbm>>
        tpu.enqueue_dma source(%dma_start3A_116 : memref<5024xi32, #tpu.memory_space<hbm>>) target(%arg20 : memref<5024xi32, #tpu.memory_space<vmem>>) target_semaphore(%run_scoped3A : memref<!tpu.dma_semaphore, #tpu.memory_space<semaphore_mem>>)
        %dma_wait3A = arith.constant 0 : i32
        %dma_wait3A_117 = tpu.memref_slice %arg8[%cond3A_23, %dma_wait3A] : memref<2x160000xi32, #tpu.memory_space<hbm>> -> memref<1x160000xi32, #tpu.memory_space<hbm>>
        %dma_wait3A_118 = tpu.memref_squeeze %dma_wait3A_117 : memref<1x160000xi32, #tpu.memory_space<hbm>> -> memref<160000xi32, #tpu.memory_space<hbm>>
        %dma_wait3A_119 = tpu.memref_slice %dma_wait3A_118[%mul3A_2] : memref<160000xi32, #tpu.memory_space<hbm>> -> memref<5024xi32, #tpu.memory_space<hbm>>
        %dma_wait3A_120 = arith.constant 0 : i32
        %dma_wait3A_121 = tpu.memref_slice %arg8[%cond3A_23, %dma_wait3A_120] : memref<2x160000xi32, #tpu.memory_space<hbm>> -> memref<1x160000xi32, #tpu.memory_space<hbm>>
        %dma_wait3A_122 = tpu.memref_squeeze %dma_wait3A_121 : memref<1x160000xi32, #tpu.memory_space<hbm>> -> memref<160000xi32, #tpu.memory_space<hbm>>
        %dma_wait3A_123 = tpu.memref_slice %dma_wait3A_122[%mul3A_2] : memref<160000xi32, #tpu.memory_space<hbm>> -> memref<5024xi32, #tpu.memory_space<hbm>>
        tpu.wait_dma2 semaphore(%run_scoped3A : memref<!tpu.dma_semaphore, #tpu.memory_space<semaphore_mem>>) src(%dma_wait3A_123 : memref<5024xi32, #tpu.memory_space<hbm>>) dst(%arg20 : memref<5024xi32, #tpu.memory_space<vmem>>)
        tpu.yield
      }) : () -> ()
    } else {
    }
    %eq3A_26 = arith.constant 31 : i32
    %eq3A_27 = arith.cmpi eq, %add3A, %eq3A_26 : i32
    %convert_element_type3A_28 = arith.extui %eq3A_27 : i1 to i32
    %cond3A_29 = arith.constant 1 : i32
    %cond3A_30 = arith.constant 0 : i32
    %cond3A_31 = arith.cmpi ne, %convert_element_type3A_28, %cond3A_30 : i32
    scf.if %cond3A_31 {
      "tpu.region"() ({
        %run_scoped3A = tpu.sem_alloc : memref<!tpu.dma_semaphore, #tpu.memory_space<semaphore_mem>>
        %dma_start3A_116 = arith.constant 0 : i32
        %dma_start3A_117 = tpu.memref_slice %arg20[%dma_start3A_116] : memref<5024xi32, #tpu.memory_space<vmem>> -> memref<4256xi32, #tpu.memory_space<vmem>>
        %dma_start3A_118 = arith.constant 0 : i32
        %dma_start3A_119 = tpu.memref_slice %arg8[%cond3A_29, %dma_start3A_118] : memref<2x160000xi32, #tpu.memory_space<hbm>> -> memref<1x160000xi32, #tpu.memory_space<hbm>>
        %dma_start3A_120 = tpu.memref_squeeze %dma_start3A_119 : memref<1x160000xi32, #tpu.memory_space<hbm>> -> memref<160000xi32, #tpu.memory_space<hbm>>
        %dma_start3A_121 = arith.constant 155744 : i32
        %dma_start3A_122 = tpu.memref_slice %dma_start3A_120[%dma_start3A_121] : memref<160000xi32, #tpu.memory_space<hbm>> -> memref<4256xi32, #tpu.memory_space<hbm>>
        %dma_start3A_123 = arith.constant 0 : i32
        %dma_start3A_124 = tpu.memref_slice %arg20[%dma_start3A_123] : memref<5024xi32, #tpu.memory_space<vmem>> -> memref<4256xi32, #tpu.memory_space<vmem>>
        %dma_start3A_125 = arith.constant 0 : i32
        %dma_start3A_126 = tpu.memref_slice %arg8[%cond3A_29, %dma_start3A_125] : memref<2x160000xi32, #tpu.memory_space<hbm>> -> memref<1x160000xi32, #tpu.memory_space<hbm>>
        %dma_start3A_127 = tpu.memref_squeeze %dma_start3A_126 : memref<1x160000xi32, #tpu.memory_space<hbm>> -> memref<160000xi32, #tpu.memory_space<hbm>>
        %dma_start3A_128 = arith.constant 155744 : i32
        %dma_start3A_129 = tpu.memref_slice %dma_start3A_127[%dma_start3A_128] : memref<160000xi32, #tpu.memory_space<hbm>> -> memref<4256xi32, #tpu.memory_space<hbm>>
        tpu.enqueue_dma source(%dma_start3A_129 : memref<4256xi32, #tpu.memory_space<hbm>>) target(%dma_start3A_124 : memref<4256xi32, #tpu.memory_space<vmem>>) target_semaphore(%run_scoped3A : memref<!tpu.dma_semaphore, #tpu.memory_space<semaphore_mem>>)
        %dma_wait3A = arith.constant 0 : i32
        %dma_wait3A_130 = tpu.memref_slice %arg20[%dma_wait3A] : memref<5024xi32, #tpu.memory_space<vmem>> -> memref<4256xi32, #tpu.memory_space<vmem>>
        %dma_wait3A_131 = arith.constant 0 : i32
        %dma_wait3A_132 = tpu.memref_slice %arg8[%cond3A_29, %dma_wait3A_131] : memref<2x160000xi32, #tpu.memory_space<hbm>> -> memref<1x160000xi32, #tpu.memory_space<hbm>>
        %dma_wait3A_133 = tpu.memref_squeeze %dma_wait3A_132 : memref<1x160000xi32, #tpu.memory_space<hbm>> -> memref<160000xi32, #tpu.memory_space<hbm>>
        %dma_wait3A_134 = arith.constant 155744 : i32
        %dma_wait3A_135 = tpu.memref_slice %dma_wait3A_133[%dma_wait3A_134] : memref<160000xi32, #tpu.memory_space<hbm>> -> memref<4256xi32, #tpu.memory_space<hbm>>
        %dma_wait3A_136 = arith.constant 0 : i32
        %dma_wait3A_137 = tpu.memref_slice %arg20[%dma_wait3A_136] : memref<5024xi32, #tpu.memory_space<vmem>> -> memref<4256xi32, #tpu.memory_space<vmem>>
        %dma_wait3A_138 = arith.constant 0 : i32
        %dma_wait3A_139 = tpu.memref_slice %arg8[%cond3A_29, %dma_wait3A_138] : memref<2x160000xi32, #tpu.memory_space<hbm>> -> memref<1x160000xi32, #tpu.memory_space<hbm>>
        %dma_wait3A_140 = tpu.memref_squeeze %dma_wait3A_139 : memref<1x160000xi32, #tpu.memory_space<hbm>> -> memref<160000xi32, #tpu.memory_space<hbm>>
        %dma_wait3A_141 = arith.constant 155744 : i32
        %dma_wait3A_142 = tpu.memref_slice %dma_wait3A_140[%dma_wait3A_141] : memref<160000xi32, #tpu.memory_space<hbm>> -> memref<4256xi32, #tpu.memory_space<hbm>>
        tpu.wait_dma2 semaphore(%run_scoped3A : memref<!tpu.dma_semaphore, #tpu.memory_space<semaphore_mem>>) src(%dma_wait3A_142 : memref<4256xi32, #tpu.memory_space<hbm>>) dst(%dma_wait3A_137 : memref<4256xi32, #tpu.memory_space<vmem>>)
        tpu.yield
      }) : () -> ()
      %scan3A_109 = arith.constant 0 : i32
      %scan3A_110 = arith.constant 0 : i32
      %scan3A_111 = arith.constant 48 : i32
      %scan3A_112 = arith.addi %scan3A_110, %scan3A_111 : i32
      %scan3A_113 = arith.constant 1 : i32
      %scan3A_114 = scf.for %scan3A_116 = %scan3A_110 to %scan3A_112 step %scan3A_113 iter_args(%scan3A_117 = %scan3A_109) -> (i32)  : i32 {
        %mul3A_118 = arith.constant 16 : i32
        %mul3A_119 = arith.muli %scan3A_116, %mul3A_118 : i32
        %add3A_120 = arith.constant 4256 : i32
        %add3A_121 = arith.addi %add3A_120, %mul3A_119 : i32
        %swap3A = arith.index_cast %add3A_121 : i32 to index
        %swap3A_122 = tpu.vector_load %arg20[%swap3A] {strides = array<i32>} : memref<5024xi32, #tpu.memory_space<vmem>>, vector<16xi32>,
        tpu.vector_store %arg20[%swap3A], %broadcast_in_dim3A_11 {strides = array<i32>} : memref<5024xi32, #tpu.memory_space<vmem>>, vector<16xi32>,
        %scan3A_123 = arith.constant 0 : i32
        scf.yield %scan3A_123 : i32
      }
      %scan3A_115 = arith.constant 48 : i32
    } else {
    }
    %dma_start3A = arith.constant 0 : i32
    %dma_start3A_32 = tpu.memref_slice %arg19[%dma_start3A] : memref<5024xi32, #tpu.memory_space<vmem>> -> memref<16xi32, #tpu.memory_space<vmem>>
    %dma_start3A_33 = arith.constant 0 : i32
    %dma_start3A_34 = arith.constant 0 : i32
    %dma_start3A_35 = tpu.memref_slice %arg2[%dma_start3A_33, %dma_start3A_34] : memref<10000x1024xbf16, #tpu.memory_space<hbm>> -> memref<10000x1024xbf16, #tpu.memory_space<hbm>>
    tpu.enqueue_indirect_dma source(%dma_start3A_35 : memref<10000x1024xbf16, #tpu.memory_space<hbm>>) target(%arg11 : memref<16x1024xbf16, #tpu.memory_space<vmem>>) offsets(%dma_start3A_32 : memref<16xi32, #tpu.memory_space<vmem>>) semaphore(%arg22 : memref<!tpu.dma_semaphore, #tpu.memory_space<semaphore_mem>>)
    %dma_start3A_36 = arith.constant 0 : i32
    %dma_start3A_37 = tpu.memref_slice %arg20[%dma_start3A_36] : memref<5024xi32, #tpu.memory_space<vmem>> -> memref<16xi32, #tpu.memory_space<vmem>>
    %dma_start3A_38 = arith.constant 0 : i32
    %dma_start3A_39 = arith.constant 0 : i32
    %dma_start3A_40 = tpu.memref_slice %arg4[%dma_start3A_38, %dma_start3A_39] : memref<10000x1024xbf16, #tpu.memory_space<hbm>> -> memref<10000x1024xbf16, #tpu.memory_space<hbm>>
    tpu.enqueue_indirect_dma source(%dma_start3A_40 : memref<10000x1024xbf16, #tpu.memory_space<hbm>>) target(%arg13 : memref<16x1024xbf16, #tpu.memory_space<vmem>>) offsets(%dma_start3A_37 : memref<16xi32, #tpu.memory_space<vmem>>) semaphore(%arg22 : memref<!tpu.dma_semaphore, #tpu.memory_space<semaphore_mem>>)
    %dma_start3A_41 = arith.constant 0 : i32
    %dma_start3A_42 = tpu.memref_slice %arg19[%dma_start3A_41] : memref<5024xi32, #tpu.memory_space<vmem>> -> memref<16xi32, #tpu.memory_space<vmem>>
    %dma_start3A_43 = arith.constant 0 : i32
    %dma_start3A_44 = arith.constant 0 : i32
    %dma_start3A_45 = tpu.memref_slice %arg3[%dma_start3A_43, %dma_start3A_44] : memref<10000x1024xbf16, #tpu.memory_space<hbm>> -> memref<10000x1024xbf16, #tpu.memory_space<hbm>>
    tpu.enqueue_indirect_dma source(%dma_start3A_45 : memref<10000x1024xbf16, #tpu.memory_space<hbm>>) target(%arg12 : memref<16x1024xbf16, #tpu.memory_space<vmem>>) offsets(%dma_start3A_42 : memref<16xi32, #tpu.memory_space<vmem>>) semaphore(%arg23 : memref<!tpu.dma_semaphore, #tpu.memory_space<semaphore_mem>>)
    %dma_start3A_46 = arith.constant 0 : i32
    %dma_start3A_47 = tpu.memref_slice %arg20[%dma_start3A_46] : memref<5024xi32, #tpu.memory_space<vmem>> -> memref<16xi32, #tpu.memory_space<vmem>>
    %dma_start3A_48 = arith.constant 0 : i32
    %dma_start3A_49 = arith.constant 0 : i32
    %dma_start3A_50 = tpu.memref_slice %arg5[%dma_start3A_48, %dma_start3A_49] : memref<10000x1024xbf16, #tpu.memory_space<hbm>> -> memref<10000x1024xbf16, #tpu.memory_space<hbm>>
    tpu.enqueue_indirect_dma source(%dma_start3A_50 : memref<10000x1024xbf16, #tpu.memory_space<hbm>>) target(%arg14 : memref<16x1024xbf16, #tpu.memory_space<vmem>>) offsets(%dma_start3A_47 : memref<16xi32, #tpu.memory_space<vmem>>) semaphore(%arg23 : memref<!tpu.dma_semaphore, #tpu.memory_space<semaphore_mem>>)
    %scan3A_51 = arith.constant 0 : i32
    %scan3A_52 = arith.constant 0 : i32
    %scan3A_53 = arith.constant 314 : i32
    %scan3A_54 = arith.addi %scan3A_52, %scan3A_53 : i32
    %scan3A_55 = arith.constant 1 : i32
    %scan3A_56 = scf.for %scan3A_109 = %scan3A_52 to %scan3A_54 step %scan3A_55 iter_args(%scan3A_110 = %scan3A_51) -> (i32)  : i32 {
      %mul3A_111 = arith.constant 16 : i32
      %mul3A_112 = arith.muli %scan3A_109, %mul3A_111 : i32
      %mul3A_113 = arith.constant 16 : i32
      %mul3A_114 = arith.muli %scan3A_109, %mul3A_113 : i32
      %dma_wait3A = tpu.memref_slice %arg19[%mul3A_112] : memref<5024xi32, #tpu.memory_space<vmem>> -> memref<16xi32, #tpu.memory_space<vmem>>
      %dma_wait3A_115 = arith.constant 0 : i32
      %dma_wait3A_116 = arith.constant 0 : i32
      %dma_wait3A_117 = tpu.memref_slice %arg2[%dma_wait3A_115, %dma_wait3A_116] : memref<10000x1024xbf16, #tpu.memory_space<hbm>> -> memref<10000x1024xbf16, #tpu.memory_space<hbm>>
      tpu.wait_indirect_dma semaphore(%arg22 : memref<!tpu.dma_semaphore, #tpu.memory_space<semaphore_mem>>) src(%dma_wait3A_117 : memref<10000x1024xbf16, #tpu.memory_space<hbm>>) dst(%arg11 : memref<16x1024xbf16, #tpu.memory_space<vmem>>)
      %dma_wait3A_118 = tpu.memref_slice %arg20[%mul3A_114] : memref<5024xi32, #tpu.memory_space<vmem>> -> memref<16xi32, #tpu.memory_space<vmem>>
      %dma_wait3A_119 = arith.constant 0 : i32
      %dma_wait3A_120 = arith.constant 0 : i32
      %dma_wait3A_121 = tpu.memref_slice %arg4[%dma_wait3A_119, %dma_wait3A_120] : memref<10000x1024xbf16, #tpu.memory_space<hbm>> -> memref<10000x1024xbf16, #tpu.memory_space<hbm>>
      tpu.wait_indirect_dma semaphore(%arg22 : memref<!tpu.dma_semaphore, #tpu.memory_space<semaphore_mem>>) src(%dma_wait3A_121 : memref<10000x1024xbf16, #tpu.memory_space<hbm>>) dst(%arg13 : memref<16x1024xbf16, #tpu.memory_space<vmem>>)
      %iota3A_122 = tpu.iota {dimensions = array<i32: 0>} : vector<16xi32>
      %broadcast_in_dim3A_123 = arith.constant 0.000000e+00 : f32
      %broadcast_in_dim3A_124 = vector.broadcast %broadcast_in_dim3A_123 : f32 to vector<16xf32>
      %broadcast_in_dim3A_125 = arith.constant 0.000000e+00 : bf16
      %broadcast_in_dim3A_126 = vector.broadcast %broadcast_in_dim3A_125 : bf16 to vector<32xbf16>
      %scan3A_127 = arith.constant 0 : i32
      %scan3A_128 = arith.constant 16 : i32
      %scan3A_129 = arith.addi %scan3A_127, %scan3A_128 : i32
      %scan3A_130 = arith.constant 1 : i32
      %scan3A_131 = scf.for %scan3A_184 = %scan3A_127 to %scan3A_129 step %scan3A_130 iter_args(%scan3A_185 = %broadcast_in_dim3A_124) -> (vector<16xf32>)  : i32 {
        %get3A_186 = arith.index_cast %scan3A_184 : i32 to index
        %get3A_187 = arith.constant 0 : index
        %get3A_188 = tpu.vector_load %arg11[%get3A_186, %get3A_187] {strides = array<i32>} : memref<16x1024xbf16, #tpu.memory_space<vmem>>, vector<32xbf16>,
        %get3A_189 = arith.index_cast %scan3A_184 : i32 to index
        %get3A_190 = arith.constant 0 : index
        %get3A_191 = tpu.vector_load %arg13[%get3A_189, %get3A_190] {strides = array<i32>} : memref<16x1024xbf16, #tpu.memory_space<vmem>>, vector<32xbf16>,
        %mul3A_192 = arith.mulf %get3A_188, %get3A_191 : vector<32xbf16>
        %add3A_193 = arith.addf %broadcast_in_dim3A_126, %mul3A_192 : vector<32xbf16>
        %get3A_194 = arith.index_cast %scan3A_184 : i32 to index
        %get3A_195 = arith.constant 32 : index
        %get3A_196 = tpu.vector_load %arg11[%get3A_194, %get3A_195] {strides = array<i32>} : memref<16x1024xbf16, #tpu.memory_space<vmem>>, vector<32xbf16>,
        %get3A_197 = arith.index_cast %scan3A_184 : i32 to index
        %get3A_198 = arith.constant 32 : index
        %get3A_199 = tpu.vector_load %arg13[%get3A_197, %get3A_198] {strides = array<i32>} : memref<16x1024xbf16, #tpu.memory_space<vmem>>, vector<32xbf16>,
        %mul3A_200 = arith.mulf %get3A_196, %get3A_199 : vector<32xbf16>
        %add3A_201 = arith.addf %broadcast_in_dim3A_126, %mul3A_200 : vector<32xbf16>
        %get3A_202 = arith.index_cast %scan3A_184 : i32 to index
        %get3A_203 = arith.constant 64 : index
        %get3A_204 = tpu.vector_load %arg11[%get3A_202, %get3A_203] {strides = array<i32>} : memref<16x1024xbf16, #tpu.memory_space<vmem>>, vector<32xbf16>,
        %get3A_205 = arith.index_cast %scan3A_184 : i32 to index
        %get3A_206 = arith.constant 64 : index
        %get3A_207 = tpu.vector_load %arg13[%get3A_205, %get3A_206] {strides = array<i32>} : memref<16x1024xbf16, #tpu.memory_space<vmem>>, vector<32xbf16>,
        %mul3A_208 = arith.mulf %get3A_204, %get3A_207 : vector<32xbf16>
        %add3A_209 = arith.addf %add3A_193, %mul3A_208 : vector<32xbf16>
        %get3A_210 = arith.index_cast %scan3A_184 : i32 to index
        %get3A_211 = arith.constant 96 : index
        %get3A_212 = tpu.vector_load %arg11[%get3A_210, %get3A_211] {strides = array<i32>} : memref<16x1024xbf16, #tpu.memory_space<vmem>>, vector<32xbf16>,
        %get3A_213 = arith.index_cast %scan3A_184 : i32 to index
        %get3A_214 = arith.constant 96 : index
        %get3A_215 = tpu.vector_load %arg13[%get3A_213, %get3A_214] {strides = array<i32>} : memref<16x1024xbf16, #tpu.memory_space<vmem>>, vector<32xbf16>,
        %mul3A_216 = arith.mulf %get3A_212, %get3A_215 : vector<32xbf16>
        %add3A_217 = arith.addf %add3A_201, %mul3A_216 : vector<32xbf16>
        %get3A_218 = arith.index_cast %scan3A_184 : i32 to index
        %get3A_219 = arith.constant 128 : index
        %get3A_220 = tpu.vector_load %arg11[%get3A_218, %get3A_219] {strides = array<i32>} : memref<16x1024xbf16, #tpu.memory_space<vmem>>, vector<32xbf16>,
        %get3A_221 = arith.index_cast %scan3A_184 : i32 to index
        %get3A_222 = arith.constant 128 : index
        %get3A_223 = tpu.vector_load %arg13[%get3A_221, %get3A_222] {strides = array<i32>} : memref<16x1024xbf16, #tpu.memory_space<vmem>>, vector<32xbf16>,
        %mul3A_224 = arith.mulf %get3A_220, %get3A_223 : vector<32xbf16>
        %add3A_225 = arith.addf %add3A_209, %mul3A_224 : vector<32xbf16>
        %get3A_226 = arith.index_cast %scan3A_184 : i32 to index
        %get3A_227 = arith.constant 160 : index
        %get3A_228 = tpu.vector_load %arg11[%get3A_226, %get3A_227] {strides = array<i32>} : memref<16x1024xbf16, #tpu.memory_space<vmem>>, vector<32xbf16>,
        %get3A_229 = arith.index_cast %scan3A_184 : i32 to index
        %get3A_230 = arith.constant 160 : index
        %get3A_231 = tpu.vector_load %arg13[%get3A_229, %get3A_230] {strides = array<i32>} : memref<16x1024xbf16, #tpu.memory_space<vmem>>, vector<32xbf16>,
        %mul3A_232 = arith.mulf %get3A_228, %get3A_231 : vector<32xbf16>
        %add3A_233 = arith.addf %add3A_217, %mul3A_232 : vector<32xbf16>
        %get3A_234 = arith.index_cast %scan3A_184 : i32 to index
        %get3A_235 = arith.constant 192 : index
        %get3A_236 = tpu.vector_load %arg11[%get3A_234, %get3A_235] {strides = array<i32>} : memref<16x1024xbf16, #tpu.memory_space<vmem>>, vector<32xbf16>,
        %get3A_237 = arith.index_cast %scan3A_184 : i32 to index
        %get3A_238 = arith.constant 192 : index
        %get3A_239 = tpu.vector_load %arg13[%get3A_237, %get3A_238] {strides = array<i32>} : memref<16x1024xbf16, #tpu.memory_space<vmem>>, vector<32xbf16>,
        %mul3A_240 = arith.mulf %get3A_236, %get3A_239 : vector<32xbf16>
        %add3A_241 = arith.addf %add3A_225, %mul3A_240 : vector<32xbf16>
        %get3A_242 = arith.index_cast %scan3A_184 : i32 to index
        %get3A_243 = arith.constant 224 : index
        %get3A_244 = tpu.vector_load %arg11[%get3A_242, %get3A_243] {strides = array<i32>} : memref<16x1024xbf16, #tpu.memory_space<vmem>>, vector<32xbf16>,
        %get3A_245 = arith.index_cast %scan3A_184 : i32 to index
        %get3A_246 = arith.constant 224 : index
        %get3A_247 = tpu.vector_load %arg13[%get3A_245, %get3A_246] {strides = array<i32>} : memref<16x1024xbf16, #tpu.memory_space<vmem>>, vector<32xbf16>,
        %mul3A_248 = arith.mulf %get3A_244, %get3A_247 : vector<32xbf16>
        %add3A_249 = arith.addf %add3A_233, %mul3A_248 : vector<32xbf16>
        %unpack3A = tpu.unpack_subelements %add3A_241, 0 {pack_format = #tpu.pack_format<interleaved>} : vector<32xbf16> -> vector<16xf32>
        %unpack3A_250 = tpu.unpack_subelements %add3A_241, 1 {pack_format = #tpu.pack_format<interleaved>} : vector<32xbf16> -> vector<16xf32>
        %add3A_251 = arith.addf %broadcast_in_dim3A_124, %unpack3A : vector<16xf32>
        %add3A_252 = arith.addf %broadcast_in_dim3A_124, %unpack3A_250 : vector<16xf32>
        %unpack3A_253 = tpu.unpack_subelements %add3A_249, 0 {pack_format = #tpu.pack_format<interleaved>} : vector<32xbf16> -> vector<16xf32>
        %unpack3A_254 = tpu.unpack_subelements %add3A_249, 1 {pack_format = #tpu.pack_format<interleaved>} : vector<32xbf16> -> vector<16xf32>
        %add3A_255 = arith.addf %add3A_251, %unpack3A_253 : vector<16xf32>
        %add3A_256 = arith.addf %add3A_252, %unpack3A_254 : vector<16xf32>
        %get3A_257 = arith.index_cast %scan3A_184 : i32 to index
        %get3A_258 = arith.constant 256 : index
        %get3A_259 = tpu.vector_load %arg11[%get3A_257, %get3A_258] {strides = array<i32>} : memref<16x1024xbf16, #tpu.memory_space<vmem>>, vector<32xbf16>,
        %get3A_260 = arith.index_cast %scan3A_184 : i32 to index
        %get3A_261 = arith.constant 256 : index
        %get3A_262 = tpu.vector_load %arg13[%get3A_260, %get3A_261] {strides = array<i32>} : memref<16x1024xbf16, #tpu.memory_space<vmem>>, vector<32xbf16>,
        %mul3A_263 = arith.mulf %get3A_259, %get3A_262 : vector<32xbf16>
        %add3A_264 = arith.addf %broadcast_in_dim3A_126, %mul3A_263 : vector<32xbf16>
        %get3A_265 = arith.index_cast %scan3A_184 : i32 to index
        %get3A_266 = arith.constant 288 : index
        %get3A_267 = tpu.vector_load %arg11[%get3A_265, %get3A_266] {strides = array<i32>} : memref<16x1024xbf16, #tpu.memory_space<vmem>>, vector<32xbf16>,
        %get3A_268 = arith.index_cast %scan3A_184 : i32 to index
        %get3A_269 = arith.constant 288 : index
        %get3A_270 = tpu.vector_load %arg13[%get3A_268, %get3A_269] {strides = array<i32>} : memref<16x1024xbf16, #tpu.memory_space<vmem>>, vector<32xbf16>,
        %mul3A_271 = arith.mulf %get3A_267, %get3A_270 : vector<32xbf16>
        %add3A_272 = arith.addf %broadcast_in_dim3A_126, %mul3A_271 : vector<32xbf16>
        %get3A_273 = arith.index_cast %scan3A_184 : i32 to index
        %get3A_274 = arith.constant 320 : index
        %get3A_275 = tpu.vector_load %arg11[%get3A_273, %get3A_274] {strides = array<i32>} : memref<16x1024xbf16, #tpu.memory_space<vmem>>, vector<32xbf16>,
        %get3A_276 = arith.index_cast %scan3A_184 : i32 to index
        %get3A_277 = arith.constant 320 : index
        %get3A_278 = tpu.vector_load %arg13[%get3A_276, %get3A_277] {strides = array<i32>} : memref<16x1024xbf16, #tpu.memory_space<vmem>>, vector<32xbf16>,
        %mul3A_279 = arith.mulf %get3A_275, %get3A_278 : vector<32xbf16>
        %add3A_280 = arith.addf %add3A_264, %mul3A_279 : vector<32xbf16>
        %get3A_281 = arith.index_cast %scan3A_184 : i32 to index
        %get3A_282 = arith.constant 352 : index
        %get3A_283 = tpu.vector_load %arg11[%get3A_281, %get3A_282] {strides = array<i32>} : memref<16x1024xbf16, #tpu.memory_space<vmem>>, vector<32xbf16>,
        %get3A_284 = arith.index_cast %scan3A_184 : i32 to index
        %get3A_285 = arith.constant 352 : index
        %get3A_286 = tpu.vector_load %arg13[%get3A_284, %get3A_285] {strides = array<i32>} : memref<16x1024xbf16, #tpu.memory_space<vmem>>, vector<32xbf16>,
        %mul3A_287 = arith.mulf %get3A_283, %get3A_286 : vector<32xbf16>
        %add3A_288 = arith.addf %add3A_272, %mul3A_287 : vector<32xbf16>
        %get3A_289 = arith.index_cast %scan3A_184 : i32 to index
        %get3A_290 = arith.constant 384 : index
        %get3A_291 = tpu.vector_load %arg11[%get3A_289, %get3A_290] {strides = array<i32>} : memref<16x1024xbf16, #tpu.memory_space<vmem>>, vector<32xbf16>,
        %get3A_292 = arith.index_cast %scan3A_184 : i32 to index
        %get3A_293 = arith.constant 384 : index
        %get3A_294 = tpu.vector_load %arg13[%get3A_292, %get3A_293] {strides = array<i32>} : memref<16x1024xbf16, #tpu.memory_space<vmem>>, vector<32xbf16>,
        %mul3A_295 = arith.mulf %get3A_291, %get3A_294 : vector<32xbf16>
        %add3A_296 = arith.addf %add3A_280, %mul3A_295 : vector<32xbf16>
        %get3A_297 = arith.index_cast %scan3A_184 : i32 to index
        %get3A_298 = arith.constant 416 : index
        %get3A_299 = tpu.vector_load %arg11[%get3A_297, %get3A_298] {strides = array<i32>} : memref<16x1024xbf16, #tpu.memory_space<vmem>>, vector<32xbf16>,
        %get3A_300 = arith.index_cast %scan3A_184 : i32 to index
        %get3A_301 = arith.constant 416 : index
        %get3A_302 = tpu.vector_load %arg13[%get3A_300, %get3A_301] {strides = array<i32>} : memref<16x1024xbf16, #tpu.memory_space<vmem>>, vector<32xbf16>,
        %mul3A_303 = arith.mulf %get3A_299, %get3A_302 : vector<32xbf16>
        %add3A_304 = arith.addf %add3A_288, %mul3A_303 : vector<32xbf16>
        %get3A_305 = arith.index_cast %scan3A_184 : i32 to index
        %get3A_306 = arith.constant 448 : index
        %get3A_307 = tpu.vector_load %arg11[%get3A_305, %get3A_306] {strides = array<i32>} : memref<16x1024xbf16, #tpu.memory_space<vmem>>, vector<32xbf16>,
        %get3A_308 = arith.index_cast %scan3A_184 : i32 to index
        %get3A_309 = arith.constant 448 : index
        %get3A_310 = tpu.vector_load %arg13[%get3A_308, %get3A_309] {strides = array<i32>} : memref<16x1024xbf16, #tpu.memory_space<vmem>>, vector<32xbf16>,
        %mul3A_311 = arith.mulf %get3A_307, %get3A_310 : vector<32xbf16>
        %add3A_312 = arith.addf %add3A_296, %mul3A_311 : vector<32xbf16>
        %get3A_313 = arith.index_cast %scan3A_184 : i32 to index
        %get3A_314 = arith.constant 480 : index
        %get3A_315 = tpu.vector_load %arg11[%get3A_313, %get3A_314] {strides = array<i32>} : memref<16x1024xbf16, #tpu.memory_space<vmem>>, vector<32xbf16>,
        %get3A_316 = arith.index_cast %scan3A_184 : i32 to index
        %get3A_317 = arith.constant 480 : index
        %get3A_318 = tpu.vector_load %arg13[%get3A_316, %get3A_317] {strides = array<i32>} : memref<16x1024xbf16, #tpu.memory_space<vmem>>, vector<32xbf16>,
        %mul3A_319 = arith.mulf %get3A_315, %get3A_318 : vector<32xbf16>
        %add3A_320 = arith.addf %add3A_304, %mul3A_319 : vector<32xbf16>
        %unpack3A_321 = tpu.unpack_subelements %add3A_312, 0 {pack_format = #tpu.pack_format<interleaved>} : vector<32xbf16> -> vector<16xf32>
        %unpack3A_322 = tpu.unpack_subelements %add3A_312, 1 {pack_format = #tpu.pack_format<interleaved>} : vector<32xbf16> -> vector<16xf32>
        %add3A_323 = arith.addf %add3A_255, %unpack3A_321 : vector<16xf32>
        %add3A_324 = arith.addf %add3A_256, %unpack3A_322 : vector<16xf32>
        %unpack3A_325 = tpu.unpack_subelements %add3A_320, 0 {pack_format = #tpu.pack_format<interleaved>} : vector<32xbf16> -> vector<16xf32>
        %unpack3A_326 = tpu.unpack_subelements %add3A_320, 1 {pack_format = #tpu.pack_format<interleaved>} : vector<32xbf16> -> vector<16xf32>
        %add3A_327 = arith.addf %add3A_323, %unpack3A_325 : vector<16xf32>
        %add3A_328 = arith.addf %add3A_324, %unpack3A_326 : vector<16xf32>
        %get3A_329 = arith.index_cast %scan3A_184 : i32 to index
        %get3A_330 = arith.constant 512 : index
        %get3A_331 = tpu.vector_load %arg11[%get3A_329, %get3A_330] {strides = array<i32>} : memref<16x1024xbf16, #tpu.memory_space<vmem>>, vector<32xbf16>,
        %get3A_332 = arith.index_cast %scan3A_184 : i32 to index
        %get3A_333 = arith.constant 512 : index
        %get3A_334 = tpu.vector_load %arg13[%get3A_332, %get3A_333] {strides = array<i32>} : memref<16x1024xbf16, #tpu.memory_space<vmem>>, vector<32xbf16>,
        %mul3A_335 = arith.mulf %get3A_331, %get3A_334 : vector<32xbf16>
        %add3A_336 = arith.addf %broadcast_in_dim3A_126, %mul3A_335 : vector<32xbf16>
        %get3A_337 = arith.index_cast %scan3A_184 : i32 to index
        %get3A_338 = arith.constant 544 : index
        %get3A_339 = tpu.vector_load %arg11[%get3A_337, %get3A_338] {strides = array<i32>} : memref<16x1024xbf16, #tpu.memory_space<vmem>>, vector<32xbf16>,
        %get3A_340 = arith.index_cast %scan3A_184 : i32 to index
        %get3A_341 = arith.constant 544 : index
        %get3A_342 = tpu.vector_load %arg13[%get3A_340, %get3A_341] {strides = array<i32>} : memref<16x1024xbf16, #tpu.memory_space<vmem>>, vector<32xbf16>,
        %mul3A_343 = arith.mulf %get3A_339, %get3A_342 : vector<32xbf16>
        %add3A_344 = arith.addf %broadcast_in_dim3A_126, %mul3A_343 : vector<32xbf16>
        %get3A_345 = arith.index_cast %scan3A_184 : i32 to index
        %get3A_346 = arith.constant 576 : index
        %get3A_347 = tpu.vector_load %arg11[%get3A_345, %get3A_346] {strides = array<i32>} : memref<16x1024xbf16, #tpu.memory_space<vmem>>, vector<32xbf16>,
        %get3A_348 = arith.index_cast %scan3A_184 : i32 to index
        %get3A_349 = arith.constant 576 : index
        %get3A_350 = tpu.vector_load %arg13[%get3A_348, %get3A_349] {strides = array<i32>} : memref<16x1024xbf16, #tpu.memory_space<vmem>>, vector<32xbf16>,
        %mul3A_351 = arith.mulf %get3A_347, %get3A_350 : vector<32xbf16>
        %add3A_352 = arith.addf %add3A_336, %mul3A_351 : vector<32xbf16>
        %get3A_353 = arith.index_cast %scan3A_184 : i32 to index
        %get3A_354 = arith.constant 608 : index
        %get3A_355 = tpu.vector_load %arg11[%get3A_353, %get3A_354] {strides = array<i32>} : memref<16x1024xbf16, #tpu.memory_space<vmem>>, vector<32xbf16>,
        %get3A_356 = arith.index_cast %scan3A_184 : i32 to index
        %get3A_357 = arith.constant 608 : index
        %get3A_358 = tpu.vector_load %arg13[%get3A_356, %get3A_357] {strides = array<i32>} : memref<16x1024xbf16, #tpu.memory_space<vmem>>, vector<32xbf16>,
        %mul3A_359 = arith.mulf %get3A_355, %get3A_358 : vector<32xbf16>
        %add3A_360 = arith.addf %add3A_344, %mul3A_359 : vector<32xbf16>
        %get3A_361 = arith.index_cast %scan3A_184 : i32 to index
        %get3A_362 = arith.constant 640 : index
        %get3A_363 = tpu.vector_load %arg11[%get3A_361, %get3A_362] {strides = array<i32>} : memref<16x1024xbf16, #tpu.memory_space<vmem>>, vector<32xbf16>,
        %get3A_364 = arith.index_cast %scan3A_184 : i32 to index
        %get3A_365 = arith.constant 640 : index
        %get3A_366 = tpu.vector_load %arg13[%get3A_364, %get3A_365] {strides = array<i32>} : memref<16x1024xbf16, #tpu.memory_space<vmem>>, vector<32xbf16>,
        %mul3A_367 = arith.mulf %get3A_363, %get3A_366 : vector<32xbf16>
        %add3A_368 = arith.addf %add3A_352, %mul3A_367 : vector<32xbf16>
        %get3A_369 = arith.index_cast %scan3A_184 : i32 to index
        %get3A_370 = arith.constant 672 : index
        %get3A_371 = tpu.vector_load %arg11[%get3A_369, %get3A_370] {strides = array<i32>} : memref<16x1024xbf16, #tpu.memory_space<vmem>>, vector<32xbf16>,
        %get3A_372 = arith.index_cast %scan3A_184 : i32 to index
        %get3A_373 = arith.constant 672 : index
        %get3A_374 = tpu.vector_load %arg13[%get3A_372, %get3A_373] {strides = array<i32>} : memref<16x1024xbf16, #tpu.memory_space<vmem>>, vector<32xbf16>,
        %mul3A_375 = arith.mulf %get3A_371, %get3A_374 : vector<32xbf16>
        %add3A_376 = arith.addf %add3A_360, %mul3A_375 : vector<32xbf16>
        %get3A_377 = arith.index_cast %scan3A_184 : i32 to index
        %get3A_378 = arith.constant 704 : index
        %get3A_379 = tpu.vector_load %arg11[%get3A_377, %get3A_378] {strides = array<i32>} : memref<16x1024xbf16, #tpu.memory_space<vmem>>, vector<32xbf16>,
        %get3A_380 = arith.index_cast %scan3A_184 : i32 to index
        %get3A_381 = arith.constant 704 : index
        %get3A_382 = tpu.vector_load %arg13[%get3A_380, %get3A_381] {strides = array<i32>} : memref<16x1024xbf16, #tpu.memory_space<vmem>>, vector<32xbf16>,
        %mul3A_383 = arith.mulf %get3A_379, %get3A_382 : vector<32xbf16>
        %add3A_384 = arith.addf %add3A_368, %mul3A_383 : vector<32xbf16>
        %get3A_385 = arith.index_cast %scan3A_184 : i32 to index
        %get3A_386 = arith.constant 736 : index
        %get3A_387 = tpu.vector_load %arg11[%get3A_385, %get3A_386] {strides = array<i32>} : memref<16x1024xbf16, #tpu.memory_space<vmem>>, vector<32xbf16>,
        %get3A_388 = arith.index_cast %scan3A_184 : i32 to index
        %get3A_389 = arith.constant 736 : index
        %get3A_390 = tpu.vector_load %arg13[%get3A_388, %get3A_389] {strides = array<i32>} : memref<16x1024xbf16, #tpu.memory_space<vmem>>, vector<32xbf16>,
        %mul3A_391 = arith.mulf %get3A_387, %get3A_390 : vector<32xbf16>
        %add3A_392 = arith.addf %add3A_376, %mul3A_391 : vector<32xbf16>
        %unpack3A_393 = tpu.unpack_subelements %add3A_384, 0 {pack_format = #tpu.pack_format<interleaved>} : vector<32xbf16> -> vector<16xf32>
        %unpack3A_394 = tpu.unpack_subelements %add3A_384, 1 {pack_format = #tpu.pack_format<interleaved>} : vector<32xbf16> -> vector<16xf32>
        %add3A_395 = arith.addf %add3A_327, %unpack3A_393 : vector<16xf32>
        %add3A_396 = arith.addf %add3A_328, %unpack3A_394 : vector<16xf32>
        %unpack3A_397 = tpu.unpack_subelements %add3A_392, 0 {pack_format = #tpu.pack_format<interleaved>} : vector<32xbf16> -> vector<16xf32>
        %unpack3A_398 = tpu.unpack_subelements %add3A_392, 1 {pack_format = #tpu.pack_format<interleaved>} : vector<32xbf16> -> vector<16xf32>
        %add3A_399 = arith.addf %add3A_395, %unpack3A_397 : vector<16xf32>
        %add3A_400 = arith.addf %add3A_396, %unpack3A_398 : vector<16xf32>
        %get3A_401 = arith.index_cast %scan3A_184 : i32 to index
        %get3A_402 = arith.constant 768 : index
        %get3A_403 = tpu.vector_load %arg11[%get3A_401, %get3A_402] {strides = array<i32>} : memref<16x1024xbf16, #tpu.memory_space<vmem>>, vector<32xbf16>,
        %get3A_404 = arith.index_cast %scan3A_184 : i32 to index
        %get3A_405 = arith.constant 768 : index
        %get3A_406 = tpu.vector_load %arg13[%get3A_404, %get3A_405] {strides = array<i32>} : memref<16x1024xbf16, #tpu.memory_space<vmem>>, vector<32xbf16>,
        %mul3A_407 = arith.mulf %get3A_403, %get3A_406 : vector<32xbf16>
        %add3A_408 = arith.addf %broadcast_in_dim3A_126, %mul3A_407 : vector<32xbf16>
        %get3A_409 = arith.index_cast %scan3A_184 : i32 to index
        %get3A_410 = arith.constant 800 : index
        %get3A_411 = tpu.vector_load %arg11[%get3A_409, %get3A_410] {strides = array<i32>} : memref<16x1024xbf16, #tpu.memory_space<vmem>>, vector<32xbf16>,
        %get3A_412 = arith.index_cast %scan3A_184 : i32 to index
        %get3A_413 = arith.constant 800 : index
        %get3A_414 = tpu.vector_load %arg13[%get3A_412, %get3A_413] {strides = array<i32>} : memref<16x1024xbf16, #tpu.memory_space<vmem>>, vector<32xbf16>,
        %mul3A_415 = arith.mulf %get3A_411, %get3A_414 : vector<32xbf16>
        %add3A_416 = arith.addf %broadcast_in_dim3A_126, %mul3A_415 : vector<32xbf16>
        %get3A_417 = arith.index_cast %scan3A_184 : i32 to index
        %get3A_418 = arith.constant 832 : index
        %get3A_419 = tpu.vector_load %arg11[%get3A_417, %get3A_418] {strides = array<i32>} : memref<16x1024xbf16, #tpu.memory_space<vmem>>, vector<32xbf16>,
        %get3A_420 = arith.index_cast %scan3A_184 : i32 to index
        %get3A_421 = arith.constant 832 : index
        %get3A_422 = tpu.vector_load %arg13[%get3A_420, %get3A_421] {strides = array<i32>} : memref<16x1024xbf16, #tpu.memory_space<vmem>>, vector<32xbf16>,
        %mul3A_423 = arith.mulf %get3A_419, %get3A_422 : vector<32xbf16>
        %add3A_424 = arith.addf %add3A_408, %mul3A_423 : vector<32xbf16>
        %get3A_425 = arith.index_cast %scan3A_184 : i32 to index
        %get3A_426 = arith.constant 864 : index
        %get3A_427 = tpu.vector_load %arg11[%get3A_425, %get3A_426] {strides = array<i32>} : memref<16x1024xbf16, #tpu.memory_space<vmem>>, vector<32xbf16>,
        %get3A_428 = arith.index_cast %scan3A_184 : i32 to index
        %get3A_429 = arith.constant 864 : index
        %get3A_430 = tpu.vector_load %arg13[%get3A_428, %get3A_429] {strides = array<i32>} : memref<16x1024xbf16, #tpu.memory_space<vmem>>, vector<32xbf16>,
        %mul3A_431 = arith.mulf %get3A_427, %get3A_430 : vector<32xbf16>
        %add3A_432 = arith.addf %add3A_416, %mul3A_431 : vector<32xbf16>
        %get3A_433 = arith.index_cast %scan3A_184 : i32 to index
        %get3A_434 = arith.constant 896 : index
        %get3A_435 = tpu.vector_load %arg11[%get3A_433, %get3A_434] {strides = array<i32>} : memref<16x1024xbf16, #tpu.memory_space<vmem>>, vector<32xbf16>,
        %get3A_436 = arith.index_cast %scan3A_184 : i32 to index
        %get3A_437 = arith.constant 896 : index
        %get3A_438 = tpu.vector_load %arg13[%get3A_436, %get3A_437] {strides = array<i32>} : memref<16x1024xbf16, #tpu.memory_space<vmem>>, vector<32xbf16>,
        %mul3A_439 = arith.mulf %get3A_435, %get3A_438 : vector<32xbf16>
        %add3A_440 = arith.addf %add3A_424, %mul3A_439 : vector<32xbf16>
        %get3A_441 = arith.index_cast %scan3A_184 : i32 to index
        %get3A_442 = arith.constant 928 : index
        %get3A_443 = tpu.vector_load %arg11[%get3A_441, %get3A_442] {strides = array<i32>} : memref<16x1024xbf16, #tpu.memory_space<vmem>>, vector<32xbf16>,
        %get3A_444 = arith.index_cast %scan3A_184 : i32 to index
        %get3A_445 = arith.constant 928 : index
        %get3A_446 = tpu.vector_load %arg13[%get3A_444, %get3A_445] {strides = array<i32>} : memref<16x1024xbf16, #tpu.memory_space<vmem>>, vector<32xbf16>,
        %mul3A_447 = arith.mulf %get3A_443, %get3A_446 : vector<32xbf16>
        %add3A_448 = arith.addf %add3A_432, %mul3A_447 : vector<32xbf16>
        %get3A_449 = arith.index_cast %scan3A_184 : i32 to index
        %get3A_450 = arith.constant 960 : index
        %get3A_451 = tpu.vector_load %arg11[%get3A_449, %get3A_450] {strides = array<i32>} : memref<16x1024xbf16, #tpu.memory_space<vmem>>, vector<32xbf16>,
        %get3A_452 = arith.index_cast %scan3A_184 : i32 to index
        %get3A_453 = arith.constant 960 : index
        %get3A_454 = tpu.vector_load %arg13[%get3A_452, %get3A_453] {strides = array<i32>} : memref<16x1024xbf16, #tpu.memory_space<vmem>>, vector<32xbf16>,
        %mul3A_455 = arith.mulf %get3A_451, %get3A_454 : vector<32xbf16>
        %add3A_456 = arith.addf %add3A_440, %mul3A_455 : vector<32xbf16>
        %get3A_457 = arith.index_cast %scan3A_184 : i32 to index
        %get3A_458 = arith.constant 992 : index
        %get3A_459 = tpu.vector_load %arg11[%get3A_457, %get3A_458] {strides = array<i32>} : memref<16x1024xbf16, #tpu.memory_space<vmem>>, vector<32xbf16>,
        %get3A_460 = arith.index_cast %scan3A_184 : i32 to index
        %get3A_461 = arith.constant 992 : index
        %get3A_462 = tpu.vector_load %arg13[%get3A_460, %get3A_461] {strides = array<i32>} : memref<16x1024xbf16, #tpu.memory_space<vmem>>, vector<32xbf16>,
        %mul3A_463 = arith.mulf %get3A_459, %get3A_462 : vector<32xbf16>
        %add3A_464 = arith.addf %add3A_448, %mul3A_463 : vector<32xbf16>
        %unpack3A_465 = tpu.unpack_subelements %add3A_456, 0 {pack_format = #tpu.pack_format<interleaved>} : vector<32xbf16> -> vector<16xf32>
        %unpack3A_466 = tpu.unpack_subelements %add3A_456, 1 {pack_format = #tpu.pack_format<interleaved>} : vector<32xbf16> -> vector<16xf32>
        %add3A_467 = arith.addf %add3A_399, %unpack3A_465 : vector<16xf32>
        %add3A_468 = arith.addf %add3A_400, %unpack3A_466 : vector<16xf32>
        %unpack3A_469 = tpu.unpack_subelements %add3A_464, 0 {pack_format = #tpu.pack_format<interleaved>} : vector<32xbf16> -> vector<16xf32>
        %unpack3A_470 = tpu.unpack_subelements %add3A_464, 1 {pack_format = #tpu.pack_format<interleaved>} : vector<32xbf16> -> vector<16xf32>
        %add3A_471 = arith.addf %add3A_467, %unpack3A_469 : vector<16xf32>
        %add3A_472 = arith.addf %add3A_468, %unpack3A_470 : vector<16xf32>
        %add3A_473 = arith.addf %add3A_471, %add3A_472 : vector<16xf32>
        %xor3A = arith.constant 8 : i32
        %xor3A_474 = vector.broadcast %xor3A : i32 to vector<16xi32>
        %xor3A_475 = arith.xori %iota3A_122, %xor3A_474 : vector<16xi32>
        %broadcast_in_dim3A_476 = vector.shape_cast %xor3A_475 : vector<16xi32> to vector<16x1xi32>
        %gather3A = vector.shape_cast %broadcast_in_dim3A_476 : vector<16x1xi32> to vector<16xi32>
        %gather3A_477 = tpu.dynamic_gather %add3A_473[%gather3A] in [0] : vector<16xf32>, vector<16xi32> -> vector<16xf32>
        %add3A_478 = arith.addf %add3A_473, %gather3A_477 : vector<16xf32>
        %xor3A_479 = arith.constant 4 : i32
        %xor3A_480 = vector.broadcast %xor3A_479 : i32 to vector<16xi32>
        %xor3A_481 = arith.xori %iota3A_122, %xor3A_480 : vector<16xi32>
        %broadcast_in_dim3A_482 = vector.shape_cast %xor3A_481 : vector<16xi32> to vector<16x1xi32>
        %gather3A_483 = vector.shape_cast %broadcast_in_dim3A_482 : vector<16x1xi32> to vector<16xi32>
        %gather3A_484 = tpu.dynamic_gather %add3A_478[%gather3A_483] in [0] : vector<16xf32>, vector<16xi32> -> vector<16xf32>
        %add3A_485 = arith.addf %add3A_478, %gather3A_484 : vector<16xf32>
        %xor3A_486 = arith.constant 2 : i32
        %xor3A_487 = vector.broadcast %xor3A_486 : i32 to vector<16xi32>
        %xor3A_488 = arith.xori %iota3A_122, %xor3A_487 : vector<16xi32>
        %broadcast_in_dim3A_489 = vector.shape_cast %xor3A_488 : vector<16xi32> to vector<16x1xi32>
        %gather3A_490 = vector.shape_cast %broadcast_in_dim3A_489 : vector<16x1xi32> to vector<16xi32>
        %gather3A_491 = tpu.dynamic_gather %add3A_485[%gather3A_490] in [0] : vector<16xf32>, vector<16xi32> -> vector<16xf32>
        %add3A_492 = arith.addf %add3A_485, %gather3A_491 : vector<16xf32>
        %xor3A_493 = arith.constant 1 : i32
        %xor3A_494 = vector.broadcast %xor3A_493 : i32 to vector<16xi32>
        %xor3A_495 = arith.xori %iota3A_122, %xor3A_494 : vector<16xi32>
        %broadcast_in_dim3A_496 = vector.shape_cast %xor3A_495 : vector<16xi32> to vector<16x1xi32>
        %gather3A_497 = vector.shape_cast %broadcast_in_dim3A_496 : vector<16x1xi32> to vector<16xi32>
        %gather3A_498 = tpu.dynamic_gather %add3A_492[%gather3A_497] in [0] : vector<16xf32>, vector<16xi32> -> vector<16xf32>
        %add3A_499 = arith.addf %add3A_492, %gather3A_498 : vector<16xf32>
        %eq3A_500 = vector.broadcast %scan3A_184 : i32 to vector<16xi32>
        %eq3A_501 = arith.cmpi eq, %iota3A_122, %eq3A_500 : vector<16xi32>
        %select_n3A = arith.select %eq3A_501, %add3A_499, %scan3A_185 : vector<16xi1>, vector<16xf32>
        scf.yield %select_n3A : vector<16xf32>
      }
      %scan3A_132 = arith.constant 16 : i32
      %add3A_133 = arith.addf %scan3A_131, %broadcast_in_dim3A_3 : vector<16xf32>
      %add3A_134 = arith.constant 1 : i32
      %add3A_135 = arith.addi %scan3A_109, %add3A_134 : i32
      %lt3A_136 = arith.constant 314 : i32
      %lt3A_137 = arith.cmpi slt, %add3A_135, %lt3A_136 : i32
      %convert_element_type3A_138 = arith.extui %lt3A_137 : i1 to i32
      %cond3A_139 = arith.constant 0 : i32
      %cond3A_140 = arith.cmpi ne, %convert_element_type3A_138, %cond3A_139 : i32
      scf.if %cond3A_140 {
        %add3A_184 = arith.constant 1 : i32
        %add3A_185 = arith.addi %scan3A_109, %add3A_184 : i32
        %mul3A_186 = arith.constant 16 : i32
        %mul3A_187 = arith.muli %add3A_185, %mul3A_186 : i32
        %mul3A_188 = arith.constant 16 : i32
        %mul3A_189 = arith.muli %add3A_185, %mul3A_188 : i32
        %dma_start3A_190 = tpu.memref_slice %arg19[%mul3A_187] : memref<5024xi32, #tpu.memory_space<vmem>> -> memref<16xi32, #tpu.memory_space<vmem>>
        %dma_start3A_191 = arith.constant 0 : i32
        %dma_start3A_192 = arith.constant 0 : i32
        %dma_start3A_193 = tpu.memref_slice %arg2[%dma_start3A_191, %dma_start3A_192] : memref<10000x1024xbf16, #tpu.memory_space<hbm>> -> memref<10000x1024xbf16, #tpu.memory_space<hbm>>
        tpu.enqueue_indirect_dma source(%dma_start3A_193 : memref<10000x1024xbf16, #tpu.memory_space<hbm>>) target(%arg11 : memref<16x1024xbf16, #tpu.memory_space<vmem>>) offsets(%dma_start3A_190 : memref<16xi32, #tpu.memory_space<vmem>>) semaphore(%arg22 : memref<!tpu.dma_semaphore, #tpu.memory_space<semaphore_mem>>)
        %dma_start3A_194 = tpu.memref_slice %arg20[%mul3A_189] : memref<5024xi32, #tpu.memory_space<vmem>> -> memref<16xi32, #tpu.memory_space<vmem>>
        %dma_start3A_195 = arith.constant 0 : i32
        %dma_start3A_196 = arith.constant 0 : i32
        %dma_start3A_197 = tpu.memref_slice %arg4[%dma_start3A_195, %dma_start3A_196] : memref<10000x1024xbf16, #tpu.memory_space<hbm>> -> memref<10000x1024xbf16, #tpu.memory_space<hbm>>
        tpu.enqueue_indirect_dma source(%dma_start3A_197 : memref<10000x1024xbf16, #tpu.memory_space<hbm>>) target(%arg13 : memref<16x1024xbf16, #tpu.memory_space<vmem>>) offsets(%dma_start3A_194 : memref<16xi32, #tpu.memory_space<vmem>>) semaphore(%arg22 : memref<!tpu.dma_semaphore, #tpu.memory_space<semaphore_mem>>)
      } else {
      }
      %mul3A_141 = arith.constant 16 : i32
      %mul3A_142 = arith.muli %scan3A_109, %mul3A_141 : i32
      %mul3A_143 = arith.constant 16 : i32
      %mul3A_144 = arith.muli %scan3A_109, %mul3A_143 : i32
      %dma_wait3A_145 = tpu.memref_slice %arg19[%mul3A_142] : memref<5024xi32, #tpu.memory_space<vmem>> -> memref<16xi32, #tpu.memory_space<vmem>>
      %dma_wait3A_146 = arith.constant 0 : i32
      %dma_wait3A_147 = arith.constant 0 : i32
      %dma_wait3A_148 = tpu.memref_slice %arg3[%dma_wait3A_146, %dma_wait3A_147] : memref<10000x1024xbf16, #tpu.memory_space<hbm>> -> memref<10000x1024xbf16, #tpu.memory_space<hbm>>
      tpu.wait_indirect_dma semaphore(%arg23 : memref<!tpu.dma_semaphore, #tpu.memory_space<semaphore_mem>>) src(%dma_wait3A_148 : memref<10000x1024xbf16, #tpu.memory_space<hbm>>) dst(%arg12 : memref<16x1024xbf16, #tpu.memory_space<vmem>>)
      %dma_wait3A_149 = tpu.memref_slice %arg20[%mul3A_144] : memref<5024xi32, #tpu.memory_space<vmem>> -> memref<16xi32, #tpu.memory_space<vmem>>
      %dma_wait3A_150 = arith.constant 0 : i32
      %dma_wait3A_151 = arith.constant 0 : i32
      %dma_wait3A_152 = tpu.memref_slice %arg5[%dma_wait3A_150, %dma_wait3A_151] : memref<10000x1024xbf16, #tpu.memory_space<hbm>> -> memref<10000x1024xbf16, #tpu.memory_space<hbm>>
      tpu.wait_indirect_dma semaphore(%arg23 : memref<!tpu.dma_semaphore, #tpu.memory_space<semaphore_mem>>) src(%dma_wait3A_152 : memref<10000x1024xbf16, #tpu.memory_space<hbm>>) dst(%arg14 : memref<16x1024xbf16, #tpu.memory_space<vmem>>)
      %iota3A_153 = tpu.iota {dimensions = array<i32: 0>} : vector<16xi32>
      %broadcast_in_dim3A_154 = arith.constant 0.000000e+00 : f32
      %broadcast_in_dim3A_155 = vector.broadcast %broadcast_in_dim3A_154 : f32 to vector<16xf32>
      %broadcast_in_dim3A_156 = arith.constant 0.000000e+00 : bf16
      %broadcast_in_dim3A_157 = vector.broadcast %broadcast_in_dim3A_156 : bf16 to vector<32xbf16>
      %scan3A_158 = arith.constant 0 : i32
      %scan3A_159 = arith.constant 16 : i32
      %scan3A_160 = arith.addi %scan3A_158, %scan3A_159 : i32
      %scan3A_161 = arith.constant 1 : i32
      %scan3A_162 = scf.for %scan3A_184 = %scan3A_158 to %scan3A_160 step %scan3A_161 iter_args(%scan3A_185 = %broadcast_in_dim3A_155) -> (vector<16xf32>)  : i32 {
        %get3A_186 = arith.index_cast %scan3A_184 : i32 to index
        %get3A_187 = arith.constant 0 : index
        %get3A_188 = tpu.vector_load %arg12[%get3A_186, %get3A_187] {strides = array<i32>} : memref<16x1024xbf16, #tpu.memory_space<vmem>>, vector<32xbf16>,
        %get3A_189 = arith.index_cast %scan3A_184 : i32 to index
        %get3A_190 = arith.constant 0 : index
        %get3A_191 = tpu.vector_load %arg14[%get3A_189, %get3A_190] {strides = array<i32>} : memref<16x1024xbf16, #tpu.memory_space<vmem>>, vector<32xbf16>,
        %mul3A_192 = arith.mulf %get3A_188, %get3A_191 : vector<32xbf16>
        %add3A_193 = arith.addf %broadcast_in_dim3A_157, %mul3A_192 : vector<32xbf16>
        %get3A_194 = arith.index_cast %scan3A_184 : i32 to index
        %get3A_195 = arith.constant 32 : index
        %get3A_196 = tpu.vector_load %arg12[%get3A_194, %get3A_195] {strides = array<i32>} : memref<16x1024xbf16, #tpu.memory_space<vmem>>, vector<32xbf16>,
        %get3A_197 = arith.index_cast %scan3A_184 : i32 to index
        %get3A_198 = arith.constant 32 : index
        %get3A_199 = tpu.vector_load %arg14[%get3A_197, %get3A_198] {strides = array<i32>} : memref<16x1024xbf16, #tpu.memory_space<vmem>>, vector<32xbf16>,
        %mul3A_200 = arith.mulf %get3A_196, %get3A_199 : vector<32xbf16>
        %add3A_201 = arith.addf %broadcast_in_dim3A_157, %mul3A_200 : vector<32xbf16>
        %get3A_202 = arith.index_cast %scan3A_184 : i32 to index
        %get3A_203 = arith.constant 64 : index
        %get3A_204 = tpu.vector_load %arg12[%get3A_202, %get3A_203] {strides = array<i32>} : memref<16x1024xbf16, #tpu.memory_space<vmem>>, vector<32xbf16>,
        %get3A_205 = arith.index_cast %scan3A_184 : i32 to index
        %get3A_206 = arith.constant 64 : index
        %get3A_207 = tpu.vector_load %arg14[%get3A_205, %get3A_206] {strides = array<i32>} : memref<16x1024xbf16, #tpu.memory_space<vmem>>, vector<32xbf16>,
        %mul3A_208 = arith.mulf %get3A_204, %get3A_207 : vector<32xbf16>
        %add3A_209 = arith.addf %add3A_193, %mul3A_208 : vector<32xbf16>
        %get3A_210 = arith.index_cast %scan3A_184 : i32 to index
        %get3A_211 = arith.constant 96 : index
        %get3A_212 = tpu.vector_load %arg12[%get3A_210, %get3A_211] {strides = array<i32>} : memref<16x1024xbf16, #tpu.memory_space<vmem>>, vector<32xbf16>,
        %get3A_213 = arith.index_cast %scan3A_184 : i32 to index
        %get3A_214 = arith.constant 96 : index
        %get3A_215 = tpu.vector_load %arg14[%get3A_213, %get3A_214] {strides = array<i32>} : memref<16x1024xbf16, #tpu.memory_space<vmem>>, vector<32xbf16>,
        %mul3A_216 = arith.mulf %get3A_212, %get3A_215 : vector<32xbf16>
        %add3A_217 = arith.addf %add3A_201, %mul3A_216 : vector<32xbf16>
        %get3A_218 = arith.index_cast %scan3A_184 : i32 to index
        %get3A_219 = arith.constant 128 : index
        %get3A_220 = tpu.vector_load %arg12[%get3A_218, %get3A_219] {strides = array<i32>} : memref<16x1024xbf16, #tpu.memory_space<vmem>>, vector<32xbf16>,
        %get3A_221 = arith.index_cast %scan3A_184 : i32 to index
        %get3A_222 = arith.constant 128 : index
        %get3A_223 = tpu.vector_load %arg14[%get3A_221, %get3A_222] {strides = array<i32>} : memref<16x1024xbf16, #tpu.memory_space<vmem>>, vector<32xbf16>,
        %mul3A_224 = arith.mulf %get3A_220, %get3A_223 : vector<32xbf16>
        %add3A_225 = arith.addf %add3A_209, %mul3A_224 : vector<32xbf16>
        %get3A_226 = arith.index_cast %scan3A_184 : i32 to index
        %get3A_227 = arith.constant 160 : index
        %get3A_228 = tpu.vector_load %arg12[%get3A_226, %get3A_227] {strides = array<i32>} : memref<16x1024xbf16, #tpu.memory_space<vmem>>, vector<32xbf16>,
        %get3A_229 = arith.index_cast %scan3A_184 : i32 to index
        %get3A_230 = arith.constant 160 : index
        %get3A_231 = tpu.vector_load %arg14[%get3A_229, %get3A_230] {strides = array<i32>} : memref<16x1024xbf16, #tpu.memory_space<vmem>>, vector<32xbf16>,
        %mul3A_232 = arith.mulf %get3A_228, %get3A_231 : vector<32xbf16>
        %add3A_233 = arith.addf %add3A_217, %mul3A_232 : vector<32xbf16>
        %get3A_234 = arith.index_cast %scan3A_184 : i32 to index
        %get3A_235 = arith.constant 192 : index
        %get3A_236 = tpu.vector_load %arg12[%get3A_234, %get3A_235] {strides = array<i32>} : memref<16x1024xbf16, #tpu.memory_space<vmem>>, vector<32xbf16>,
        %get3A_237 = arith.index_cast %scan3A_184 : i32 to index
        %get3A_238 = arith.constant 192 : index
        %get3A_239 = tpu.vector_load %arg14[%get3A_237, %get3A_238] {strides = array<i32>} : memref<16x1024xbf16, #tpu.memory_space<vmem>>, vector<32xbf16>,
        %mul3A_240 = arith.mulf %get3A_236, %get3A_239 : vector<32xbf16>
        %add3A_241 = arith.addf %add3A_225, %mul3A_240 : vector<32xbf16>
        %get3A_242 = arith.index_cast %scan3A_184 : i32 to index
        %get3A_243 = arith.constant 224 : index
        %get3A_244 = tpu.vector_load %arg12[%get3A_242, %get3A_243] {strides = array<i32>} : memref<16x1024xbf16, #tpu.memory_space<vmem>>, vector<32xbf16>,
        %get3A_245 = arith.index_cast %scan3A_184 : i32 to index
        %get3A_246 = arith.constant 224 : index
        %get3A_247 = tpu.vector_load %arg14[%get3A_245, %get3A_246] {strides = array<i32>} : memref<16x1024xbf16, #tpu.memory_space<vmem>>, vector<32xbf16>,
        %mul3A_248 = arith.mulf %get3A_244, %get3A_247 : vector<32xbf16>
        %add3A_249 = arith.addf %add3A_233, %mul3A_248 : vector<32xbf16>
        %unpack3A = tpu.unpack_subelements %add3A_241, 0 {pack_format = #tpu.pack_format<interleaved>} : vector<32xbf16> -> vector<16xf32>
        %unpack3A_250 = tpu.unpack_subelements %add3A_241, 1 {pack_format = #tpu.pack_format<interleaved>} : vector<32xbf16> -> vector<16xf32>
        %add3A_251 = arith.addf %broadcast_in_dim3A_155, %unpack3A : vector<16xf32>
        %add3A_252 = arith.addf %broadcast_in_dim3A_155, %unpack3A_250 : vector<16xf32>
        %unpack3A_253 = tpu.unpack_subelements %add3A_249, 0 {pack_format = #tpu.pack_format<interleaved>} : vector<32xbf16> -> vector<16xf32>
        %unpack3A_254 = tpu.unpack_subelements %add3A_249, 1 {pack_format = #tpu.pack_format<interleaved>} : vector<32xbf16> -> vector<16xf32>
        %add3A_255 = arith.addf %add3A_251, %unpack3A_253 : vector<16xf32>
        %add3A_256 = arith.addf %add3A_252, %unpack3A_254 : vector<16xf32>
        %get3A_257 = arith.index_cast %scan3A_184 : i32 to index
        %get3A_258 = arith.constant 256 : index
        %get3A_259 = tpu.vector_load %arg12[%get3A_257, %get3A_258] {strides = array<i32>} : memref<16x1024xbf16, #tpu.memory_space<vmem>>, vector<32xbf16>,
        %get3A_260 = arith.index_cast %scan3A_184 : i32 to index
        %get3A_261 = arith.constant 256 : index
        %get3A_262 = tpu.vector_load %arg14[%get3A_260, %get3A_261] {strides = array<i32>} : memref<16x1024xbf16, #tpu.memory_space<vmem>>, vector<32xbf16>,
        %mul3A_263 = arith.mulf %get3A_259, %get3A_262 : vector<32xbf16>
        %add3A_264 = arith.addf %broadcast_in_dim3A_157, %mul3A_263 : vector<32xbf16>
        %get3A_265 = arith.index_cast %scan3A_184 : i32 to index
        %get3A_266 = arith.constant 288 : index
        %get3A_267 = tpu.vector_load %arg12[%get3A_265, %get3A_266] {strides = array<i32>} : memref<16x1024xbf16, #tpu.memory_space<vmem>>, vector<32xbf16>,
        %get3A_268 = arith.index_cast %scan3A_184 : i32 to index
        %get3A_269 = arith.constant 288 : index
        %get3A_270 = tpu.vector_load %arg14[%get3A_268, %get3A_269] {strides = array<i32>} : memref<16x1024xbf16, #tpu.memory_space<vmem>>, vector<32xbf16>,
        %mul3A_271 = arith.mulf %get3A_267, %get3A_270 : vector<32xbf16>
        %add3A_272 = arith.addf %broadcast_in_dim3A_157, %mul3A_271 : vector<32xbf16>
        %get3A_273 = arith.index_cast %scan3A_184 : i32 to index
        %get3A_274 = arith.constant 320 : index
        %get3A_275 = tpu.vector_load %arg12[%get3A_273, %get3A_274] {strides = array<i32>} : memref<16x1024xbf16, #tpu.memory_space<vmem>>, vector<32xbf16>,
        %get3A_276 = arith.index_cast %scan3A_184 : i32 to index
        %get3A_277 = arith.constant 320 : index
        %get3A_278 = tpu.vector_load %arg14[%get3A_276, %get3A_277] {strides = array<i32>} : memref<16x1024xbf16, #tpu.memory_space<vmem>>, vector<32xbf16>,
        %mul3A_279 = arith.mulf %get3A_275, %get3A_278 : vector<32xbf16>
        %add3A_280 = arith.addf %add3A_264, %mul3A_279 : vector<32xbf16>
        %get3A_281 = arith.index_cast %scan3A_184 : i32 to index
        %get3A_282 = arith.constant 352 : index
        %get3A_283 = tpu.vector_load %arg12[%get3A_281, %get3A_282] {strides = array<i32>} : memref<16x1024xbf16, #tpu.memory_space<vmem>>, vector<32xbf16>,
        %get3A_284 = arith.index_cast %scan3A_184 : i32 to index
        %get3A_285 = arith.constant 352 : index
        %get3A_286 = tpu.vector_load %arg14[%get3A_284, %get3A_285] {strides = array<i32>} : memref<16x1024xbf16, #tpu.memory_space<vmem>>, vector<32xbf16>,
        %mul3A_287 = arith.mulf %get3A_283, %get3A_286 : vector<32xbf16>
        %add3A_288 = arith.addf %add3A_272, %mul3A_287 : vector<32xbf16>
        %get3A_289 = arith.index_cast %scan3A_184 : i32 to index
        %get3A_290 = arith.constant 384 : index
        %get3A_291 = tpu.vector_load %arg12[%get3A_289, %get3A_290] {strides = array<i32>} : memref<16x1024xbf16, #tpu.memory_space<vmem>>, vector<32xbf16>,
        %get3A_292 = arith.index_cast %scan3A_184 : i32 to index
        %get3A_293 = arith.constant 384 : index
        %get3A_294 = tpu.vector_load %arg14[%get3A_292, %get3A_293] {strides = array<i32>} : memref<16x1024xbf16, #tpu.memory_space<vmem>>, vector<32xbf16>,
        %mul3A_295 = arith.mulf %get3A_291, %get3A_294 : vector<32xbf16>
        %add3A_296 = arith.addf %add3A_280, %mul3A_295 : vector<32xbf16>
        %get3A_297 = arith.index_cast %scan3A_184 : i32 to index
        %get3A_298 = arith.constant 416 : index
        %get3A_299 = tpu.vector_load %arg12[%get3A_297, %get3A_298] {strides = array<i32>} : memref<16x1024xbf16, #tpu.memory_space<vmem>>, vector<32xbf16>,
        %get3A_300 = arith.index_cast %scan3A_184 : i32 to index
        %get3A_301 = arith.constant 416 : index
        %get3A_302 = tpu.vector_load %arg14[%get3A_300, %get3A_301] {strides = array<i32>} : memref<16x1024xbf16, #tpu.memory_space<vmem>>, vector<32xbf16>,
        %mul3A_303 = arith.mulf %get3A_299, %get3A_302 : vector<32xbf16>
        %add3A_304 = arith.addf %add3A_288, %mul3A_303 : vector<32xbf16>
        %get3A_305 = arith.index_cast %scan3A_184 : i32 to index
        %get3A_306 = arith.constant 448 : index
        %get3A_307 = tpu.vector_load %arg12[%get3A_305, %get3A_306] {strides = array<i32>} : memref<16x1024xbf16, #tpu.memory_space<vmem>>, vector<32xbf16>,
        %get3A_308 = arith.index_cast %scan3A_184 : i32 to index
        %get3A_309 = arith.constant 448 : index
        %get3A_310 = tpu.vector_load %arg14[%get3A_308, %get3A_309] {strides = array<i32>} : memref<16x1024xbf16, #tpu.memory_space<vmem>>, vector<32xbf16>,
        %mul3A_311 = arith.mulf %get3A_307, %get3A_310 : vector<32xbf16>
        %add3A_312 = arith.addf %add3A_296, %mul3A_311 : vector<32xbf16>
        %get3A_313 = arith.index_cast %scan3A_184 : i32 to index
        %get3A_314 = arith.constant 480 : index
        %get3A_315 = tpu.vector_load %arg12[%get3A_313, %get3A_314] {strides = array<i32>} : memref<16x1024xbf16, #tpu.memory_space<vmem>>, vector<32xbf16>,
        %get3A_316 = arith.index_cast %scan3A_184 : i32 to index
        %get3A_317 = arith.constant 480 : index
        %get3A_318 = tpu.vector_load %arg14[%get3A_316, %get3A_317] {strides = array<i32>} : memref<16x1024xbf16, #tpu.memory_space<vmem>>, vector<32xbf16>,
        %mul3A_319 = arith.mulf %get3A_315, %get3A_318 : vector<32xbf16>
        %add3A_320 = arith.addf %add3A_304, %mul3A_319 : vector<32xbf16>
        %unpack3A_321 = tpu.unpack_subelements %add3A_312, 0 {pack_format = #tpu.pack_format<interleaved>} : vector<32xbf16> -> vector<16xf32>
        %unpack3A_322 = tpu.unpack_subelements %add3A_312, 1 {pack_format = #tpu.pack_format<interleaved>} : vector<32xbf16> -> vector<16xf32>
        %add3A_323 = arith.addf %add3A_255, %unpack3A_321 : vector<16xf32>
        %add3A_324 = arith.addf %add3A_256, %unpack3A_322 : vector<16xf32>
        %unpack3A_325 = tpu.unpack_subelements %add3A_320, 0 {pack_format = #tpu.pack_format<interleaved>} : vector<32xbf16> -> vector<16xf32>
        %unpack3A_326 = tpu.unpack_subelements %add3A_320, 1 {pack_format = #tpu.pack_format<interleaved>} : vector<32xbf16> -> vector<16xf32>
        %add3A_327 = arith.addf %add3A_323, %unpack3A_325 : vector<16xf32>
        %add3A_328 = arith.addf %add3A_324, %unpack3A_326 : vector<16xf32>
        %get3A_329 = arith.index_cast %scan3A_184 : i32 to index
        %get3A_330 = arith.constant 512 : index
        %get3A_331 = tpu.vector_load %arg12[%get3A_329, %get3A_330] {strides = array<i32>} : memref<16x1024xbf16, #tpu.memory_space<vmem>>, vector<32xbf16>,
        %get3A_332 = arith.index_cast %scan3A_184 : i32 to index
        %get3A_333 = arith.constant 512 : index
        %get3A_334 = tpu.vector_load %arg14[%get3A_332, %get3A_333] {strides = array<i32>} : memref<16x1024xbf16, #tpu.memory_space<vmem>>, vector<32xbf16>,
        %mul3A_335 = arith.mulf %get3A_331, %get3A_334 : vector<32xbf16>
        %add3A_336 = arith.addf %broadcast_in_dim3A_157, %mul3A_335 : vector<32xbf16>
        %get3A_337 = arith.index_cast %scan3A_184 : i32 to index
        %get3A_338 = arith.constant 544 : index
        %get3A_339 = tpu.vector_load %arg12[%get3A_337, %get3A_338] {strides = array<i32>} : memref<16x1024xbf16, #tpu.memory_space<vmem>>, vector<32xbf16>,
        %get3A_340 = arith.index_cast %scan3A_184 : i32 to index
        %get3A_341 = arith.constant 544 : index
        %get3A_342 = tpu.vector_load %arg14[%get3A_340, %get3A_341] {strides = array<i32>} : memref<16x1024xbf16, #tpu.memory_space<vmem>>, vector<32xbf16>,
        %mul3A_343 = arith.mulf %get3A_339, %get3A_342 : vector<32xbf16>
        %add3A_344 = arith.addf %broadcast_in_dim3A_157, %mul3A_343 : vector<32xbf16>
        %get3A_345 = arith.index_cast %scan3A_184 : i32 to index
        %get3A_346 = arith.constant 576 : index
        %get3A_347 = tpu.vector_load %arg12[%get3A_345, %get3A_346] {strides = array<i32>} : memref<16x1024xbf16, #tpu.memory_space<vmem>>, vector<32xbf16>,
        %get3A_348 = arith.index_cast %scan3A_184 : i32 to index
        %get3A_349 = arith.constant 576 : index
        %get3A_350 = tpu.vector_load %arg14[%get3A_348, %get3A_349] {strides = array<i32>} : memref<16x1024xbf16, #tpu.memory_space<vmem>>, vector<32xbf16>,
        %mul3A_351 = arith.mulf %get3A_347, %get3A_350 : vector<32xbf16>
        %add3A_352 = arith.addf %add3A_336, %mul3A_351 : vector<32xbf16>
        %get3A_353 = arith.index_cast %scan3A_184 : i32 to index
        %get3A_354 = arith.constant 608 : index
        %get3A_355 = tpu.vector_load %arg12[%get3A_353, %get3A_354] {strides = array<i32>} : memref<16x1024xbf16, #tpu.memory_space<vmem>>, vector<32xbf16>,
        %get3A_356 = arith.index_cast %scan3A_184 : i32 to index
        %get3A_357 = arith.constant 608 : index
        %get3A_358 = tpu.vector_load %arg14[%get3A_356, %get3A_357] {strides = array<i32>} : memref<16x1024xbf16, #tpu.memory_space<vmem>>, vector<32xbf16>,
        %mul3A_359 = arith.mulf %get3A_355, %get3A_358 : vector<32xbf16>
        %add3A_360 = arith.addf %add3A_344, %mul3A_359 : vector<32xbf16>
        %get3A_361 = arith.index_cast %scan3A_184 : i32 to index
        %get3A_362 = arith.constant 640 : index
        %get3A_363 = tpu.vector_load %arg12[%get3A_361, %get3A_362] {strides = array<i32>} : memref<16x1024xbf16, #tpu.memory_space<vmem>>, vector<32xbf16>,
        %get3A_364 = arith.index_cast %scan3A_184 : i32 to index
        %get3A_365 = arith.constant 640 : index
        %get3A_366 = tpu.vector_load %arg14[%get3A_364, %get3A_365] {strides = array<i32>} : memref<16x1024xbf16, #tpu.memory_space<vmem>>, vector<32xbf16>,
        %mul3A_367 = arith.mulf %get3A_363, %get3A_366 : vector<32xbf16>
        %add3A_368 = arith.addf %add3A_352, %mul3A_367 : vector<32xbf16>
        %get3A_369 = arith.index_cast %scan3A_184 : i32 to index
        %get3A_370 = arith.constant 672 : index
        %get3A_371 = tpu.vector_load %arg12[%get3A_369, %get3A_370] {strides = array<i32>} : memref<16x1024xbf16, #tpu.memory_space<vmem>>, vector<32xbf16>,
        %get3A_372 = arith.index_cast %scan3A_184 : i32 to index
        %get3A_373 = arith.constant 672 : index
        %get3A_374 = tpu.vector_load %arg14[%get3A_372, %get3A_373] {strides = array<i32>} : memref<16x1024xbf16, #tpu.memory_space<vmem>>, vector<32xbf16>,
        %mul3A_375 = arith.mulf %get3A_371, %get3A_374 : vector<32xbf16>
        %add3A_376 = arith.addf %add3A_360, %mul3A_375 : vector<32xbf16>
        %get3A_377 = arith.index_cast %scan3A_184 : i32 to index
        %get3A_378 = arith.constant 704 : index
        %get3A_379 = tpu.vector_load %arg12[%get3A_377, %get3A_378] {strides = array<i32>} : memref<16x1024xbf16, #tpu.memory_space<vmem>>, vector<32xbf16>,
        %get3A_380 = arith.index_cast %scan3A_184 : i32 to index
        %get3A_381 = arith.constant 704 : index
        %get3A_382 = tpu.vector_load %arg14[%get3A_380, %get3A_381] {strides = array<i32>} : memref<16x1024xbf16, #tpu.memory_space<vmem>>, vector<32xbf16>,
        %mul3A_383 = arith.mulf %get3A_379, %get3A_382 : vector<32xbf16>
        %add3A_384 = arith.addf %add3A_368, %mul3A_383 : vector<32xbf16>
        %get3A_385 = arith.index_cast %scan3A_184 : i32 to index
        %get3A_386 = arith.constant 736 : index
        %get3A_387 = tpu.vector_load %arg12[%get3A_385, %get3A_386] {strides = array<i32>} : memref<16x1024xbf16, #tpu.memory_space<vmem>>, vector<32xbf16>,
        %get3A_388 = arith.index_cast %scan3A_184 : i32 to index
        %get3A_389 = arith.constant 736 : index
        %get3A_390 = tpu.vector_load %arg14[%get3A_388, %get3A_389] {strides = array<i32>} : memref<16x1024xbf16, #tpu.memory_space<vmem>>, vector<32xbf16>,
        %mul3A_391 = arith.mulf %get3A_387, %get3A_390 : vector<32xbf16>
        %add3A_392 = arith.addf %add3A_376, %mul3A_391 : vector<32xbf16>
        %unpack3A_393 = tpu.unpack_subelements %add3A_384, 0 {pack_format = #tpu.pack_format<interleaved>} : vector<32xbf16> -> vector<16xf32>
        %unpack3A_394 = tpu.unpack_subelements %add3A_384, 1 {pack_format = #tpu.pack_format<interleaved>} : vector<32xbf16> -> vector<16xf32>
        %add3A_395 = arith.addf %add3A_327, %unpack3A_393 : vector<16xf32>
        %add3A_396 = arith.addf %add3A_328, %unpack3A_394 : vector<16xf32>
        %unpack3A_397 = tpu.unpack_subelements %add3A_392, 0 {pack_format = #tpu.pack_format<interleaved>} : vector<32xbf16> -> vector<16xf32>
        %unpack3A_398 = tpu.unpack_subelements %add3A_392, 1 {pack_format = #tpu.pack_format<interleaved>} : vector<32xbf16> -> vector<16xf32>
        %add3A_399 = arith.addf %add3A_395, %unpack3A_397 : vector<16xf32>
        %add3A_400 = arith.addf %add3A_396, %unpack3A_398 : vector<16xf32>
        %get3A_401 = arith.index_cast %scan3A_184 : i32 to index
        %get3A_402 = arith.constant 768 : index
        %get3A_403 = tpu.vector_load %arg12[%get3A_401, %get3A_402] {strides = array<i32>} : memref<16x1024xbf16, #tpu.memory_space<vmem>>, vector<32xbf16>,
        %get3A_404 = arith.index_cast %scan3A_184 : i32 to index
        %get3A_405 = arith.constant 768 : index
        %get3A_406 = tpu.vector_load %arg14[%get3A_404, %get3A_405] {strides = array<i32>} : memref<16x1024xbf16, #tpu.memory_space<vmem>>, vector<32xbf16>,
        %mul3A_407 = arith.mulf %get3A_403, %get3A_406 : vector<32xbf16>
        %add3A_408 = arith.addf %broadcast_in_dim3A_157, %mul3A_407 : vector<32xbf16>
        %get3A_409 = arith.index_cast %scan3A_184 : i32 to index
        %get3A_410 = arith.constant 800 : index
        %get3A_411 = tpu.vector_load %arg12[%get3A_409, %get3A_410] {strides = array<i32>} : memref<16x1024xbf16, #tpu.memory_space<vmem>>, vector<32xbf16>,
        %get3A_412 = arith.index_cast %scan3A_184 : i32 to index
        %get3A_413 = arith.constant 800 : index
        %get3A_414 = tpu.vector_load %arg14[%get3A_412, %get3A_413] {strides = array<i32>} : memref<16x1024xbf16, #tpu.memory_space<vmem>>, vector<32xbf16>,
        %mul3A_415 = arith.mulf %get3A_411, %get3A_414 : vector<32xbf16>
        %add3A_416 = arith.addf %broadcast_in_dim3A_157, %mul3A_415 : vector<32xbf16>
        %get3A_417 = arith.index_cast %scan3A_184 : i32 to index
        %get3A_418 = arith.constant 832 : index
        %get3A_419 = tpu.vector_load %arg12[%get3A_417, %get3A_418] {strides = array<i32>} : memref<16x1024xbf16, #tpu.memory_space<vmem>>, vector<32xbf16>,
        %get3A_420 = arith.index_cast %scan3A_184 : i32 to index
        %get3A_421 = arith.constant 832 : index
        %get3A_422 = tpu.vector_load %arg14[%get3A_420, %get3A_421] {strides = array<i32>} : memref<16x1024xbf16, #tpu.memory_space<vmem>>, vector<32xbf16>,
        %mul3A_423 = arith.mulf %get3A_419, %get3A_422 : vector<32xbf16>
        %add3A_424 = arith.addf %add3A_408, %mul3A_423 : vector<32xbf16>
        %get3A_425 = arith.index_cast %scan3A_184 : i32 to index
        %get3A_426 = arith.constant 864 : index
        %get3A_427 = tpu.vector_load %arg12[%get3A_425, %get3A_426] {strides = array<i32>} : memref<16x1024xbf16, #tpu.memory_space<vmem>>, vector<32xbf16>,
        %get3A_428 = arith.index_cast %scan3A_184 : i32 to index
        %get3A_429 = arith.constant 864 : index
        %get3A_430 = tpu.vector_load %arg14[%get3A_428, %get3A_429] {strides = array<i32>} : memref<16x1024xbf16, #tpu.memory_space<vmem>>, vector<32xbf16>,
        %mul3A_431 = arith.mulf %get3A_427, %get3A_430 : vector<32xbf16>
        %add3A_432 = arith.addf %add3A_416, %mul3A_431 : vector<32xbf16>
        %get3A_433 = arith.index_cast %scan3A_184 : i32 to index
        %get3A_434 = arith.constant 896 : index
        %get3A_435 = tpu.vector_load %arg12[%get3A_433, %get3A_434] {strides = array<i32>} : memref<16x1024xbf16, #tpu.memory_space<vmem>>, vector<32xbf16>,
        %get3A_436 = arith.index_cast %scan3A_184 : i32 to index
        %get3A_437 = arith.constant 896 : index
        %get3A_438 = tpu.vector_load %arg14[%get3A_436, %get3A_437] {strides = array<i32>} : memref<16x1024xbf16, #tpu.memory_space<vmem>>, vector<32xbf16>,
        %mul3A_439 = arith.mulf %get3A_435, %get3A_438 : vector<32xbf16>
        %add3A_440 = arith.addf %add3A_424, %mul3A_439 : vector<32xbf16>
        %get3A_441 = arith.index_cast %scan3A_184 : i32 to index
        %get3A_442 = arith.constant 928 : index
        %get3A_443 = tpu.vector_load %arg12[%get3A_441, %get3A_442] {strides = array<i32>} : memref<16x1024xbf16, #tpu.memory_space<vmem>>, vector<32xbf16>,
        %get3A_444 = arith.index_cast %scan3A_184 : i32 to index
        %get3A_445 = arith.constant 928 : index
        %get3A_446 = tpu.vector_load %arg14[%get3A_444, %get3A_445] {strides = array<i32>} : memref<16x1024xbf16, #tpu.memory_space<vmem>>, vector<32xbf16>,
        %mul3A_447 = arith.mulf %get3A_443, %get3A_446 : vector<32xbf16>
        %add3A_448 = arith.addf %add3A_432, %mul3A_447 : vector<32xbf16>
        %get3A_449 = arith.index_cast %scan3A_184 : i32 to index
        %get3A_450 = arith.constant 960 : index
        %get3A_451 = tpu.vector_load %arg12[%get3A_449, %get3A_450] {strides = array<i32>} : memref<16x1024xbf16, #tpu.memory_space<vmem>>, vector<32xbf16>,
        %get3A_452 = arith.index_cast %scan3A_184 : i32 to index
        %get3A_453 = arith.constant 960 : index
        %get3A_454 = tpu.vector_load %arg14[%get3A_452, %get3A_453] {strides = array<i32>} : memref<16x1024xbf16, #tpu.memory_space<vmem>>, vector<32xbf16>,
        %mul3A_455 = arith.mulf %get3A_451, %get3A_454 : vector<32xbf16>
        %add3A_456 = arith.addf %add3A_440, %mul3A_455 : vector<32xbf16>
        %get3A_457 = arith.index_cast %scan3A_184 : i32 to index
        %get3A_458 = arith.constant 992 : index
        %get3A_459 = tpu.vector_load %arg12[%get3A_457, %get3A_458] {strides = array<i32>} : memref<16x1024xbf16, #tpu.memory_space<vmem>>, vector<32xbf16>,
        %get3A_460 = arith.index_cast %scan3A_184 : i32 to index
        %get3A_461 = arith.constant 992 : index
        %get3A_462 = tpu.vector_load %arg14[%get3A_460, %get3A_461] {strides = array<i32>} : memref<16x1024xbf16, #tpu.memory_space<vmem>>, vector<32xbf16>,
        %mul3A_463 = arith.mulf %get3A_459, %get3A_462 : vector<32xbf16>
        %add3A_464 = arith.addf %add3A_448, %mul3A_463 : vector<32xbf16>
        %unpack3A_465 = tpu.unpack_subelements %add3A_456, 0 {pack_format = #tpu.pack_format<interleaved>} : vector<32xbf16> -> vector<16xf32>
        %unpack3A_466 = tpu.unpack_subelements %add3A_456, 1 {pack_format = #tpu.pack_format<interleaved>} : vector<32xbf16> -> vector<16xf32>
        %add3A_467 = arith.addf %add3A_399, %unpack3A_465 : vector<16xf32>
        %add3A_468 = arith.addf %add3A_400, %unpack3A_466 : vector<16xf32>
        %unpack3A_469 = tpu.unpack_subelements %add3A_464, 0 {pack_format = #tpu.pack_format<interleaved>} : vector<32xbf16> -> vector<16xf32>
        %unpack3A_470 = tpu.unpack_subelements %add3A_464, 1 {pack_format = #tpu.pack_format<interleaved>} : vector<32xbf16> -> vector<16xf32>
        %add3A_471 = arith.addf %add3A_467, %unpack3A_469 : vector<16xf32>
        %add3A_472 = arith.addf %add3A_468, %unpack3A_470 : vector<16xf32>
        %add3A_473 = arith.addf %add3A_471, %add3A_472 : vector<16xf32>
        %xor3A = arith.constant 8 : i32
        %xor3A_474 = vector.broadcast %xor3A : i32 to vector<16xi32>
        %xor3A_475 = arith.xori %iota3A_153, %xor3A_474 : vector<16xi32>
        %broadcast_in_dim3A_476 = vector.shape_cast %xor3A_475 : vector<16xi32> to vector<16x1xi32>
        %gather3A = vector.shape_cast %broadcast_in_dim3A_476 : vector<16x1xi32> to vector<16xi32>
        %gather3A_477 = tpu.dynamic_gather %add3A_473[%gather3A] in [0] : vector<16xf32>, vector<16xi32> -> vector<16xf32>
        %add3A_478 = arith.addf %add3A_473, %gather3A_477 : vector<16xf32>
        %xor3A_479 = arith.constant 4 : i32
        %xor3A_480 = vector.broadcast %xor3A_479 : i32 to vector<16xi32>
        %xor3A_481 = arith.xori %iota3A_153, %xor3A_480 : vector<16xi32>
        %broadcast_in_dim3A_482 = vector.shape_cast %xor3A_481 : vector<16xi32> to vector<16x1xi32>
        %gather3A_483 = vector.shape_cast %broadcast_in_dim3A_482 : vector<16x1xi32> to vector<16xi32>
        %gather3A_484 = tpu.dynamic_gather %add3A_478[%gather3A_483] in [0] : vector<16xf32>, vector<16xi32> -> vector<16xf32>
        %add3A_485 = arith.addf %add3A_478, %gather3A_484 : vector<16xf32>
        %xor3A_486 = arith.constant 2 : i32
        %xor3A_487 = vector.broadcast %xor3A_486 : i32 to vector<16xi32>
        %xor3A_488 = arith.xori %iota3A_153, %xor3A_487 : vector<16xi32>
        %broadcast_in_dim3A_489 = vector.shape_cast %xor3A_488 : vector<16xi32> to vector<16x1xi32>
        %gather3A_490 = vector.shape_cast %broadcast_in_dim3A_489 : vector<16x1xi32> to vector<16xi32>
        %gather3A_491 = tpu.dynamic_gather %add3A_485[%gather3A_490] in [0] : vector<16xf32>, vector<16xi32> -> vector<16xf32>
        %add3A_492 = arith.addf %add3A_485, %gather3A_491 : vector<16xf32>
        %xor3A_493 = arith.constant 1 : i32
        %xor3A_494 = vector.broadcast %xor3A_493 : i32 to vector<16xi32>
        %xor3A_495 = arith.xori %iota3A_153, %xor3A_494 : vector<16xi32>
        %broadcast_in_dim3A_496 = vector.shape_cast %xor3A_495 : vector<16xi32> to vector<16x1xi32>
        %gather3A_497 = vector.shape_cast %broadcast_in_dim3A_496 : vector<16x1xi32> to vector<16xi32>
        %gather3A_498 = tpu.dynamic_gather %add3A_492[%gather3A_497] in [0] : vector<16xf32>, vector<16xi32> -> vector<16xf32>
        %add3A_499 = arith.addf %add3A_492, %gather3A_498 : vector<16xf32>
        %eq3A_500 = vector.broadcast %scan3A_184 : i32 to vector<16xi32>
        %eq3A_501 = arith.cmpi eq, %iota3A_153, %eq3A_500 : vector<16xi32>
        %select_n3A = arith.select %eq3A_501, %add3A_499, %scan3A_185 : vector<16xi1>, vector<16xf32>
        scf.yield %select_n3A : vector<16xf32>
      }
      %scan3A_163 = arith.constant 16 : i32
      %add3A_164 = arith.addf %scan3A_162, %add3A_133 : vector<16xf32>
      %add3A_165 = arith.constant 1 : i32
      %add3A_166 = arith.addi %scan3A_109, %add3A_165 : i32
      %lt3A_167 = arith.constant 314 : i32
      %lt3A_168 = arith.cmpi slt, %add3A_166, %lt3A_167 : i32
      %convert_element_type3A_169 = arith.extui %lt3A_168 : i1 to i32
      %cond3A_170 = arith.constant 0 : i32
      %cond3A_171 = arith.cmpi ne, %convert_element_type3A_169, %cond3A_170 : i32
      scf.if %cond3A_171 {
        %add3A_184 = arith.constant 1 : i32
        %add3A_185 = arith.addi %scan3A_109, %add3A_184 : i32
        %mul3A_186 = arith.constant 16 : i32
        %mul3A_187 = arith.muli %add3A_185, %mul3A_186 : i32
        %mul3A_188 = arith.constant 16 : i32
        %mul3A_189 = arith.muli %add3A_185, %mul3A_188 : i32
        %dma_start3A_190 = tpu.memref_slice %arg19[%mul3A_187] : memref<5024xi32, #tpu.memory_space<vmem>> -> memref<16xi32, #tpu.memory_space<vmem>>
        %dma_start3A_191 = arith.constant 0 : i32
        %dma_start3A_192 = arith.constant 0 : i32
        %dma_start3A_193 = tpu.memref_slice %arg3[%dma_start3A_191, %dma_start3A_192] : memref<10000x1024xbf16, #tpu.memory_space<hbm>> -> memref<10000x1024xbf16, #tpu.memory_space<hbm>>
        tpu.enqueue_indirect_dma source(%dma_start3A_193 : memref<10000x1024xbf16, #tpu.memory_space<hbm>>) target(%arg12 : memref<16x1024xbf16, #tpu.memory_space<vmem>>) offsets(%dma_start3A_190 : memref<16xi32, #tpu.memory_space<vmem>>) semaphore(%arg23 : memref<!tpu.dma_semaphore, #tpu.memory_space<semaphore_mem>>)
        %dma_start3A_194 = tpu.memref_slice %arg20[%mul3A_189] : memref<5024xi32, #tpu.memory_space<vmem>> -> memref<16xi32, #tpu.memory_space<vmem>>
        %dma_start3A_195 = arith.constant 0 : i32
        %dma_start3A_196 = arith.constant 0 : i32
        %dma_start3A_197 = tpu.memref_slice %arg5[%dma_start3A_195, %dma_start3A_196] : memref<10000x1024xbf16, #tpu.memory_space<hbm>> -> memref<10000x1024xbf16, #tpu.memory_space<hbm>>
        tpu.enqueue_indirect_dma source(%dma_start3A_197 : memref<10000x1024xbf16, #tpu.memory_space<hbm>>) target(%arg14 : memref<16x1024xbf16, #tpu.memory_space<vmem>>) offsets(%dma_start3A_194 : memref<16xi32, #tpu.memory_space<vmem>>) semaphore(%arg23 : memref<!tpu.dma_semaphore, #tpu.memory_space<semaphore_mem>>)
      } else {
      }
      %mul3A_172 = arith.constant 16 : i32
      %mul3A_173 = arith.muli %scan3A_109, %mul3A_172 : i32
      %get3A = arith.index_cast %mul3A_173 : i32 to index
      %get3A_174 = tpu.vector_load %arg20[%get3A] {strides = array<i32>} : memref<5024xi32, #tpu.memory_space<vmem>>, vector<16xi32>,
      %mul3A_175 = arith.constant 16 : i32
      %mul3A_176 = arith.muli %scan3A_109, %mul3A_175 : i32
      %add3A_177 = arith.addi %mul3A_2, %mul3A_176 : i32
      %add3A_178 = vector.broadcast %add3A_177 : i32 to vector<16xi32>
      %add3A_179 = arith.addi %add3A_178, %iota3A : vector<16xi32>
      %lt3A_180 = arith.constant 160000 : i32
      %lt3A_181 = vector.broadcast %lt3A_180 : i32 to vector<16xi32>
      %lt3A_182 = arith.cmpi slt, %add3A_179, %lt3A_181 : vector<16xi32>
      tpu.vector_store_idx %arg21[%get3A_174], %add3A_164 masked %lt3A_182 {add = true} : memref<10000xf32, #tpu.memory_space<vmem>>[vector<16xi32>], vector<16xf32>, vector<16xi1>
      %scan3A_183 = arith.constant 0 : i32
      scf.yield %scan3A_183 : i32
    }
    %scan3A_57 = arith.constant 314 : i32
    %lt3A_58 = arith.constant 31 : i32
    %lt3A_59 = arith.cmpi slt, %add3A, %lt3A_58 : i32
    %convert_element_type3A_60 = arith.extui %lt3A_59 : i1 to i32
    %cond3A_61 = arith.constant 0 : i32
    %cond3A_62 = arith.constant 0 : i32
    %cond3A_63 = arith.cmpi ne, %convert_element_type3A_60, %cond3A_62 : i32
    scf.if %cond3A_63 {
      "tpu.region"() ({
        %run_scoped3A = tpu.sem_alloc : memref<!tpu.dma_semaphore, #tpu.memory_space<semaphore_mem>>
        %dma_start3A_109 = arith.constant 0 : i32
        %dma_start3A_110 = tpu.memref_slice %arg9[%cond3A_61, %dma_start3A_109] : memref<2x160000xi32, #tpu.memory_space<hbm>> -> memref<1x160000xi32, #tpu.memory_space<hbm>>
        %dma_start3A_111 = tpu.memref_squeeze %dma_start3A_110 : memref<1x160000xi32, #tpu.memory_space<hbm>> -> memref<160000xi32, #tpu.memory_space<hbm>>
        %dma_start3A_112 = tpu.memref_slice %dma_start3A_111[%mul3A_2] : memref<160000xi32, #tpu.memory_space<hbm>> -> memref<5024xi32, #tpu.memory_space<hbm>>
        %dma_start3A_113 = arith.constant 0 : i32
        %dma_start3A_114 = tpu.memref_slice %arg9[%cond3A_61, %dma_start3A_113] : memref<2x160000xi32, #tpu.memory_space<hbm>> -> memref<1x160000xi32, #tpu.memory_space<hbm>>
        %dma_start3A_115 = tpu.memref_squeeze %dma_start3A_114 : memref<1x160000xi32, #tpu.memory_space<hbm>> -> memref<160000xi32, #tpu.memory_space<hbm>>
        %dma_start3A_116 = tpu.memref_slice %dma_start3A_115[%mul3A_2] : memref<160000xi32, #tpu.memory_space<hbm>> -> memref<5024xi32, #tpu.memory_space<hbm>>
        tpu.enqueue_dma source(%dma_start3A_116 : memref<5024xi32, #tpu.memory_space<hbm>>) target(%arg19 : memref<5024xi32, #tpu.memory_space<vmem>>) target_semaphore(%run_scoped3A : memref<!tpu.dma_semaphore, #tpu.memory_space<semaphore_mem>>)
        %dma_wait3A = arith.constant 0 : i32
        %dma_wait3A_117 = tpu.memref_slice %arg9[%cond3A_61, %dma_wait3A] : memref<2x160000xi32, #tpu.memory_space<hbm>> -> memref<1x160000xi32, #tpu.memory_space<hbm>>
        %dma_wait3A_118 = tpu.memref_squeeze %dma_wait3A_117 : memref<1x160000xi32, #tpu.memory_space<hbm>> -> memref<160000xi32, #tpu.memory_space<hbm>>
        %dma_wait3A_119 = tpu.memref_slice %dma_wait3A_118[%mul3A_2] : memref<160000xi32, #tpu.memory_space<hbm>> -> memref<5024xi32, #tpu.memory_space<hbm>>
        %dma_wait3A_120 = arith.constant 0 : i32
        %dma_wait3A_121 = tpu.memref_slice %arg9[%cond3A_61, %dma_wait3A_120] : memref<2x160000xi32, #tpu.memory_space<hbm>> -> memref<1x160000xi32, #tpu.memory_space<hbm>>
        %dma_wait3A_122 = tpu.memref_squeeze %dma_wait3A_121 : memref<1x160000xi32, #tpu.memory_space<hbm>> -> memref<160000xi32, #tpu.memory_space<hbm>>
        %dma_wait3A_123 = tpu.memref_slice %dma_wait3A_122[%mul3A_2] : memref<160000xi32, #tpu.memory_space<hbm>> -> memref<5024xi32, #tpu.memory_space<hbm>>
        tpu.wait_dma2 semaphore(%run_scoped3A : memref<!tpu.dma_semaphore, #tpu.memory_space<semaphore_mem>>) src(%dma_wait3A_123 : memref<5024xi32, #tpu.memory_space<hbm>>) dst(%arg19 : memref<5024xi32, #tpu.memory_space<vmem>>)
        tpu.yield
      }) : () -> ()
    } else {
    }
    %eq3A_64 = arith.constant 31 : i32
    %eq3A_65 = arith.cmpi eq, %add3A, %eq3A_64 : i32
    %convert_element_type3A_66 = arith.extui %eq3A_65 : i1 to i32
    %cond3A_67 = arith.constant 0 : i32
    %cond3A_68 = arith.constant 0 : i32
    %cond3A_69 = arith.cmpi ne, %convert_element_type3A_66, %cond3A_68 : i32
    scf.if %cond3A_69 {
      "tpu.region"() ({
        %run_scoped3A = tpu.sem_alloc : memref<!tpu.dma_semaphore, #tpu.memory_space<semaphore_mem>>
        %dma_start3A_116 = arith.constant 0 : i32
        %dma_start3A_117 = tpu.memref_slice %arg19[%dma_start3A_116] : memref<5024xi32, #tpu.memory_space<vmem>> -> memref<4256xi32, #tpu.memory_space<vmem>>
        %dma_start3A_118 = arith.constant 0 : i32
        %dma_start3A_119 = tpu.memref_slice %arg9[%cond3A_67, %dma_start3A_118] : memref<2x160000xi32, #tpu.memory_space<hbm>> -> memref<1x160000xi32, #tpu.memory_space<hbm>>
        %dma_start3A_120 = tpu.memref_squeeze %dma_start3A_119 : memref<1x160000xi32, #tpu.memory_space<hbm>> -> memref<160000xi32, #tpu.memory_space<hbm>>
        %dma_start3A_121 = arith.constant 155744 : i32
        %dma_start3A_122 = tpu.memref_slice %dma_start3A_120[%dma_start3A_121] : memref<160000xi32, #tpu.memory_space<hbm>> -> memref<4256xi32, #tpu.memory_space<hbm>>
        %dma_start3A_123 = arith.constant 0 : i32
        %dma_start3A_124 = tpu.memref_slice %arg19[%dma_start3A_123] : memref<5024xi32, #tpu.memory_space<vmem>> -> memref<4256xi32, #tpu.memory_space<vmem>>
        %dma_start3A_125 = arith.constant 0 : i32
        %dma_start3A_126 = tpu.memref_slice %arg9[%cond3A_67, %dma_start3A_125] : memref<2x160000xi32, #tpu.memory_space<hbm>> -> memref<1x160000xi32, #tpu.memory_space<hbm>>
        %dma_start3A_127 = tpu.memref_squeeze %dma_start3A_126 : memref<1x160000xi32, #tpu.memory_space<hbm>> -> memref<160000xi32, #tpu.memory_space<hbm>>
        %dma_start3A_128 = arith.constant 155744 : i32
        %dma_start3A_129 = tpu.memref_slice %dma_start3A_127[%dma_start3A_128] : memref<160000xi32, #tpu.memory_space<hbm>> -> memref<4256xi32, #tpu.memory_space<hbm>>
        tpu.enqueue_dma source(%dma_start3A_129 : memref<4256xi32, #tpu.memory_space<hbm>>) target(%dma_start3A_124 : memref<4256xi32, #tpu.memory_space<vmem>>) target_semaphore(%run_scoped3A : memref<!tpu.dma_semaphore, #tpu.memory_space<semaphore_mem>>)
        %dma_wait3A = arith.constant 0 : i32
        %dma_wait3A_130 = tpu.memref_slice %arg19[%dma_wait3A] : memref<5024xi32, #tpu.memory_space<vmem>> -> memref<4256xi32, #tpu.memory_space<vmem>>
        %dma_wait3A_131 = arith.constant 0 : i32
        %dma_wait3A_132 = tpu.memref_slice %arg9[%cond3A_67, %dma_wait3A_131] : memref<2x160000xi32, #tpu.memory_space<hbm>> -> memref<1x160000xi32, #tpu.memory_space<hbm>>
        %dma_wait3A_133 = tpu.memref_squeeze %dma_wait3A_132 : memref<1x160000xi32, #tpu.memory_space<hbm>> -> memref<160000xi32, #tpu.memory_space<hbm>>
        %dma_wait3A_134 = arith.constant 155744 : i32
        %dma_wait3A_135 = tpu.memref_slice %dma_wait3A_133[%dma_wait3A_134] : memref<160000xi32, #tpu.memory_space<hbm>> -> memref<4256xi32, #tpu.memory_space<hbm>>
        %dma_wait3A_136 = arith.constant 0 : i32
        %dma_wait3A_137 = tpu.memref_slice %arg19[%dma_wait3A_136] : memref<5024xi32, #tpu.memory_space<vmem>> -> memref<4256xi32, #tpu.memory_space<vmem>>
        %dma_wait3A_138 = arith.constant 0 : i32
        %dma_wait3A_139 = tpu.memref_slice %arg9[%cond3A_67, %dma_wait3A_138] : memref<2x160000xi32, #tpu.memory_space<hbm>> -> memref<1x160000xi32, #tpu.memory_space<hbm>>
        %dma_wait3A_140 = tpu.memref_squeeze %dma_wait3A_139 : memref<1x160000xi32, #tpu.memory_space<hbm>> -> memref<160000xi32, #tpu.memory_space<hbm>>
        %dma_wait3A_141 = arith.constant 155744 : i32
        %dma_wait3A_142 = tpu.memref_slice %dma_wait3A_140[%dma_wait3A_141] : memref<160000xi32, #tpu.memory_space<hbm>> -> memref<4256xi32, #tpu.memory_space<hbm>>
        tpu.wait_dma2 semaphore(%run_scoped3A : memref<!tpu.dma_semaphore, #tpu.memory_space<semaphore_mem>>) src(%dma_wait3A_142 : memref<4256xi32, #tpu.memory_space<hbm>>) dst(%dma_wait3A_137 : memref<4256xi32, #tpu.memory_space<vmem>>)
        tpu.yield
      }) : () -> ()
      %scan3A_109 = arith.constant 0 : i32
      %scan3A_110 = arith.constant 0 : i32
      %scan3A_111 = arith.constant 48 : i32
      %scan3A_112 = arith.addi %scan3A_110, %scan3A_111 : i32
      %scan3A_113 = arith.constant 1 : i32
      %scan3A_114 = scf.for %scan3A_116 = %scan3A_110 to %scan3A_112 step %scan3A_113 iter_args(%scan3A_117 = %scan3A_109) -> (i32)  : i32 {
        %mul3A_118 = arith.constant 16 : i32
        %mul3A_119 = arith.muli %scan3A_116, %mul3A_118 : i32
        %add3A_120 = arith.constant 4256 : i32
        %add3A_121 = arith.addi %add3A_120, %mul3A_119 : i32
        %swap3A = arith.index_cast %add3A_121 : i32 to index
        %swap3A_122 = tpu.vector_load %arg19[%swap3A] {strides = array<i32>} : memref<5024xi32, #tpu.memory_space<vmem>>, vector<16xi32>,
        tpu.vector_store %arg19[%swap3A], %broadcast_in_dim3A_11 {strides = array<i32>} : memref<5024xi32, #tpu.memory_space<vmem>>, vector<16xi32>,
        %scan3A_123 = arith.constant 0 : i32
        scf.yield %scan3A_123 : i32
      }
      %scan3A_115 = arith.constant 48 : i32
    } else {
    }
    %lt3A_70 = arith.constant 31 : i32
    %lt3A_71 = arith.cmpi slt, %add3A, %lt3A_70 : i32
    %convert_element_type3A_72 = arith.extui %lt3A_71 : i1 to i32
    %cond3A_73 = arith.constant 1 : i32
    %cond3A_74 = arith.constant 0 : i32
    %cond3A_75 = arith.cmpi ne, %convert_element_type3A_72, %cond3A_74 : i32
    scf.if %cond3A_75 {
      "tpu.region"() ({
        %run_scoped3A = tpu.sem_alloc : memref<!tpu.dma_semaphore, #tpu.memory_space<semaphore_mem>>
        %dma_start3A_109 = arith.constant 0 : i32
        %dma_start3A_110 = tpu.memref_slice %arg9[%cond3A_73, %dma_start3A_109] : memref<2x160000xi32, #tpu.memory_space<hbm>> -> memref<1x160000xi32, #tpu.memory_space<hbm>>
        %dma_start3A_111 = tpu.memref_squeeze %dma_start3A_110 : memref<1x160000xi32, #tpu.memory_space<hbm>> -> memref<160000xi32, #tpu.memory_space<hbm>>
        %dma_start3A_112 = tpu.memref_slice %dma_start3A_111[%mul3A_2] : memref<160000xi32, #tpu.memory_space<hbm>> -> memref<5024xi32, #tpu.memory_space<hbm>>
        %dma_start3A_113 = arith.constant 0 : i32
        %dma_start3A_114 = tpu.memref_slice %arg9[%cond3A_73, %dma_start3A_113] : memref<2x160000xi32, #tpu.memory_space<hbm>> -> memref<1x160000xi32, #tpu.memory_space<hbm>>
        %dma_start3A_115 = tpu.memref_squeeze %dma_start3A_114 : memref<1x160000xi32, #tpu.memory_space<hbm>> -> memref<160000xi32, #tpu.memory_space<hbm>>
        %dma_start3A_116 = tpu.memref_slice %dma_start3A_115[%mul3A_2] : memref<160000xi32, #tpu.memory_space<hbm>> -> memref<5024xi32, #tpu.memory_space<hbm>>
        tpu.enqueue_dma source(%dma_start3A_116 : memref<5024xi32, #tpu.memory_space<hbm>>) target(%arg20 : memref<5024xi32, #tpu.memory_space<vmem>>) target_semaphore(%run_scoped3A : memref<!tpu.dma_semaphore, #tpu.memory_space<semaphore_mem>>)
        %dma_wait3A = arith.constant 0 : i32
        %dma_wait3A_117 = tpu.memref_slice %arg9[%cond3A_73, %dma_wait3A] : memref<2x160000xi32, #tpu.memory_space<hbm>> -> memref<1x160000xi32, #tpu.memory_space<hbm>>
        %dma_wait3A_118 = tpu.memref_squeeze %dma_wait3A_117 : memref<1x160000xi32, #tpu.memory_space<hbm>> -> memref<160000xi32, #tpu.memory_space<hbm>>
        %dma_wait3A_119 = tpu.memref_slice %dma_wait3A_118[%mul3A_2] : memref<160000xi32, #tpu.memory_space<hbm>> -> memref<5024xi32, #tpu.memory_space<hbm>>
        %dma_wait3A_120 = arith.constant 0 : i32
        %dma_wait3A_121 = tpu.memref_slice %arg9[%cond3A_73, %dma_wait3A_120] : memref<2x160000xi32, #tpu.memory_space<hbm>> -> memref<1x160000xi32, #tpu.memory_space<hbm>>
        %dma_wait3A_122 = tpu.memref_squeeze %dma_wait3A_121 : memref<1x160000xi32, #tpu.memory_space<hbm>> -> memref<160000xi32, #tpu.memory_space<hbm>>
        %dma_wait3A_123 = tpu.memref_slice %dma_wait3A_122[%mul3A_2] : memref<160000xi32, #tpu.memory_space<hbm>> -> memref<5024xi32, #tpu.memory_space<hbm>>
        tpu.wait_dma2 semaphore(%run_scoped3A : memref<!tpu.dma_semaphore, #tpu.memory_space<semaphore_mem>>) src(%dma_wait3A_123 : memref<5024xi32, #tpu.memory_space<hbm>>) dst(%arg20 : memref<5024xi32, #tpu.memory_space<vmem>>)
        tpu.yield
      }) : () -> ()
    } else {
    }
    %eq3A_76 = arith.constant 31 : i32
    %eq3A_77 = arith.cmpi eq, %add3A, %eq3A_76 : i32
    %convert_element_type3A_78 = arith.extui %eq3A_77 : i1 to i32
    %cond3A_79 = arith.constant 1 : i32
    %cond3A_80 = arith.constant 0 : i32
    %cond3A_81 = arith.cmpi ne, %convert_element_type3A_78, %cond3A_80 : i32
    scf.if %cond3A_81 {
      "tpu.region"() ({
        %run_scoped3A = tpu.sem_alloc : memref<!tpu.dma_semaphore, #tpu.memory_space<semaphore_mem>>
        %dma_start3A_116 = arith.constant 0 : i32
        %dma_start3A_117 = tpu.memref_slice %arg20[%dma_start3A_116] : memref<5024xi32, #tpu.memory_space<vmem>> -> memref<4256xi32, #tpu.memory_space<vmem>>
        %dma_start3A_118 = arith.constant 0 : i32
        %dma_start3A_119 = tpu.memref_slice %arg9[%cond3A_79, %dma_start3A_118] : memref<2x160000xi32, #tpu.memory_space<hbm>> -> memref<1x160000xi32, #tpu.memory_space<hbm>>
        %dma_start3A_120 = tpu.memref_squeeze %dma_start3A_119 : memref<1x160000xi32, #tpu.memory_space<hbm>> -> memref<160000xi32, #tpu.memory_space<hbm>>
        %dma_start3A_121 = arith.constant 155744 : i32
        %dma_start3A_122 = tpu.memref_slice %dma_start3A_120[%dma_start3A_121] : memref<160000xi32, #tpu.memory_space<hbm>> -> memref<4256xi32, #tpu.memory_space<hbm>>
        %dma_start3A_123 = arith.constant 0 : i32
        %dma_start3A_124 = tpu.memref_slice %arg20[%dma_start3A_123] : memref<5024xi32, #tpu.memory_space<vmem>> -> memref<4256xi32, #tpu.memory_space<vmem>>
        %dma_start3A_125 = arith.constant 0 : i32
        %dma_start3A_126 = tpu.memref_slice %arg9[%cond3A_79, %dma_start3A_125] : memref<2x160000xi32, #tpu.memory_space<hbm>> -> memref<1x160000xi32, #tpu.memory_space<hbm>>
        %dma_start3A_127 = tpu.memref_squeeze %dma_start3A_126 : memref<1x160000xi32, #tpu.memory_space<hbm>> -> memref<160000xi32, #tpu.memory_space<hbm>>
        %dma_start3A_128 = arith.constant 155744 : i32
        %dma_start3A_129 = tpu.memref_slice %dma_start3A_127[%dma_start3A_128] : memref<160000xi32, #tpu.memory_space<hbm>> -> memref<4256xi32, #tpu.memory_space<hbm>>
        tpu.enqueue_dma source(%dma_start3A_129 : memref<4256xi32, #tpu.memory_space<hbm>>) target(%dma_start3A_124 : memref<4256xi32, #tpu.memory_space<vmem>>) target_semaphore(%run_scoped3A : memref<!tpu.dma_semaphore, #tpu.memory_space<semaphore_mem>>)
        %dma_wait3A = arith.constant 0 : i32
        %dma_wait3A_130 = tpu.memref_slice %arg20[%dma_wait3A] : memref<5024xi32, #tpu.memory_space<vmem>> -> memref<4256xi32, #tpu.memory_space<vmem>>
        %dma_wait3A_131 = arith.constant 0 : i32
        %dma_wait3A_132 = tpu.memref_slice %arg9[%cond3A_79, %dma_wait3A_131] : memref<2x160000xi32, #tpu.memory_space<hbm>> -> memref<1x160000xi32, #tpu.memory_space<hbm>>
        %dma_wait3A_133 = tpu.memref_squeeze %dma_wait3A_132 : memref<1x160000xi32, #tpu.memory_space<hbm>> -> memref<160000xi32, #tpu.memory_space<hbm>>
        %dma_wait3A_134 = arith.constant 155744 : i32
        %dma_wait3A_135 = tpu.memref_slice %dma_wait3A_133[%dma_wait3A_134] : memref<160000xi32, #tpu.memory_space<hbm>> -> memref<4256xi32, #tpu.memory_space<hbm>>
        %dma_wait3A_136 = arith.constant 0 : i32
        %dma_wait3A_137 = tpu.memref_slice %arg20[%dma_wait3A_136] : memref<5024xi32, #tpu.memory_space<vmem>> -> memref<4256xi32, #tpu.memory_space<vmem>>
        %dma_wait3A_138 = arith.constant 0 : i32
        %dma_wait3A_139 = tpu.memref_slice %arg9[%cond3A_79, %dma_wait3A_138] : memref<2x160000xi32, #tpu.memory_space<hbm>> -> memref<1x160000xi32, #tpu.memory_space<hbm>>
        %dma_wait3A_140 = tpu.memref_squeeze %dma_wait3A_139 : memref<1x160000xi32, #tpu.memory_space<hbm>> -> memref<160000xi32, #tpu.memory_space<hbm>>
        %dma_wait3A_141 = arith.constant 155744 : i32
        %dma_wait3A_142 = tpu.memref_slice %dma_wait3A_140[%dma_wait3A_141] : memref<160000xi32, #tpu.memory_space<hbm>> -> memref<4256xi32, #tpu.memory_space<hbm>>
        tpu.wait_dma2 semaphore(%run_scoped3A : memref<!tpu.dma_semaphore, #tpu.memory_space<semaphore_mem>>) src(%dma_wait3A_142 : memref<4256xi32, #tpu.memory_space<hbm>>) dst(%dma_wait3A_137 : memref<4256xi32, #tpu.memory_space<vmem>>)
        tpu.yield
      }) : () -> ()
      %scan3A_109 = arith.constant 0 : i32
      %scan3A_110 = arith.constant 0 : i32
      %scan3A_111 = arith.constant 48 : i32
      %scan3A_112 = arith.addi %scan3A_110, %scan3A_111 : i32
      %scan3A_113 = arith.constant 1 : i32
      %scan3A_114 = scf.for %scan3A_116 = %scan3A_110 to %scan3A_112 step %scan3A_113 iter_args(%scan3A_117 = %scan3A_109) -> (i32)  : i32 {
        %mul3A_118 = arith.constant 16 : i32
        %mul3A_119 = arith.muli %scan3A_116, %mul3A_118 : i32
        %add3A_120 = arith.constant 4256 : i32
        %add3A_121 = arith.addi %add3A_120, %mul3A_119 : i32
        %swap3A = arith.index_cast %add3A_121 : i32 to index
        %swap3A_122 = tpu.vector_load %arg20[%swap3A] {strides = array<i32>} : memref<5024xi32, #tpu.memory_space<vmem>>, vector<16xi32>,
        tpu.vector_store %arg20[%swap3A], %broadcast_in_dim3A_11 {strides = array<i32>} : memref<5024xi32, #tpu.memory_space<vmem>>, vector<16xi32>,
        %scan3A_123 = arith.constant 0 : i32
        scf.yield %scan3A_123 : i32
      }
      %scan3A_115 = arith.constant 48 : i32
    } else {
    }
    %dma_start3A_82 = arith.constant 0 : i32
    %dma_start3A_83 = tpu.memref_slice %arg19[%dma_start3A_82] : memref<5024xi32, #tpu.memory_space<vmem>> -> memref<16xi32, #tpu.memory_space<vmem>>
    %dma_start3A_84 = arith.constant 0 : i32
    %dma_start3A_85 = arith.constant 0 : i32
    %dma_start3A_86 = tpu.memref_slice %arg6[%dma_start3A_84, %dma_start3A_85] : memref<10000x512xbf16, #tpu.memory_space<hbm>> -> memref<10000x512xbf16, #tpu.memory_space<hbm>>
    tpu.enqueue_indirect_dma source(%dma_start3A_86 : memref<10000x512xbf16, #tpu.memory_space<hbm>>) target(%arg15 : memref<16x512xbf16, #tpu.memory_space<vmem>>) offsets(%dma_start3A_83 : memref<16xi32, #tpu.memory_space<vmem>>) semaphore(%arg24 : memref<!tpu.dma_semaphore, #tpu.memory_space<semaphore_mem>>)
    %dma_start3A_87 = arith.constant 0 : i32
    %dma_start3A_88 = tpu.memref_slice %arg20[%dma_start3A_87] : memref<5024xi32, #tpu.memory_space<vmem>> -> memref<16xi32, #tpu.memory_space<vmem>>
    %dma_start3A_89 = arith.constant 0 : i32
    %dma_start3A_90 = arith.constant 0 : i32
    %dma_start3A_91 = tpu.memref_slice %arg7[%dma_start3A_89, %dma_start3A_90] : memref<10000x512xbf16, #tpu.memory_space<hbm>> -> memref<10000x512xbf16, #tpu.memory_space<hbm>>
    tpu.enqueue_indirect_dma source(%dma_start3A_91 : memref<10000x512xbf16, #tpu.memory_space<hbm>>) target(%arg17 : memref<16x512xbf16, #tpu.memory_space<vmem>>) offsets(%dma_start3A_88 : memref<16xi32, #tpu.memory_space<vmem>>) semaphore(%arg24 : memref<!tpu.dma_semaphore, #tpu.memory_space<semaphore_mem>>)
    %dma_start3A_92 = arith.constant 16 : i32
    %dma_start3A_93 = tpu.memref_slice %arg19[%dma_start3A_92] : memref<5024xi32, #tpu.memory_space<vmem>> -> memref<16xi32, #tpu.memory_space<vmem>>
    %dma_start3A_94 = arith.constant 0 : i32
    %dma_start3A_95 = arith.constant 0 : i32
    %dma_start3A_96 = tpu.memref_slice %arg6[%dma_start3A_94, %dma_start3A_95] : memref<10000x512xbf16, #tpu.memory_space<hbm>> -> memref<10000x512xbf16, #tpu.memory_space<hbm>>
    tpu.enqueue_indirect_dma source(%dma_start3A_96 : memref<10000x512xbf16, #tpu.memory_space<hbm>>) target(%arg16 : memref<16x512xbf16, #tpu.memory_space<vmem>>) offsets(%dma_start3A_93 : memref<16xi32, #tpu.memory_space<vmem>>) semaphore(%arg25 : memref<!tpu.dma_semaphore, #tpu.memory_space<semaphore_mem>>)
    %dma_start3A_97 = arith.constant 16 : i32
    %dma_start3A_98 = tpu.memref_slice %arg20[%dma_start3A_97] : memref<5024xi32, #tpu.memory_space<vmem>> -> memref<16xi32, #tpu.memory_space<vmem>>
    %dma_start3A_99 = arith.constant 0 : i32
    %dma_start3A_100 = arith.constant 0 : i32
    %dma_start3A_101 = tpu.memref_slice %arg7[%dma_start3A_99, %dma_start3A_100] : memref<10000x512xbf16, #tpu.memory_space<hbm>> -> memref<10000x512xbf16, #tpu.memory_space<hbm>>
    tpu.enqueue_indirect_dma source(%dma_start3A_101 : memref<10000x512xbf16, #tpu.memory_space<hbm>>) target(%arg18 : memref<16x512xbf16, #tpu.memory_space<vmem>>) offsets(%dma_start3A_98 : memref<16xi32, #tpu.memory_space<vmem>>) semaphore(%arg25 : memref<!tpu.dma_semaphore, #tpu.memory_space<semaphore_mem>>)
    %scan3A_102 = arith.constant 0 : i32
    %scan3A_103 = arith.constant 0 : i32
    %scan3A_104 = arith.constant 157 : i32
    %scan3A_105 = arith.addi %scan3A_103, %scan3A_104 : i32
    %scan3A_106 = arith.constant 1 : i32
    %scan3A_107 = scf.for %scan3A_109 = %scan3A_103 to %scan3A_105 step %scan3A_106 iter_args(%scan3A_110 = %scan3A_102) -> (i32)  : i32 {
      %mul3A_111 = arith.constant 2 : i32
      %mul3A_112 = arith.muli %scan3A_109, %mul3A_111 : i32
      %add3A_113 = arith.constant 0 : i32
      %add3A_114 = arith.addi %mul3A_112, %add3A_113 : i32
      %mul3A_115 = arith.constant 16 : i32
      %mul3A_116 = arith.muli %add3A_114, %mul3A_115 : i32
      %mul3A_117 = arith.constant 16 : i32
      %mul3A_118 = arith.muli %add3A_114, %mul3A_117 : i32
      %dma_wait3A = tpu.memref_slice %arg19[%mul3A_116] : memref<5024xi32, #tpu.memory_space<vmem>> -> memref<16xi32, #tpu.memory_space<vmem>>
      %dma_wait3A_119 = arith.constant 0 : i32
      %dma_wait3A_120 = arith.constant 0 : i32
      %dma_wait3A_121 = tpu.memref_slice %arg6[%dma_wait3A_119, %dma_wait3A_120] : memref<10000x512xbf16, #tpu.memory_space<hbm>> -> memref<10000x512xbf16, #tpu.memory_space<hbm>>
      tpu.wait_indirect_dma semaphore(%arg24 : memref<!tpu.dma_semaphore, #tpu.memory_space<semaphore_mem>>) src(%dma_wait3A_121 : memref<10000x512xbf16, #tpu.memory_space<hbm>>) dst(%arg15 : memref<16x512xbf16, #tpu.memory_space<vmem>>)
      %dma_wait3A_122 = tpu.memref_slice %arg20[%mul3A_118] : memref<5024xi32, #tpu.memory_space<vmem>> -> memref<16xi32, #tpu.memory_space<vmem>>
      %dma_wait3A_123 = arith.constant 0 : i32
      %dma_wait3A_124 = arith.constant 0 : i32
      %dma_wait3A_125 = tpu.memref_slice %arg7[%dma_wait3A_123, %dma_wait3A_124] : memref<10000x512xbf16, #tpu.memory_space<hbm>> -> memref<10000x512xbf16, #tpu.memory_space<hbm>>
      tpu.wait_indirect_dma semaphore(%arg24 : memref<!tpu.dma_semaphore, #tpu.memory_space<semaphore_mem>>) src(%dma_wait3A_125 : memref<10000x512xbf16, #tpu.memory_space<hbm>>) dst(%arg17 : memref<16x512xbf16, #tpu.memory_space<vmem>>)
      %iota3A_126 = tpu.iota {dimensions = array<i32: 0>} : vector<16xi32>
      %broadcast_in_dim3A_127 = arith.constant 0.000000e+00 : f32
      %broadcast_in_dim3A_128 = vector.broadcast %broadcast_in_dim3A_127 : f32 to vector<16xf32>
      %broadcast_in_dim3A_129 = arith.constant 0.000000e+00 : bf16
      %broadcast_in_dim3A_130 = vector.broadcast %broadcast_in_dim3A_129 : bf16 to vector<32xbf16>
      %scan3A_131 = arith.constant 0 : i32
      %scan3A_132 = arith.constant 16 : i32
      %scan3A_133 = arith.addi %scan3A_131, %scan3A_132 : i32
      %scan3A_134 = arith.constant 1 : i32
      %scan3A_135 = scf.for %scan3A_202 = %scan3A_131 to %scan3A_133 step %scan3A_134 iter_args(%scan3A_203 = %broadcast_in_dim3A_128) -> (vector<16xf32>)  : i32 {
        %get3A_204 = arith.index_cast %scan3A_202 : i32 to index
        %get3A_205 = arith.constant 0 : index
        %get3A_206 = tpu.vector_load %arg15[%get3A_204, %get3A_205] {strides = array<i32>} : memref<16x512xbf16, #tpu.memory_space<vmem>>, vector<32xbf16>,
        %get3A_207 = arith.index_cast %scan3A_202 : i32 to index
        %get3A_208 = arith.constant 0 : index
        %get3A_209 = tpu.vector_load %arg17[%get3A_207, %get3A_208] {strides = array<i32>} : memref<16x512xbf16, #tpu.memory_space<vmem>>, vector<32xbf16>,
        %mul3A_210 = arith.mulf %get3A_206, %get3A_209 : vector<32xbf16>
        %add3A_211 = arith.addf %broadcast_in_dim3A_130, %mul3A_210 : vector<32xbf16>
        %get3A_212 = arith.index_cast %scan3A_202 : i32 to index
        %get3A_213 = arith.constant 32 : index
        %get3A_214 = tpu.vector_load %arg15[%get3A_212, %get3A_213] {strides = array<i32>} : memref<16x512xbf16, #tpu.memory_space<vmem>>, vector<32xbf16>,
        %get3A_215 = arith.index_cast %scan3A_202 : i32 to index
        %get3A_216 = arith.constant 32 : index
        %get3A_217 = tpu.vector_load %arg17[%get3A_215, %get3A_216] {strides = array<i32>} : memref<16x512xbf16, #tpu.memory_space<vmem>>, vector<32xbf16>,
        %mul3A_218 = arith.mulf %get3A_214, %get3A_217 : vector<32xbf16>
        %add3A_219 = arith.addf %broadcast_in_dim3A_130, %mul3A_218 : vector<32xbf16>
        %get3A_220 = arith.index_cast %scan3A_202 : i32 to index
        %get3A_221 = arith.constant 64 : index
        %get3A_222 = tpu.vector_load %arg15[%get3A_220, %get3A_221] {strides = array<i32>} : memref<16x512xbf16, #tpu.memory_space<vmem>>, vector<32xbf16>,
        %get3A_223 = arith.index_cast %scan3A_202 : i32 to index
        %get3A_224 = arith.constant 64 : index
        %get3A_225 = tpu.vector_load %arg17[%get3A_223, %get3A_224] {strides = array<i32>} : memref<16x512xbf16, #tpu.memory_space<vmem>>, vector<32xbf16>,
        %mul3A_226 = arith.mulf %get3A_222, %get3A_225 : vector<32xbf16>
        %add3A_227 = arith.addf %add3A_211, %mul3A_226 : vector<32xbf16>
        %get3A_228 = arith.index_cast %scan3A_202 : i32 to index
        %get3A_229 = arith.constant 96 : index
        %get3A_230 = tpu.vector_load %arg15[%get3A_228, %get3A_229] {strides = array<i32>} : memref<16x512xbf16, #tpu.memory_space<vmem>>, vector<32xbf16>,
        %get3A_231 = arith.index_cast %scan3A_202 : i32 to index
        %get3A_232 = arith.constant 96 : index
        %get3A_233 = tpu.vector_load %arg17[%get3A_231, %get3A_232] {strides = array<i32>} : memref<16x512xbf16, #tpu.memory_space<vmem>>, vector<32xbf16>,
        %mul3A_234 = arith.mulf %get3A_230, %get3A_233 : vector<32xbf16>
        %add3A_235 = arith.addf %add3A_219, %mul3A_234 : vector<32xbf16>
        %get3A_236 = arith.index_cast %scan3A_202 : i32 to index
        %get3A_237 = arith.constant 128 : index
        %get3A_238 = tpu.vector_load %arg15[%get3A_236, %get3A_237] {strides = array<i32>} : memref<16x512xbf16, #tpu.memory_space<vmem>>, vector<32xbf16>,
        %get3A_239 = arith.index_cast %scan3A_202 : i32 to index
        %get3A_240 = arith.constant 128 : index
        %get3A_241 = tpu.vector_load %arg17[%get3A_239, %get3A_240] {strides = array<i32>} : memref<16x512xbf16, #tpu.memory_space<vmem>>, vector<32xbf16>,
        %mul3A_242 = arith.mulf %get3A_238, %get3A_241 : vector<32xbf16>
        %add3A_243 = arith.addf %add3A_227, %mul3A_242 : vector<32xbf16>
        %get3A_244 = arith.index_cast %scan3A_202 : i32 to index
        %get3A_245 = arith.constant 160 : index
        %get3A_246 = tpu.vector_load %arg15[%get3A_244, %get3A_245] {strides = array<i32>} : memref<16x512xbf16, #tpu.memory_space<vmem>>, vector<32xbf16>,
        %get3A_247 = arith.index_cast %scan3A_202 : i32 to index
        %get3A_248 = arith.constant 160 : index
        %get3A_249 = tpu.vector_load %arg17[%get3A_247, %get3A_248] {strides = array<i32>} : memref<16x512xbf16, #tpu.memory_space<vmem>>, vector<32xbf16>,
        %mul3A_250 = arith.mulf %get3A_246, %get3A_249 : vector<32xbf16>
        %add3A_251 = arith.addf %add3A_235, %mul3A_250 : vector<32xbf16>
        %get3A_252 = arith.index_cast %scan3A_202 : i32 to index
        %get3A_253 = arith.constant 192 : index
        %get3A_254 = tpu.vector_load %arg15[%get3A_252, %get3A_253] {strides = array<i32>} : memref<16x512xbf16, #tpu.memory_space<vmem>>, vector<32xbf16>,
        %get3A_255 = arith.index_cast %scan3A_202 : i32 to index
        %get3A_256 = arith.constant 192 : index
        %get3A_257 = tpu.vector_load %arg17[%get3A_255, %get3A_256] {strides = array<i32>} : memref<16x512xbf16, #tpu.memory_space<vmem>>, vector<32xbf16>,
        %mul3A_258 = arith.mulf %get3A_254, %get3A_257 : vector<32xbf16>
        %add3A_259 = arith.addf %add3A_243, %mul3A_258 : vector<32xbf16>
        %get3A_260 = arith.index_cast %scan3A_202 : i32 to index
        %get3A_261 = arith.constant 224 : index
        %get3A_262 = tpu.vector_load %arg15[%get3A_260, %get3A_261] {strides = array<i32>} : memref<16x512xbf16, #tpu.memory_space<vmem>>, vector<32xbf16>,
        %get3A_263 = arith.index_cast %scan3A_202 : i32 to index
        %get3A_264 = arith.constant 224 : index
        %get3A_265 = tpu.vector_load %arg17[%get3A_263, %get3A_264] {strides = array<i32>} : memref<16x512xbf16, #tpu.memory_space<vmem>>, vector<32xbf16>,
        %mul3A_266 = arith.mulf %get3A_262, %get3A_265 : vector<32xbf16>
        %add3A_267 = arith.addf %add3A_251, %mul3A_266 : vector<32xbf16>
        %unpack3A = tpu.unpack_subelements %add3A_259, 0 {pack_format = #tpu.pack_format<interleaved>} : vector<32xbf16> -> vector<16xf32>
        %unpack3A_268 = tpu.unpack_subelements %add3A_259, 1 {pack_format = #tpu.pack_format<interleaved>} : vector<32xbf16> -> vector<16xf32>
        %add3A_269 = arith.addf %broadcast_in_dim3A_128, %unpack3A : vector<16xf32>
        %add3A_270 = arith.addf %broadcast_in_dim3A_128, %unpack3A_268 : vector<16xf32>
        %unpack3A_271 = tpu.unpack_subelements %add3A_267, 0 {pack_format = #tpu.pack_format<interleaved>} : vector<32xbf16> -> vector<16xf32>
        %unpack3A_272 = tpu.unpack_subelements %add3A_267, 1 {pack_format = #tpu.pack_format<interleaved>} : vector<32xbf16> -> vector<16xf32>
        %add3A_273 = arith.addf %add3A_269, %unpack3A_271 : vector<16xf32>
        %add3A_274 = arith.addf %add3A_270, %unpack3A_272 : vector<16xf32>
        %get3A_275 = arith.index_cast %scan3A_202 : i32 to index
        %get3A_276 = arith.constant 256 : index
        %get3A_277 = tpu.vector_load %arg15[%get3A_275, %get3A_276] {strides = array<i32>} : memref<16x512xbf16, #tpu.memory_space<vmem>>, vector<32xbf16>,
        %get3A_278 = arith.index_cast %scan3A_202 : i32 to index
        %get3A_279 = arith.constant 256 : index
        %get3A_280 = tpu.vector_load %arg17[%get3A_278, %get3A_279] {strides = array<i32>} : memref<16x512xbf16, #tpu.memory_space<vmem>>, vector<32xbf16>,
        %mul3A_281 = arith.mulf %get3A_277, %get3A_280 : vector<32xbf16>
        %add3A_282 = arith.addf %broadcast_in_dim3A_130, %mul3A_281 : vector<32xbf16>
        %get3A_283 = arith.index_cast %scan3A_202 : i32 to index
        %get3A_284 = arith.constant 288 : index
        %get3A_285 = tpu.vector_load %arg15[%get3A_283, %get3A_284] {strides = array<i32>} : memref<16x512xbf16, #tpu.memory_space<vmem>>, vector<32xbf16>,
        %get3A_286 = arith.index_cast %scan3A_202 : i32 to index
        %get3A_287 = arith.constant 288 : index
        %get3A_288 = tpu.vector_load %arg17[%get3A_286, %get3A_287] {strides = array<i32>} : memref<16x512xbf16, #tpu.memory_space<vmem>>, vector<32xbf16>,
        %mul3A_289 = arith.mulf %get3A_285, %get3A_288 : vector<32xbf16>
        %add3A_290 = arith.addf %broadcast_in_dim3A_130, %mul3A_289 : vector<32xbf16>
        %get3A_291 = arith.index_cast %scan3A_202 : i32 to index
        %get3A_292 = arith.constant 320 : index
        %get3A_293 = tpu.vector_load %arg15[%get3A_291, %get3A_292] {strides = array<i32>} : memref<16x512xbf16, #tpu.memory_space<vmem>>, vector<32xbf16>,
        %get3A_294 = arith.index_cast %scan3A_202 : i32 to index
        %get3A_295 = arith.constant 320 : index
        %get3A_296 = tpu.vector_load %arg17[%get3A_294, %get3A_295] {strides = array<i32>} : memref<16x512xbf16, #tpu.memory_space<vmem>>, vector<32xbf16>,
        %mul3A_297 = arith.mulf %get3A_293, %get3A_296 : vector<32xbf16>
        %add3A_298 = arith.addf %add3A_282, %mul3A_297 : vector<32xbf16>
        %get3A_299 = arith.index_cast %scan3A_202 : i32 to index
        %get3A_300 = arith.constant 352 : index
        %get3A_301 = tpu.vector_load %arg15[%get3A_299, %get3A_300] {strides = array<i32>} : memref<16x512xbf16, #tpu.memory_space<vmem>>, vector<32xbf16>,
        %get3A_302 = arith.index_cast %scan3A_202 : i32 to index
        %get3A_303 = arith.constant 352 : index
        %get3A_304 = tpu.vector_load %arg17[%get3A_302, %get3A_303] {strides = array<i32>} : memref<16x512xbf16, #tpu.memory_space<vmem>>, vector<32xbf16>,
        %mul3A_305 = arith.mulf %get3A_301, %get3A_304 : vector<32xbf16>
        %add3A_306 = arith.addf %add3A_290, %mul3A_305 : vector<32xbf16>
        %get3A_307 = arith.index_cast %scan3A_202 : i32 to index
        %get3A_308 = arith.constant 384 : index
        %get3A_309 = tpu.vector_load %arg15[%get3A_307, %get3A_308] {strides = array<i32>} : memref<16x512xbf16, #tpu.memory_space<vmem>>, vector<32xbf16>,
        %get3A_310 = arith.index_cast %scan3A_202 : i32 to index
        %get3A_311 = arith.constant 384 : index
        %get3A_312 = tpu.vector_load %arg17[%get3A_310, %get3A_311] {strides = array<i32>} : memref<16x512xbf16, #tpu.memory_space<vmem>>, vector<32xbf16>,
        %mul3A_313 = arith.mulf %get3A_309, %get3A_312 : vector<32xbf16>
        %add3A_314 = arith.addf %add3A_298, %mul3A_313 : vector<32xbf16>
        %get3A_315 = arith.index_cast %scan3A_202 : i32 to index
        %get3A_316 = arith.constant 416 : index
        %get3A_317 = tpu.vector_load %arg15[%get3A_315, %get3A_316] {strides = array<i32>} : memref<16x512xbf16, #tpu.memory_space<vmem>>, vector<32xbf16>,
        %get3A_318 = arith.index_cast %scan3A_202 : i32 to index
        %get3A_319 = arith.constant 416 : index
        %get3A_320 = tpu.vector_load %arg17[%get3A_318, %get3A_319] {strides = array<i32>} : memref<16x512xbf16, #tpu.memory_space<vmem>>, vector<32xbf16>,
        %mul3A_321 = arith.mulf %get3A_317, %get3A_320 : vector<32xbf16>
        %add3A_322 = arith.addf %add3A_306, %mul3A_321 : vector<32xbf16>
        %get3A_323 = arith.index_cast %scan3A_202 : i32 to index
        %get3A_324 = arith.constant 448 : index
        %get3A_325 = tpu.vector_load %arg15[%get3A_323, %get3A_324] {strides = array<i32>} : memref<16x512xbf16, #tpu.memory_space<vmem>>, vector<32xbf16>,
        %get3A_326 = arith.index_cast %scan3A_202 : i32 to index
        %get3A_327 = arith.constant 448 : index
        %get3A_328 = tpu.vector_load %arg17[%get3A_326, %get3A_327] {strides = array<i32>} : memref<16x512xbf16, #tpu.memory_space<vmem>>, vector<32xbf16>,
        %mul3A_329 = arith.mulf %get3A_325, %get3A_328 : vector<32xbf16>
        %add3A_330 = arith.addf %add3A_314, %mul3A_329 : vector<32xbf16>
        %get3A_331 = arith.index_cast %scan3A_202 : i32 to index
        %get3A_332 = arith.constant 480 : index
        %get3A_333 = tpu.vector_load %arg15[%get3A_331, %get3A_332] {strides = array<i32>} : memref<16x512xbf16, #tpu.memory_space<vmem>>, vector<32xbf16>,
        %get3A_334 = arith.index_cast %scan3A_202 : i32 to index
        %get3A_335 = arith.constant 480 : index
        %get3A_336 = tpu.vector_load %arg17[%get3A_334, %get3A_335] {strides = array<i32>} : memref<16x512xbf16, #tpu.memory_space<vmem>>, vector<32xbf16>,
        %mul3A_337 = arith.mulf %get3A_333, %get3A_336 : vector<32xbf16>
        %add3A_338 = arith.addf %add3A_322, %mul3A_337 : vector<32xbf16>
        %unpack3A_339 = tpu.unpack_subelements %add3A_330, 0 {pack_format = #tpu.pack_format<interleaved>} : vector<32xbf16> -> vector<16xf32>
        %unpack3A_340 = tpu.unpack_subelements %add3A_330, 1 {pack_format = #tpu.pack_format<interleaved>} : vector<32xbf16> -> vector<16xf32>
        %add3A_341 = arith.addf %add3A_273, %unpack3A_339 : vector<16xf32>
        %add3A_342 = arith.addf %add3A_274, %unpack3A_340 : vector<16xf32>
        %unpack3A_343 = tpu.unpack_subelements %add3A_338, 0 {pack_format = #tpu.pack_format<interleaved>} : vector<32xbf16> -> vector<16xf32>
        %unpack3A_344 = tpu.unpack_subelements %add3A_338, 1 {pack_format = #tpu.pack_format<interleaved>} : vector<32xbf16> -> vector<16xf32>
        %add3A_345 = arith.addf %add3A_341, %unpack3A_343 : vector<16xf32>
        %add3A_346 = arith.addf %add3A_342, %unpack3A_344 : vector<16xf32>
        %add3A_347 = arith.addf %add3A_345, %add3A_346 : vector<16xf32>
        %xor3A = arith.constant 8 : i32
        %xor3A_348 = vector.broadcast %xor3A : i32 to vector<16xi32>
        %xor3A_349 = arith.xori %iota3A_126, %xor3A_348 : vector<16xi32>
        %broadcast_in_dim3A_350 = vector.shape_cast %xor3A_349 : vector<16xi32> to vector<16x1xi32>
        %gather3A = vector.shape_cast %broadcast_in_dim3A_350 : vector<16x1xi32> to vector<16xi32>
        %gather3A_351 = tpu.dynamic_gather %add3A_347[%gather3A] in [0] : vector<16xf32>, vector<16xi32> -> vector<16xf32>
        %add3A_352 = arith.addf %add3A_347, %gather3A_351 : vector<16xf32>
        %xor3A_353 = arith.constant 4 : i32
        %xor3A_354 = vector.broadcast %xor3A_353 : i32 to vector<16xi32>
        %xor3A_355 = arith.xori %iota3A_126, %xor3A_354 : vector<16xi32>
        %broadcast_in_dim3A_356 = vector.shape_cast %xor3A_355 : vector<16xi32> to vector<16x1xi32>
        %gather3A_357 = vector.shape_cast %broadcast_in_dim3A_356 : vector<16x1xi32> to vector<16xi32>
        %gather3A_358 = tpu.dynamic_gather %add3A_352[%gather3A_357] in [0] : vector<16xf32>, vector<16xi32> -> vector<16xf32>
        %add3A_359 = arith.addf %add3A_352, %gather3A_358 : vector<16xf32>
        %xor3A_360 = arith.constant 2 : i32
        %xor3A_361 = vector.broadcast %xor3A_360 : i32 to vector<16xi32>
        %xor3A_362 = arith.xori %iota3A_126, %xor3A_361 : vector<16xi32>
        %broadcast_in_dim3A_363 = vector.shape_cast %xor3A_362 : vector<16xi32> to vector<16x1xi32>
        %gather3A_364 = vector.shape_cast %broadcast_in_dim3A_363 : vector<16x1xi32> to vector<16xi32>
        %gather3A_365 = tpu.dynamic_gather %add3A_359[%gather3A_364] in [0] : vector<16xf32>, vector<16xi32> -> vector<16xf32>
        %add3A_366 = arith.addf %add3A_359, %gather3A_365 : vector<16xf32>
        %xor3A_367 = arith.constant 1 : i32
        %xor3A_368 = vector.broadcast %xor3A_367 : i32 to vector<16xi32>
        %xor3A_369 = arith.xori %iota3A_126, %xor3A_368 : vector<16xi32>
        %broadcast_in_dim3A_370 = vector.shape_cast %xor3A_369 : vector<16xi32> to vector<16x1xi32>
        %gather3A_371 = vector.shape_cast %broadcast_in_dim3A_370 : vector<16x1xi32> to vector<16xi32>
        %gather3A_372 = tpu.dynamic_gather %add3A_366[%gather3A_371] in [0] : vector<16xf32>, vector<16xi32> -> vector<16xf32>
        %add3A_373 = arith.addf %add3A_366, %gather3A_372 : vector<16xf32>
        %eq3A_374 = vector.broadcast %scan3A_202 : i32 to vector<16xi32>
        %eq3A_375 = arith.cmpi eq, %iota3A_126, %eq3A_374 : vector<16xi32>
        %select_n3A = arith.select %eq3A_375, %add3A_373, %scan3A_203 : vector<16xi1>, vector<16xf32>
        scf.yield %select_n3A : vector<16xf32>
      }
      %scan3A_136 = arith.constant 16 : i32
      %add3A_137 = arith.constant 2 : i32
      %add3A_138 = arith.addi %add3A_114, %add3A_137 : i32
      %lt3A_139 = arith.constant 314 : i32
      %lt3A_140 = arith.cmpi slt, %add3A_138, %lt3A_139 : i32
      %convert_element_type3A_141 = arith.extui %lt3A_140 : i1 to i32
      %cond3A_142 = arith.constant 0 : i32
      %cond3A_143 = arith.cmpi ne, %convert_element_type3A_141, %cond3A_142 : i32
      scf.if %cond3A_143 {
        %add3A_202 = arith.constant 2 : i32
        %add3A_203 = arith.addi %add3A_114, %add3A_202 : i32
        %mul3A_204 = arith.constant 16 : i32
        %mul3A_205 = arith.muli %add3A_203, %mul3A_204 : i32
        %mul3A_206 = arith.constant 16 : i32
        %mul3A_207 = arith.muli %add3A_203, %mul3A_206 : i32
        %dma_start3A_208 = tpu.memref_slice %arg19[%mul3A_205] : memref<5024xi32, #tpu.memory_space<vmem>> -> memref<16xi32, #tpu.memory_space<vmem>>
        %dma_start3A_209 = arith.constant 0 : i32
        %dma_start3A_210 = arith.constant 0 : i32
        %dma_start3A_211 = tpu.memref_slice %arg6[%dma_start3A_209, %dma_start3A_210] : memref<10000x512xbf16, #tpu.memory_space<hbm>> -> memref<10000x512xbf16, #tpu.memory_space<hbm>>
        tpu.enqueue_indirect_dma source(%dma_start3A_211 : memref<10000x512xbf16, #tpu.memory_space<hbm>>) target(%arg15 : memref<16x512xbf16, #tpu.memory_space<vmem>>) offsets(%dma_start3A_208 : memref<16xi32, #tpu.memory_space<vmem>>) semaphore(%arg24 : memref<!tpu.dma_semaphore, #tpu.memory_space<semaphore_mem>>)
        %dma_start3A_212 = tpu.memref_slice %arg20[%mul3A_207] : memref<5024xi32, #tpu.memory_space<vmem>> -> memref<16xi32, #tpu.memory_space<vmem>>
        %dma_start3A_213 = arith.constant 0 : i32
        %dma_start3A_214 = arith.constant 0 : i32
        %dma_start3A_215 = tpu.memref_slice %arg7[%dma_start3A_213, %dma_start3A_214] : memref<10000x512xbf16, #tpu.memory_space<hbm>> -> memref<10000x512xbf16, #tpu.memory_space<hbm>>
        tpu.enqueue_indirect_dma source(%dma_start3A_215 : memref<10000x512xbf16, #tpu.memory_space<hbm>>) target(%arg17 : memref<16x512xbf16, #tpu.memory_space<vmem>>) offsets(%dma_start3A_212 : memref<16xi32, #tpu.memory_space<vmem>>) semaphore(%arg24 : memref<!tpu.dma_semaphore, #tpu.memory_space<semaphore_mem>>)
      } else {
      }
      %mul3A_144 = arith.constant 16 : i32
      %mul3A_145 = arith.muli %add3A_114, %mul3A_144 : i32
      %get3A = arith.index_cast %mul3A_145 : i32 to index
      %get3A_146 = tpu.vector_load %arg20[%get3A] {strides = array<i32>} : memref<5024xi32, #tpu.memory_space<vmem>>, vector<16xi32>,
      %mul3A_147 = arith.constant 16 : i32
      %mul3A_148 = arith.muli %add3A_114, %mul3A_147 : i32
      %add3A_149 = arith.addi %mul3A_2, %mul3A_148 : i32
      %add3A_150 = vector.broadcast %add3A_149 : i32 to vector<16xi32>
      %add3A_151 = arith.addi %add3A_150, %iota3A : vector<16xi32>
      %lt3A_152 = arith.constant 160000 : i32
      %lt3A_153 = vector.broadcast %lt3A_152 : i32 to vector<16xi32>
      %lt3A_154 = arith.cmpi slt, %add3A_151, %lt3A_153 : vector<16xi32>
      tpu.vector_store_idx %arg21[%get3A_146], %scan3A_135 masked %lt3A_154 {add = true} : memref<10000xf32, #tpu.memory_space<vmem>>[vector<16xi32>], vector<16xf32>, vector<16xi1>
      %mul3A_155 = arith.constant 2 : i32
      %mul3A_156 = arith.muli %scan3A_109, %mul3A_155 : i32
      %add3A_157 = arith.constant 1 : i32
      %add3A_158 = arith.addi %mul3A_156, %add3A_157 : i32
      %mul3A_159 = arith.constant 16 : i32
      %mul3A_160 = arith.muli %add3A_158, %mul3A_159 : i32
      %mul3A_161 = arith.constant 16 : i32
      %mul3A_162 = arith.muli %add3A_158, %mul3A_161 : i32
      %dma_wait3A_163 = tpu.memref_slice %arg19[%mul3A_160] : memref<5024xi32, #tpu.memory_space<vmem>> -> memref<16xi32, #tpu.memory_space<vmem>>
      %dma_wait3A_164 = arith.constant 0 : i32
      %dma_wait3A_165 = arith.constant 0 : i32
      %dma_wait3A_166 = tpu.memref_slice %arg6[%dma_wait3A_164, %dma_wait3A_165] : memref<10000x512xbf16, #tpu.memory_space<hbm>> -> memref<10000x512xbf16, #tpu.memory_space<hbm>>
      tpu.wait_indirect_dma semaphore(%arg25 : memref<!tpu.dma_semaphore, #tpu.memory_space<semaphore_mem>>) src(%dma_wait3A_166 : memref<10000x512xbf16, #tpu.memory_space<hbm>>) dst(%arg16 : memref<16x512xbf16, #tpu.memory_space<vmem>>)
      %dma_wait3A_167 = tpu.memref_slice %arg20[%mul3A_162] : memref<5024xi32, #tpu.memory_space<vmem>> -> memref<16xi32, #tpu.memory_space<vmem>>
      %dma_wait3A_168 = arith.constant 0 : i32
      %dma_wait3A_169 = arith.constant 0 : i32
      %dma_wait3A_170 = tpu.memref_slice %arg7[%dma_wait3A_168, %dma_wait3A_169] : memref<10000x512xbf16, #tpu.memory_space<hbm>> -> memref<10000x512xbf16, #tpu.memory_space<hbm>>
      tpu.wait_indirect_dma semaphore(%arg25 : memref<!tpu.dma_semaphore, #tpu.memory_space<semaphore_mem>>) src(%dma_wait3A_170 : memref<10000x512xbf16, #tpu.memory_space<hbm>>) dst(%arg18 : memref<16x512xbf16, #tpu.memory_space<vmem>>)
      %iota3A_171 = tpu.iota {dimensions = array<i32: 0>} : vector<16xi32>
      %broadcast_in_dim3A_172 = arith.constant 0.000000e+00 : f32
      %broadcast_in_dim3A_173 = vector.broadcast %broadcast_in_dim3A_172 : f32 to vector<16xf32>
      %broadcast_in_dim3A_174 = arith.constant 0.000000e+00 : bf16
      %broadcast_in_dim3A_175 = vector.broadcast %broadcast_in_dim3A_174 : bf16 to vector<32xbf16>
      %scan3A_176 = arith.constant 0 : i32
      %scan3A_177 = arith.constant 16 : i32
      %scan3A_178 = arith.addi %scan3A_176, %scan3A_177 : i32
      %scan3A_179 = arith.constant 1 : i32
      %scan3A_180 = scf.for %scan3A_202 = %scan3A_176 to %scan3A_178 step %scan3A_179 iter_args(%scan3A_203 = %broadcast_in_dim3A_173) -> (vector<16xf32>)  : i32 {
        %get3A_204 = arith.index_cast %scan3A_202 : i32 to index
        %get3A_205 = arith.constant 0 : index
        %get3A_206 = tpu.vector_load %arg16[%get3A_204, %get3A_205] {strides = array<i32>} : memref<16x512xbf16, #tpu.memory_space<vmem>>, vector<32xbf16>,
        %get3A_207 = arith.index_cast %scan3A_202 : i32 to index
        %get3A_208 = arith.constant 0 : index
        %get3A_209 = tpu.vector_load %arg18[%get3A_207, %get3A_208] {strides = array<i32>} : memref<16x512xbf16, #tpu.memory_space<vmem>>, vector<32xbf16>,
        %mul3A_210 = arith.mulf %get3A_206, %get3A_209 : vector<32xbf16>
        %add3A_211 = arith.addf %broadcast_in_dim3A_175, %mul3A_210 : vector<32xbf16>
        %get3A_212 = arith.index_cast %scan3A_202 : i32 to index
        %get3A_213 = arith.constant 32 : index
        %get3A_214 = tpu.vector_load %arg16[%get3A_212, %get3A_213] {strides = array<i32>} : memref<16x512xbf16, #tpu.memory_space<vmem>>, vector<32xbf16>,
        %get3A_215 = arith.index_cast %scan3A_202 : i32 to index
        %get3A_216 = arith.constant 32 : index
        %get3A_217 = tpu.vector_load %arg18[%get3A_215, %get3A_216] {strides = array<i32>} : memref<16x512xbf16, #tpu.memory_space<vmem>>, vector<32xbf16>,
        %mul3A_218 = arith.mulf %get3A_214, %get3A_217 : vector<32xbf16>
        %add3A_219 = arith.addf %broadcast_in_dim3A_175, %mul3A_218 : vector<32xbf16>
        %get3A_220 = arith.index_cast %scan3A_202 : i32 to index
        %get3A_221 = arith.constant 64 : index
        %get3A_222 = tpu.vector_load %arg16[%get3A_220, %get3A_221] {strides = array<i32>} : memref<16x512xbf16, #tpu.memory_space<vmem>>, vector<32xbf16>,
        %get3A_223 = arith.index_cast %scan3A_202 : i32 to index
        %get3A_224 = arith.constant 64 : index
        %get3A_225 = tpu.vector_load %arg18[%get3A_223, %get3A_224] {strides = array<i32>} : memref<16x512xbf16, #tpu.memory_space<vmem>>, vector<32xbf16>,
        %mul3A_226 = arith.mulf %get3A_222, %get3A_225 : vector<32xbf16>
        %add3A_227 = arith.addf %add3A_211, %mul3A_226 : vector<32xbf16>
        %get3A_228 = arith.index_cast %scan3A_202 : i32 to index
        %get3A_229 = arith.constant 96 : index
        %get3A_230 = tpu.vector_load %arg16[%get3A_228, %get3A_229] {strides = array<i32>} : memref<16x512xbf16, #tpu.memory_space<vmem>>, vector<32xbf16>,
        %get3A_231 = arith.index_cast %scan3A_202 : i32 to index
        %get3A_232 = arith.constant 96 : index
        %get3A_233 = tpu.vector_load %arg18[%get3A_231, %get3A_232] {strides = array<i32>} : memref<16x512xbf16, #tpu.memory_space<vmem>>, vector<32xbf16>,
        %mul3A_234 = arith.mulf %get3A_230, %get3A_233 : vector<32xbf16>
        %add3A_235 = arith.addf %add3A_219, %mul3A_234 : vector<32xbf16>
        %get3A_236 = arith.index_cast %scan3A_202 : i32 to index
        %get3A_237 = arith.constant 128 : index
        %get3A_238 = tpu.vector_load %arg16[%get3A_236, %get3A_237] {strides = array<i32>} : memref<16x512xbf16, #tpu.memory_space<vmem>>, vector<32xbf16>,
        %get3A_239 = arith.index_cast %scan3A_202 : i32 to index
        %get3A_240 = arith.constant 128 : index
        %get3A_241 = tpu.vector_load %arg18[%get3A_239, %get3A_240] {strides = array<i32>} : memref<16x512xbf16, #tpu.memory_space<vmem>>, vector<32xbf16>,
        %mul3A_242 = arith.mulf %get3A_238, %get3A_241 : vector<32xbf16>
        %add3A_243 = arith.addf %add3A_227, %mul3A_242 : vector<32xbf16>
        %get3A_244 = arith.index_cast %scan3A_202 : i32 to index
        %get3A_245 = arith.constant 160 : index
        %get3A_246 = tpu.vector_load %arg16[%get3A_244, %get3A_245] {strides = array<i32>} : memref<16x512xbf16, #tpu.memory_space<vmem>>, vector<32xbf16>,
        %get3A_247 = arith.index_cast %scan3A_202 : i32 to index
        %get3A_248 = arith.constant 160 : index
        %get3A_249 = tpu.vector_load %arg18[%get3A_247, %get3A_248] {strides = array<i32>} : memref<16x512xbf16, #tpu.memory_space<vmem>>, vector<32xbf16>,
        %mul3A_250 = arith.mulf %get3A_246, %get3A_249 : vector<32xbf16>
        %add3A_251 = arith.addf %add3A_235, %mul3A_250 : vector<32xbf16>
        %get3A_252 = arith.index_cast %scan3A_202 : i32 to index
        %get3A_253 = arith.constant 192 : index
        %get3A_254 = tpu.vector_load %arg16[%get3A_252, %get3A_253] {strides = array<i32>} : memref<16x512xbf16, #tpu.memory_space<vmem>>, vector<32xbf16>,
        %get3A_255 = arith.index_cast %scan3A_202 : i32 to index
        %get3A_256 = arith.constant 192 : index
        %get3A_257 = tpu.vector_load %arg18[%get3A_255, %get3A_256] {strides = array<i32>} : memref<16x512xbf16, #tpu.memory_space<vmem>>, vector<32xbf16>,
        %mul3A_258 = arith.mulf %get3A_254, %get3A_257 : vector<32xbf16>
        %add3A_259 = arith.addf %add3A_243, %mul3A_258 : vector<32xbf16>
        %get3A_260 = arith.index_cast %scan3A_202 : i32 to index
        %get3A_261 = arith.constant 224 : index
        %get3A_262 = tpu.vector_load %arg16[%get3A_260, %get3A_261] {strides = array<i32>} : memref<16x512xbf16, #tpu.memory_space<vmem>>, vector<32xbf16>,
        %get3A_263 = arith.index_cast %scan3A_202 : i32 to index
        %get3A_264 = arith.constant 224 : index
        %get3A_265 = tpu.vector_load %arg18[%get3A_263, %get3A_264] {strides = array<i32>} : memref<16x512xbf16, #tpu.memory_space<vmem>>, vector<32xbf16>,
        %mul3A_266 = arith.mulf %get3A_262, %get3A_265 : vector<32xbf16>
        %add3A_267 = arith.addf %add3A_251, %mul3A_266 : vector<32xbf16>
        %unpack3A = tpu.unpack_subelements %add3A_259, 0 {pack_format = #tpu.pack_format<interleaved>} : vector<32xbf16> -> vector<16xf32>
        %unpack3A_268 = tpu.unpack_subelements %add3A_259, 1 {pack_format = #tpu.pack_format<interleaved>} : vector<32xbf16> -> vector<16xf32>
        %add3A_269 = arith.addf %broadcast_in_dim3A_173, %unpack3A : vector<16xf32>
        %add3A_270 = arith.addf %broadcast_in_dim3A_173, %unpack3A_268 : vector<16xf32>
        %unpack3A_271 = tpu.unpack_subelements %add3A_267, 0 {pack_format = #tpu.pack_format<interleaved>} : vector<32xbf16> -> vector<16xf32>
        %unpack3A_272 = tpu.unpack_subelements %add3A_267, 1 {pack_format = #tpu.pack_format<interleaved>} : vector<32xbf16> -> vector<16xf32>
        %add3A_273 = arith.addf %add3A_269, %unpack3A_271 : vector<16xf32>
        %add3A_274 = arith.addf %add3A_270, %unpack3A_272 : vector<16xf32>
        %get3A_275 = arith.index_cast %scan3A_202 : i32 to index
        %get3A_276 = arith.constant 256 : index
        %get3A_277 = tpu.vector_load %arg16[%get3A_275, %get3A_276] {strides = array<i32>} : memref<16x512xbf16, #tpu.memory_space<vmem>>, vector<32xbf16>,
        %get3A_278 = arith.index_cast %scan3A_202 : i32 to index
        %get3A_279 = arith.constant 256 : index
        %get3A_280 = tpu.vector_load %arg18[%get3A_278, %get3A_279] {strides = array<i32>} : memref<16x512xbf16, #tpu.memory_space<vmem>>, vector<32xbf16>,
        %mul3A_281 = arith.mulf %get3A_277, %get3A_280 : vector<32xbf16>
        %add3A_282 = arith.addf %broadcast_in_dim3A_175, %mul3A_281 : vector<32xbf16>
        %get3A_283 = arith.index_cast %scan3A_202 : i32 to index
        %get3A_284 = arith.constant 288 : index
        %get3A_285 = tpu.vector_load %arg16[%get3A_283, %get3A_284] {strides = array<i32>} : memref<16x512xbf16, #tpu.memory_space<vmem>>, vector<32xbf16>,
        %get3A_286 = arith.index_cast %scan3A_202 : i32 to index
        %get3A_287 = arith.constant 288 : index
        %get3A_288 = tpu.vector_load %arg18[%get3A_286, %get3A_287] {strides = array<i32>} : memref<16x512xbf16, #tpu.memory_space<vmem>>, vector<32xbf16>,
        %mul3A_289 = arith.mulf %get3A_285, %get3A_288 : vector<32xbf16>
        %add3A_290 = arith.addf %broadcast_in_dim3A_175, %mul3A_289 : vector<32xbf16>
        %get3A_291 = arith.index_cast %scan3A_202 : i32 to index
        %get3A_292 = arith.constant 320 : index
        %get3A_293 = tpu.vector_load %arg16[%get3A_291, %get3A_292] {strides = array<i32>} : memref<16x512xbf16, #tpu.memory_space<vmem>>, vector<32xbf16>,
        %get3A_294 = arith.index_cast %scan3A_202 : i32 to index
        %get3A_295 = arith.constant 320 : index
        %get3A_296 = tpu.vector_load %arg18[%get3A_294, %get3A_295] {strides = array<i32>} : memref<16x512xbf16, #tpu.memory_space<vmem>>, vector<32xbf16>,
        %mul3A_297 = arith.mulf %get3A_293, %get3A_296 : vector<32xbf16>
        %add3A_298 = arith.addf %add3A_282, %mul3A_297 : vector<32xbf16>
        %get3A_299 = arith.index_cast %scan3A_202 : i32 to index
        %get3A_300 = arith.constant 352 : index
        %get3A_301 = tpu.vector_load %arg16[%get3A_299, %get3A_300] {strides = array<i32>} : memref<16x512xbf16, #tpu.memory_space<vmem>>, vector<32xbf16>,
        %get3A_302 = arith.index_cast %scan3A_202 : i32 to index
        %get3A_303 = arith.constant 352 : index
        %get3A_304 = tpu.vector_load %arg18[%get3A_302, %get3A_303] {strides = array<i32>} : memref<16x512xbf16, #tpu.memory_space<vmem>>, vector<32xbf16>,
        %mul3A_305 = arith.mulf %get3A_301, %get3A_304 : vector<32xbf16>
        %add3A_306 = arith.addf %add3A_290, %mul3A_305 : vector<32xbf16>
        %get3A_307 = arith.index_cast %scan3A_202 : i32 to index
        %get3A_308 = arith.constant 384 : index
        %get3A_309 = tpu.vector_load %arg16[%get3A_307, %get3A_308] {strides = array<i32>} : memref<16x512xbf16, #tpu.memory_space<vmem>>, vector<32xbf16>,
        %get3A_310 = arith.index_cast %scan3A_202 : i32 to index
        %get3A_311 = arith.constant 384 : index
        %get3A_312 = tpu.vector_load %arg18[%get3A_310, %get3A_311] {strides = array<i32>} : memref<16x512xbf16, #tpu.memory_space<vmem>>, vector<32xbf16>,
        %mul3A_313 = arith.mulf %get3A_309, %get3A_312 : vector<32xbf16>
        %add3A_314 = arith.addf %add3A_298, %mul3A_313 : vector<32xbf16>
        %get3A_315 = arith.index_cast %scan3A_202 : i32 to index
        %get3A_316 = arith.constant 416 : index
        %get3A_317 = tpu.vector_load %arg16[%get3A_315, %get3A_316] {strides = array<i32>} : memref<16x512xbf16, #tpu.memory_space<vmem>>, vector<32xbf16>,
        %get3A_318 = arith.index_cast %scan3A_202 : i32 to index
        %get3A_319 = arith.constant 416 : index
        %get3A_320 = tpu.vector_load %arg18[%get3A_318, %get3A_319] {strides = array<i32>} : memref<16x512xbf16, #tpu.memory_space<vmem>>, vector<32xbf16>,
        %mul3A_321 = arith.mulf %get3A_317, %get3A_320 : vector<32xbf16>
        %add3A_322 = arith.addf %add3A_306, %mul3A_321 : vector<32xbf16>
        %get3A_323 = arith.index_cast %scan3A_202 : i32 to index
        %get3A_324 = arith.constant 448 : index
        %get3A_325 = tpu.vector_load %arg16[%get3A_323, %get3A_324] {strides = array<i32>} : memref<16x512xbf16, #tpu.memory_space<vmem>>, vector<32xbf16>,
        %get3A_326 = arith.index_cast %scan3A_202 : i32 to index
        %get3A_327 = arith.constant 448 : index
        %get3A_328 = tpu.vector_load %arg18[%get3A_326, %get3A_327] {strides = array<i32>} : memref<16x512xbf16, #tpu.memory_space<vmem>>, vector<32xbf16>,
        %mul3A_329 = arith.mulf %get3A_325, %get3A_328 : vector<32xbf16>
        %add3A_330 = arith.addf %add3A_314, %mul3A_329 : vector<32xbf16>
        %get3A_331 = arith.index_cast %scan3A_202 : i32 to index
        %get3A_332 = arith.constant 480 : index
        %get3A_333 = tpu.vector_load %arg16[%get3A_331, %get3A_332] {strides = array<i32>} : memref<16x512xbf16, #tpu.memory_space<vmem>>, vector<32xbf16>,
        %get3A_334 = arith.index_cast %scan3A_202 : i32 to index
        %get3A_335 = arith.constant 480 : index
        %get3A_336 = tpu.vector_load %arg18[%get3A_334, %get3A_335] {strides = array<i32>} : memref<16x512xbf16, #tpu.memory_space<vmem>>, vector<32xbf16>,
        %mul3A_337 = arith.mulf %get3A_333, %get3A_336 : vector<32xbf16>
        %add3A_338 = arith.addf %add3A_322, %mul3A_337 : vector<32xbf16>
        %unpack3A_339 = tpu.unpack_subelements %add3A_330, 0 {pack_format = #tpu.pack_format<interleaved>} : vector<32xbf16> -> vector<16xf32>
        %unpack3A_340 = tpu.unpack_subelements %add3A_330, 1 {pack_format = #tpu.pack_format<interleaved>} : vector<32xbf16> -> vector<16xf32>
        %add3A_341 = arith.addf %add3A_273, %unpack3A_339 : vector<16xf32>
        %add3A_342 = arith.addf %add3A_274, %unpack3A_340 : vector<16xf32>
        %unpack3A_343 = tpu.unpack_subelements %add3A_338, 0 {pack_format = #tpu.pack_format<interleaved>} : vector<32xbf16> -> vector<16xf32>
        %unpack3A_344 = tpu.unpack_subelements %add3A_338, 1 {pack_format = #tpu.pack_format<interleaved>} : vector<32xbf16> -> vector<16xf32>
        %add3A_345 = arith.addf %add3A_341, %unpack3A_343 : vector<16xf32>
        %add3A_346 = arith.addf %add3A_342, %unpack3A_344 : vector<16xf32>
        %add3A_347 = arith.addf %add3A_345, %add3A_346 : vector<16xf32>
        %xor3A = arith.constant 8 : i32
        %xor3A_348 = vector.broadcast %xor3A : i32 to vector<16xi32>
        %xor3A_349 = arith.xori %iota3A_171, %xor3A_348 : vector<16xi32>
        %broadcast_in_dim3A_350 = vector.shape_cast %xor3A_349 : vector<16xi32> to vector<16x1xi32>
        %gather3A = vector.shape_cast %broadcast_in_dim3A_350 : vector<16x1xi32> to vector<16xi32>
        %gather3A_351 = tpu.dynamic_gather %add3A_347[%gather3A] in [0] : vector<16xf32>, vector<16xi32> -> vector<16xf32>
        %add3A_352 = arith.addf %add3A_347, %gather3A_351 : vector<16xf32>
        %xor3A_353 = arith.constant 4 : i32
        %xor3A_354 = vector.broadcast %xor3A_353 : i32 to vector<16xi32>
        %xor3A_355 = arith.xori %iota3A_171, %xor3A_354 : vector<16xi32>
        %broadcast_in_dim3A_356 = vector.shape_cast %xor3A_355 : vector<16xi32> to vector<16x1xi32>
        %gather3A_357 = vector.shape_cast %broadcast_in_dim3A_356 : vector<16x1xi32> to vector<16xi32>
        %gather3A_358 = tpu.dynamic_gather %add3A_352[%gather3A_357] in [0] : vector<16xf32>, vector<16xi32> -> vector<16xf32>
        %add3A_359 = arith.addf %add3A_352, %gather3A_358 : vector<16xf32>
        %xor3A_360 = arith.constant 2 : i32
        %xor3A_361 = vector.broadcast %xor3A_360 : i32 to vector<16xi32>
        %xor3A_362 = arith.xori %iota3A_171, %xor3A_361 : vector<16xi32>
        %broadcast_in_dim3A_363 = vector.shape_cast %xor3A_362 : vector<16xi32> to vector<16x1xi32>
        %gather3A_364 = vector.shape_cast %broadcast_in_dim3A_363 : vector<16x1xi32> to vector<16xi32>
        %gather3A_365 = tpu.dynamic_gather %add3A_359[%gather3A_364] in [0] : vector<16xf32>, vector<16xi32> -> vector<16xf32>
        %add3A_366 = arith.addf %add3A_359, %gather3A_365 : vector<16xf32>
        %xor3A_367 = arith.constant 1 : i32
        %xor3A_368 = vector.broadcast %xor3A_367 : i32 to vector<16xi32>
        %xor3A_369 = arith.xori %iota3A_171, %xor3A_368 : vector<16xi32>
        %broadcast_in_dim3A_370 = vector.shape_cast %xor3A_369 : vector<16xi32> to vector<16x1xi32>
        %gather3A_371 = vector.shape_cast %broadcast_in_dim3A_370 : vector<16x1xi32> to vector<16xi32>
        %gather3A_372 = tpu.dynamic_gather %add3A_366[%gather3A_371] in [0] : vector<16xf32>, vector<16xi32> -> vector<16xf32>
        %add3A_373 = arith.addf %add3A_366, %gather3A_372 : vector<16xf32>
        %eq3A_374 = vector.broadcast %scan3A_202 : i32 to vector<16xi32>
        %eq3A_375 = arith.cmpi eq, %iota3A_171, %eq3A_374 : vector<16xi32>
        %select_n3A = arith.select %eq3A_375, %add3A_373, %scan3A_203 : vector<16xi1>, vector<16xf32>
        scf.yield %select_n3A : vector<16xf32>
      }
      %scan3A_181 = arith.constant 16 : i32
      %add3A_182 = arith.constant 2 : i32
      %add3A_183 = arith.addi %add3A_158, %add3A_182 : i32
      %lt3A_184 = arith.constant 314 : i32
      %lt3A_185 = arith.cmpi slt, %add3A_183, %lt3A_184 : i32
      %convert_element_type3A_186 = arith.extui %lt3A_185 : i1 to i32
      %cond3A_187 = arith.constant 0 : i32
      %cond3A_188 = arith.cmpi ne, %convert_element_type3A_186, %cond3A_187 : i32
      scf.if %cond3A_188 {
        %add3A_202 = arith.constant 2 : i32
        %add3A_203 = arith.addi %add3A_158, %add3A_202 : i32
        %mul3A_204 = arith.constant 16 : i32
        %mul3A_205 = arith.muli %add3A_203, %mul3A_204 : i32
        %mul3A_206 = arith.constant 16 : i32
        %mul3A_207 = arith.muli %add3A_203, %mul3A_206 : i32
        %dma_start3A_208 = tpu.memref_slice %arg19[%mul3A_205] : memref<5024xi32, #tpu.memory_space<vmem>> -> memref<16xi32, #tpu.memory_space<vmem>>
        %dma_start3A_209 = arith.constant 0 : i32
        %dma_start3A_210 = arith.constant 0 : i32
        %dma_start3A_211 = tpu.memref_slice %arg6[%dma_start3A_209, %dma_start3A_210] : memref<10000x512xbf16, #tpu.memory_space<hbm>> -> memref<10000x512xbf16, #tpu.memory_space<hbm>>
        tpu.enqueue_indirect_dma source(%dma_start3A_211 : memref<10000x512xbf16, #tpu.memory_space<hbm>>) target(%arg16 : memref<16x512xbf16, #tpu.memory_space<vmem>>) offsets(%dma_start3A_208 : memref<16xi32, #tpu.memory_space<vmem>>) semaphore(%arg25 : memref<!tpu.dma_semaphore, #tpu.memory_space<semaphore_mem>>)
        %dma_start3A_212 = tpu.memref_slice %arg20[%mul3A_207] : memref<5024xi32, #tpu.memory_space<vmem>> -> memref<16xi32, #tpu.memory_space<vmem>>
        %dma_start3A_213 = arith.constant 0 : i32
        %dma_start3A_214 = arith.constant 0 : i32
        %dma_start3A_215 = tpu.memref_slice %arg7[%dma_start3A_213, %dma_start3A_214] : memref<10000x512xbf16, #tpu.memory_space<hbm>> -> memref<10000x512xbf16, #tpu.memory_space<hbm>>
        tpu.enqueue_indirect_dma source(%dma_start3A_215 : memref<10000x512xbf16, #tpu.memory_space<hbm>>) target(%arg18 : memref<16x512xbf16, #tpu.memory_space<vmem>>) offsets(%dma_start3A_212 : memref<16xi32, #tpu.memory_space<vmem>>) semaphore(%arg25 : memref<!tpu.dma_semaphore, #tpu.memory_space<semaphore_mem>>)
      } else {
      }
      %mul3A_189 = arith.constant 16 : i32
      %mul3A_190 = arith.muli %add3A_158, %mul3A_189 : i32
      %get3A_191 = arith.index_cast %mul3A_190 : i32 to index
      %get3A_192 = tpu.vector_load %arg20[%get3A_191] {strides = array<i32>} : memref<5024xi32, #tpu.memory_space<vmem>>, vector<16xi32>,
      %mul3A_193 = arith.constant 16 : i32
      %mul3A_194 = arith.muli %add3A_158, %mul3A_193 : i32
      %add3A_195 = arith.addi %mul3A_2, %mul3A_194 : i32
      %add3A_196 = vector.broadcast %add3A_195 : i32 to vector<16xi32>
      %add3A_197 = arith.addi %add3A_196, %iota3A : vector<16xi32>
      %lt3A_198 = arith.constant 160000 : i32
      %lt3A_199 = vector.broadcast %lt3A_198 : i32 to vector<16xi32>
      %lt3A_200 = arith.cmpi slt, %add3A_197, %lt3A_199 : vector<16xi32>
      tpu.vector_store_idx %arg21[%get3A_192], %scan3A_180 masked %lt3A_200 {add = true} : memref<10000xf32, #tpu.memory_space<vmem>>[vector<16xi32>], vector<16xf32>, vector<16xi1>
      %scan3A_201 = arith.constant 0 : i32
      scf.yield %scan3A_201 : i32
    }
    %scan3A_108 = arith.constant 157 : i32
    "tpu.region"() ({
      %run_scoped3A = tpu.sem_alloc : memref<!tpu.dma_semaphore, #tpu.memory_space<semaphore_mem>>
      %dma_start3A_109 = arith.constant 0 : i32
      %dma_start3A_110 = tpu.memref_slice %arg10[%add3A, %dma_start3A_109] : memref<32x10000xf32, #tpu.memory_space<hbm>> -> memref<1x10000xf32, #tpu.memory_space<hbm>>
      %dma_start3A_111 = tpu.memref_squeeze %dma_start3A_110 : memref<1x10000xf32, #tpu.memory_space<hbm>> -> memref<10000xf32, #tpu.memory_space<hbm>>
      %dma_start3A_112 = arith.constant 0 : i32
      %dma_start3A_113 = tpu.memref_slice %arg10[%add3A, %dma_start3A_112] : memref<32x10000xf32, #tpu.memory_space<hbm>> -> memref<1x10000xf32, #tpu.memory_space<hbm>>
      %dma_start3A_114 = tpu.memref_squeeze %dma_start3A_113 : memref<1x10000xf32, #tpu.memory_space<hbm>> -> memref<10000xf32, #tpu.memory_space<hbm>>
      tpu.enqueue_dma source(%arg21 : memref<10000xf32, #tpu.memory_space<vmem>>) target(%dma_start3A_114 : memref<10000xf32, #tpu.memory_space<hbm>>) target_semaphore(%run_scoped3A : memref<!tpu.dma_semaphore, #tpu.memory_space<semaphore_mem>>)
      %dma_wait3A = arith.constant 0 : i32
      %dma_wait3A_115 = tpu.memref_slice %arg10[%add3A, %dma_wait3A] : memref<32x10000xf32, #tpu.memory_space<hbm>> -> memref<1x10000xf32, #tpu.memory_space<hbm>>
      %dma_wait3A_116 = tpu.memref_squeeze %dma_wait3A_115 : memref<1x10000xf32, #tpu.memory_space<hbm>> -> memref<10000xf32, #tpu.memory_space<hbm>>
      %dma_wait3A_117 = arith.constant 0 : i32
      %dma_wait3A_118 = tpu.memref_slice %arg10[%add3A, %dma_wait3A_117] : memref<32x10000xf32, #tpu.memory_space<hbm>> -> memref<1x10000xf32, #tpu.memory_space<hbm>>
      %dma_wait3A_119 = tpu.memref_squeeze %dma_wait3A_118 : memref<1x10000xf32, #tpu.memory_space<hbm>> -> memref<10000xf32, #tpu.memory_space<hbm>>
      tpu.wait_dma2 semaphore(%run_scoped3A : memref<!tpu.dma_semaphore, #tpu.memory_space<semaphore_mem>>) src(%arg21 : memref<10000xf32, #tpu.memory_space<vmem>>) dst(%dma_wait3A_119 : memref<10000xf32, #tpu.memory_space<hbm>>)
      tpu.yield
    }) : () -> ()
    return
  }
}

module attributes {stable_mosaic.version = 14 : i64} {
  func.func @_prep_body(%arg0: i32, %arg1: memref<400x2xf32, #tpu.memory_space<vmem>>, %arg2: memref<10000x2xf32, #tpu.memory_space<vmem>>, %arg3: memref<2x32xf32, #tpu.memory_space<vmem>>, %arg4: memref<32xf32, #tpu.memory_space<vmem>>, %arg5: memref<32xf32, #tpu.memory_space<vmem>>, %arg6: memref<32xf32, #tpu.memory_space<vmem>>, %arg7: memref<1x1xf32, #tpu.memory_space<vmem>>, %arg8: memref<32x32xf32, #tpu.memory_space<vmem>>, %arg9: memref<32xf32, #tpu.memory_space<vmem>>, %arg10: memref<32x32xf32, #tpu.memory_space<vmem>>, %arg11: memref<32xf32, #tpu.memory_space<vmem>>, %arg12: memref<32x1xf32, #tpu.memory_space<vmem>>, %arg13: memref<32x32xf32, #tpu.memory_space<vmem>>, %arg14: memref<32xf32, #tpu.memory_space<vmem>>, %arg15: memref<32x1xf32, #tpu.memory_space<vmem>>, %arg16: memref<400x2048xf32, #tpu.memory_space<vmem>>, %arg17: memref<400x512xf32, #tpu.memory_space<vmem>>, %arg18: memref<400x1024xbf16, #tpu.memory_space<vmem>>, %arg19: memref<400x1024xbf16, #tpu.memory_space<vmem>>, %arg20: memref<400x1024xbf16, #tpu.memory_space<vmem>>, %arg21: memref<400x1024xbf16, #tpu.memory_space<vmem>>, %arg22: memref<400x512xbf16, #tpu.memory_space<vmem>>, %arg23: memref<400x512xbf16, #tpu.memory_space<vmem>>) attributes {dimension_semantics = [#tpu.dimension_semantics<arbitrary>], iteration_bounds = array<i64: 25>, scalar_prefetch = 0 : i64, scratch_operands = 0 : i64, tpu.core_type = #tpu.core_type<tc>, window_params = [{transform_indices = @transform_0, window_bounds = array<i64: 400, 2>}, {pipeline_mode = #tpu.pipeline_mode<synchronous>, transform_indices = @transform_1, window_bounds = array<i64: 10000, 2>}, {pipeline_mode = #tpu.pipeline_mode<synchronous>, transform_indices = @transform_2, window_bounds = array<i64: 2, 32>}, {pipeline_mode = #tpu.pipeline_mode<synchronous>, transform_indices = @transform_3, window_bounds = array<i64: 32>}, {pipeline_mode = #tpu.pipeline_mode<synchronous>, transform_indices = @transform_4, window_bounds = array<i64: 32>}, {pipeline_mode = #tpu.pipeline_mode<synchronous>, transform_indices = @transform_5, window_bounds = array<i64: 32>}, {pipeline_mode = #tpu.pipeline_mode<synchronous>, transform_indices = @transform_6, window_bounds = array<i64: 1, 1>}, {pipeline_mode = #tpu.pipeline_mode<synchronous>, transform_indices = @transform_7, window_bounds = array<i64: 32, 32>}, {pipeline_mode = #tpu.pipeline_mode<synchronous>, transform_indices = @transform_8, window_bounds = array<i64: 32>}, {pipeline_mode = #tpu.pipeline_mode<synchronous>, transform_indices = @transform_9, window_bounds = array<i64: 32, 32>}, {pipeline_mode = #tpu.pipeline_mode<synchronous>, transform_indices = @transform_10, window_bounds = array<i64: 32>}, {pipeline_mode = #tpu.pipeline_mode<synchronous>, transform_indices = @transform_11, window_bounds = array<i64: 32, 1>}, {pipeline_mode = #tpu.pipeline_mode<synchronous>, transform_indices = @transform_12, window_bounds = array<i64: 32, 32>}, {pipeline_mode = #tpu.pipeline_mode<synchronous>, transform_indices = @transform_13, window_bounds = array<i64: 32>}, {pipeline_mode = #tpu.pipeline_mode<synchronous>, transform_indices = @transform_14, window_bounds = array<i64: 32, 1>}, {transform_indices = @transform_15, window_bounds = array<i64: 400, 2048>}, {transform_indices = @transform_16, window_bounds = array<i64: 400, 512>}, {transform_indices = @transform_17, window_bounds = array<i64: 400, 1024>}, {transform_indices = @transform_18, window_bounds = array<i64: 400, 1024>}, {transform_indices = @transform_19, window_bounds = array<i64: 400, 1024>}, {transform_indices = @transform_20, window_bounds = array<i64: 400, 1024>}, {transform_indices = @transform_21, window_bounds = array<i64: 400, 512>}, {transform_indices = @transform_22, window_bounds = array<i64: 400, 512>}]} {
    %get3A = arith.constant 0 : index
    %get3A_0 = arith.constant 0 : index
    %get3A_1 = vector.load %arg2[%get3A, %get3A_0] : memref<10000x2xf32, #tpu.memory_space<vmem>>, vector<10000x2xf32>
    %get3A_2 = arith.constant 0 : index
    %get3A_3 = arith.constant 0 : index
    %get3A_4 = vector.load %arg3[%get3A_2, %get3A_3] : memref<2x32xf32, #tpu.memory_space<vmem>>, vector<2x32xf32>
    %dot_general3A = arith.constant dense<0.000000e+00> : vector<10000x32xf32>
    %dot_general3A_5 = tpu.matmul %get3A_1, %get3A_4, %dot_general3A {dimension_numbers = #tpu.dot_dimension_numbers<[1], [0], [0], [1], [0, 0, 1, 1], [], []>, transpose_lhs_hint = false} : vector<10000x2xf32>, vector<2x32xf32>, vector<10000x32xf32> -> vector<10000x32xf32>
    %get3A_6 = arith.constant 0 : index
    %get3A_7 = vector.load %arg4[%get3A_6] : memref<32xf32, #tpu.memory_space<vmem>>, vector<32xf32>
    %broadcast_in_dim3A = vector.shape_cast %get3A_7 : vector<32xf32> to vector<1x32xf32>
    %add3A = vector.broadcast %broadcast_in_dim3A : vector<1x32xf32> to vector<10000x32xf32>
    %add3A_8 = arith.addf %dot_general3A_5, %add3A : vector<10000x32xf32>
    %reduce_sum3A = arith.constant dense<0.000000e+00> : vector<32xf32>
    %reduce_sum3A_9 = vector.multi_reduction <add>, %add3A_8, %reduce_sum3A [0] : vector<10000x32xf32> to vector<32xf32>
    %div3A = arith.constant 1.000000e+04 : f32
    %div3A_10 = vector.broadcast %div3A : f32 to vector<32xf32>
    %div3A_11 = arith.divf %reduce_sum3A_9, %div3A_10 : vector<32xf32>
    %broadcast_in_dim3A_12 = vector.shape_cast %div3A_11 : vector<32xf32> to vector<1x32xf32>
    %sub3A = vector.broadcast %broadcast_in_dim3A_12 : vector<1x32xf32> to vector<10000x32xf32>
    %sub3A_13 = arith.subf %add3A_8, %sub3A : vector<10000x32xf32>
    %integer_pow3A = arith.mulf %sub3A_13, %sub3A_13 : vector<10000x32xf32>
    %reduce_sum3A_14 = arith.constant dense<0.000000e+00> : vector<32xf32>
    %reduce_sum3A_15 = vector.multi_reduction <add>, %integer_pow3A, %reduce_sum3A_14 [0] : vector<10000x32xf32> to vector<32xf32>
    %div3A_16 = arith.constant 1.000000e+04 : f32
    %div3A_17 = vector.broadcast %div3A_16 : f32 to vector<32xf32>
    %div3A_18 = arith.divf %reduce_sum3A_15, %div3A_17 : vector<32xf32>
    %get3A_19 = arith.constant 0 : index
    %get3A_20 = arith.constant 0 : index
    %get3A_21 = vector.load %arg1[%get3A_19, %get3A_20] : memref<400x2xf32, #tpu.memory_space<vmem>>, vector<400x2xf32>
    %get3A_22 = arith.constant 0 : index
    %get3A_23 = arith.constant 0 : index
    %get3A_24 = vector.load %arg3[%get3A_22, %get3A_23] : memref<2x32xf32, #tpu.memory_space<vmem>>, vector<2x32xf32>
    %dot_general3A_25 = arith.constant dense<0.000000e+00> : vector<400x32xf32>
    %dot_general3A_26 = tpu.matmul %get3A_21, %get3A_24, %dot_general3A_25 {dimension_numbers = #tpu.dot_dimension_numbers<[1], [0], [0], [1], [0, 0, 1, 1], [], []>, transpose_lhs_hint = false} : vector<400x2xf32>, vector<2x32xf32>, vector<400x32xf32> -> vector<400x32xf32>
    %get3A_27 = arith.constant 0 : index
    %get3A_28 = vector.load %arg4[%get3A_27] : memref<32xf32, #tpu.memory_space<vmem>>, vector<32xf32>
    %broadcast_in_dim3A_29 = vector.shape_cast %get3A_28 : vector<32xf32> to vector<1x32xf32>
    %add3A_30 = vector.broadcast %broadcast_in_dim3A_29 : vector<1x32xf32> to vector<400x32xf32>
    %add3A_31 = arith.addf %dot_general3A_26, %add3A_30 : vector<400x32xf32>
    %broadcast_in_dim3A_32 = vector.shape_cast %div3A_11 : vector<32xf32> to vector<1x32xf32>
    %sub3A_33 = vector.broadcast %broadcast_in_dim3A_32 : vector<1x32xf32> to vector<400x32xf32>
    %sub3A_34 = arith.subf %add3A_31, %sub3A_33 : vector<400x32xf32>
    %add3A_35 = arith.constant 9.99999974E-6 : f32
    %add3A_36 = vector.broadcast %add3A_35 : f32 to vector<32xf32>
    %add3A_37 = arith.addf %div3A_18, %add3A_36 : vector<32xf32>
    %sqrt3A = math.sqrt %add3A_37 : vector<32xf32>
    %broadcast_in_dim3A_38 = vector.shape_cast %sqrt3A : vector<32xf32> to vector<1x32xf32>
    %div3A_39 = vector.broadcast %broadcast_in_dim3A_38 : vector<1x32xf32> to vector<400x32xf32>
    %div3A_40 = arith.divf %sub3A_34, %div3A_39 : vector<400x32xf32>
    %get3A_41 = arith.constant 0 : index
    %get3A_42 = vector.load %arg5[%get3A_41] : memref<32xf32, #tpu.memory_space<vmem>>, vector<32xf32>
    %broadcast_in_dim3A_43 = vector.shape_cast %get3A_42 : vector<32xf32> to vector<1x32xf32>
    %mul3A = vector.broadcast %broadcast_in_dim3A_43 : vector<1x32xf32> to vector<400x32xf32>
    %mul3A_44 = arith.mulf %div3A_40, %mul3A : vector<400x32xf32>
    %get3A_45 = arith.constant 0 : index
    %get3A_46 = vector.load %arg6[%get3A_45] : memref<32xf32, #tpu.memory_space<vmem>>, vector<32xf32>
    %broadcast_in_dim3A_47 = vector.shape_cast %get3A_46 : vector<32xf32> to vector<1x32xf32>
    %add3A_48 = vector.broadcast %broadcast_in_dim3A_47 : vector<1x32xf32> to vector<400x32xf32>
    %add3A_49 = arith.addf %mul3A_44, %add3A_48 : vector<400x32xf32>
    %ge3A = arith.constant 0.000000e+00 : f32
    %ge3A_50 = vector.broadcast %ge3A : f32 to vector<400x32xf32>
    %ge3A_51 = arith.cmpf oge, %add3A_49, %ge3A_50 : vector<400x32xf32>
    %get3A_52 = arith.constant 0 : index
    %get3A_53 = arith.constant 0 : index
    %get3A_54 = vector.load %arg7[%get3A_52, %get3A_53] : memref<1x1xf32, #tpu.memory_space<vmem>>, vector<1x1xf32>
    %get3A_55 = vector.extract %get3A_54[0, 0] : f32 from vector<1x1xf32>
    %mul3A_56 = vector.broadcast %get3A_55 : f32 to vector<400x32xf32>
    %mul3A_57 = arith.mulf %mul3A_56, %add3A_49 : vector<400x32xf32>
    %select_n3A = arith.select %ge3A_51, %add3A_49, %mul3A_57 : vector<400x32xi1>, vector<400x32xf32>
    %get3A_58 = arith.constant 0 : index
    %get3A_59 = arith.constant 0 : index
    %get3A_60 = vector.load %arg8[%get3A_58, %get3A_59] : memref<32x32xf32, #tpu.memory_space<vmem>>, vector<32x32xf32>
    %dot_general3A_61 = arith.constant dense<0.000000e+00> : vector<400x32xf32>
    %dot_general3A_62 = tpu.matmul %select_n3A, %get3A_60, %dot_general3A_61 {dimension_numbers = #tpu.dot_dimension_numbers<[1], [0], [0], [1], [0, 0, 1, 1], [], []>, transpose_lhs_hint = false} : vector<400x32xf32>, vector<32x32xf32>, vector<400x32xf32> -> vector<400x32xf32>
    %get3A_63 = arith.constant 0 : index
    %get3A_64 = vector.load %arg9[%get3A_63] : memref<32xf32, #tpu.memory_space<vmem>>, vector<32xf32>
    %broadcast_in_dim3A_65 = vector.shape_cast %get3A_64 : vector<32xf32> to vector<1x32xf32>
    %add3A_66 = vector.broadcast %broadcast_in_dim3A_65 : vector<1x32xf32> to vector<400x32xf32>
    %add3A_67 = arith.addf %dot_general3A_62, %add3A_66 : vector<400x32xf32>
    %get3A_68 = arith.constant 0 : index
    %get3A_69 = arith.constant 0 : index
    %get3A_70 = vector.load %arg10[%get3A_68, %get3A_69] : memref<32x32xf32, #tpu.memory_space<vmem>>, vector<32x32xf32>
    %get3A_71 = arith.constant 0 : index
    %get3A_72 = arith.constant 0 : index
    %get3A_73 = vector.load %arg12[%get3A_71, %get3A_72] : memref<32x1xf32, #tpu.memory_space<vmem>>, vector<32x1xf32>
    %dot_general3A_74 = arith.constant dense<0.000000e+00> : vector<32x1xf32>
    %dot_general3A_75 = tpu.matmul %get3A_70, %get3A_73, %dot_general3A_74 {dimension_numbers = #tpu.dot_dimension_numbers<[1], [0], [0], [1], [0, 0, 1, 1], [], []>, transpose_lhs_hint = false} : vector<32x32xf32>, vector<32x1xf32>, vector<32x1xf32> -> vector<32x1xf32>
    %get3A_76 = arith.constant 0 : index
    %get3A_77 = arith.constant 0 : index
    %get3A_78 = vector.load %arg13[%get3A_76, %get3A_77] : memref<32x32xf32, #tpu.memory_space<vmem>>, vector<32x32xf32>
    %get3A_79 = arith.constant 0 : index
    %get3A_80 = arith.constant 0 : index
    %get3A_81 = vector.load %arg15[%get3A_79, %get3A_80] : memref<32x1xf32, #tpu.memory_space<vmem>>, vector<32x1xf32>
    %dot_general3A_82 = arith.constant dense<0.000000e+00> : vector<32x1xf32>
    %dot_general3A_83 = tpu.matmul %get3A_78, %get3A_81, %dot_general3A_82 {dimension_numbers = #tpu.dot_dimension_numbers<[1], [0], [0], [1], [0, 0, 1, 1], [], []>, transpose_lhs_hint = false} : vector<32x32xf32>, vector<32x1xf32>, vector<32x1xf32> -> vector<32x1xf32>
    %dot_general3A_84 = arith.constant dense<0.000000e+00> : vector<400x1xf32>
    %dot_general3A_85 = tpu.matmul %add3A_67, %dot_general3A_75, %dot_general3A_84 {dimension_numbers = #tpu.dot_dimension_numbers<[1], [0], [0], [1], [0, 0, 1, 1], [], []>, transpose_lhs_hint = false} : vector<400x32xf32>, vector<32x1xf32>, vector<400x1xf32> -> vector<400x1xf32>
    %get3A_86 = arith.constant 0 : index
    %get3A_87 = vector.load %arg11[%get3A_86] : memref<32xf32, #tpu.memory_space<vmem>>, vector<32xf32>
    %get3A_88 = arith.constant 0 : index
    %get3A_89 = arith.constant 0 : index
    %get3A_90 = vector.load %arg12[%get3A_88, %get3A_89] : memref<32x1xf32, #tpu.memory_space<vmem>>, vector<32x1xf32>
    %dot_general3A_91 = arith.constant dense<0.000000e+00> : vector<1xf32>
    %dot_general3A_92 = tpu.matmul %get3A_87, %get3A_90, %dot_general3A_91 {dimension_numbers = #tpu.dot_dimension_numbers<[0], [0], [], [1], [1, 1], [], []>, transpose_lhs_hint = false} : vector<32xf32>, vector<32x1xf32>, vector<1xf32> -> vector<1xf32>
    %broadcast_in_dim3A_93 = vector.shape_cast %dot_general3A_92 : vector<1xf32> to vector<1x1xf32>
    %add3A_94 = vector.broadcast %broadcast_in_dim3A_93 : vector<1x1xf32> to vector<400x1xf32>
    %add3A_95 = arith.addf %dot_general3A_85, %add3A_94 : vector<400x1xf32>
    %dot_general3A_96 = arith.constant dense<0.000000e+00> : vector<400x1xf32>
    %dot_general3A_97 = tpu.matmul %add3A_67, %dot_general3A_83, %dot_general3A_96 {dimension_numbers = #tpu.dot_dimension_numbers<[1], [0], [0], [1], [0, 0, 1, 1], [], []>, transpose_lhs_hint = false} : vector<400x32xf32>, vector<32x1xf32>, vector<400x1xf32> -> vector<400x1xf32>
    %get3A_98 = arith.constant 0 : index
    %get3A_99 = vector.load %arg14[%get3A_98] : memref<32xf32, #tpu.memory_space<vmem>>, vector<32xf32>
    %get3A_100 = arith.constant 0 : index
    %get3A_101 = arith.constant 0 : index
    %get3A_102 = vector.load %arg15[%get3A_100, %get3A_101] : memref<32x1xf32, #tpu.memory_space<vmem>>, vector<32x1xf32>
    %dot_general3A_103 = arith.constant dense<0.000000e+00> : vector<1xf32>
    %dot_general3A_104 = tpu.matmul %get3A_99, %get3A_102, %dot_general3A_103 {dimension_numbers = #tpu.dot_dimension_numbers<[0], [0], [], [1], [1, 1], [], []>, transpose_lhs_hint = false} : vector<32xf32>, vector<32x1xf32>, vector<1xf32> -> vector<1xf32>
    %broadcast_in_dim3A_105 = vector.shape_cast %dot_general3A_104 : vector<1xf32> to vector<1x1xf32>
    %add3A_106 = vector.broadcast %broadcast_in_dim3A_105 : vector<1x1xf32> to vector<400x1xf32>
    %add3A_107 = arith.addf %dot_general3A_97, %add3A_106 : vector<400x1xf32>
    %get3A_108 = arith.constant 0 : index
    %get3A_109 = arith.constant 0 : index
    %get3A_110 = vector.load %arg16[%get3A_108, %get3A_109] : memref<400x2048xf32, #tpu.memory_space<vmem>>, vector<400x2048xf32>
    %mul3A_111 = arith.mulf %get3A_110, %get3A_110 : vector<400x2048xf32>
    %reduce_sum3A_112 = arith.constant dense<0.000000e+00> : vector<400xf32>
    %reduce_sum3A_113 = vector.multi_reduction <add>, %mul3A_111, %reduce_sum3A_112 [1] : vector<400x2048xf32> to vector<400xf32>
    %broadcast_in_dim3A_114 = vector.shape_cast %reduce_sum3A_113 : vector<400xf32> to vector<400x1xf32>
    %sqrt3A_115 = math.sqrt %broadcast_in_dim3A_114 : vector<400x1xf32>
    %add3A_116 = arith.constant 9.99999993E-9 : f32
    %add3A_117 = vector.broadcast %add3A_116 : f32 to vector<400x1xf32>
    %add3A_118 = arith.addf %sqrt3A_115, %add3A_117 : vector<400x1xf32>
    %div3A_119 = arith.constant 1.000000e+00 : f32
    %div3A_120 = vector.broadcast %div3A_119 : f32 to vector<400x1xf32>
    %div3A_121 = arith.divf %div3A_120, %add3A_118 : vector<400x1xf32>
    %mul3A_122 = vector.broadcast %div3A_121 : vector<400x1xf32> to vector<400x2048xf32>
    %mul3A_123 = arith.mulf %get3A_110, %mul3A_122 : vector<400x2048xf32>
    %mul3A_124 = vector.broadcast %add3A_95 : vector<400x1xf32> to vector<400x2048xf32>
    %mul3A_125 = arith.mulf %mul3A_123, %mul3A_124 : vector<400x2048xf32>
    %slice3A = vector.extract_strided_slice %mul3A_125 {offsets = [0, 0], sizes = [400, 1024], strides = [1, 1]} : vector<400x2048xf32> to vector<400x1024xf32>
    %convert_element_type3A = arith.truncf %slice3A : vector<400x1024xf32> to vector<400x1024xbf16>
    %swap3A = arith.constant 0 : index
    %swap3A_126 = arith.constant 0 : index
    %swap3A_127 = vector.load %arg18[%swap3A, %swap3A_126] : memref<400x1024xbf16, #tpu.memory_space<vmem>>, vector<400x1024xbf16>
    tpu.vector_store %arg18[%swap3A, %swap3A_126], %convert_element_type3A {strides = array<i32>} : memref<400x1024xbf16, #tpu.memory_space<vmem>>, vector<400x1024xbf16>,
    %slice3A_128 = vector.extract_strided_slice %mul3A_125 {offsets = [0, 1024], sizes = [400, 1024], strides = [1, 1]} : vector<400x2048xf32> to vector<400x1024xf32>
    %convert_element_type3A_129 = arith.truncf %slice3A_128 : vector<400x1024xf32> to vector<400x1024xbf16>
    %swap3A_130 = arith.constant 0 : index
    %swap3A_131 = arith.constant 0 : index
    %swap3A_132 = vector.load %arg19[%swap3A_130, %swap3A_131] : memref<400x1024xbf16, #tpu.memory_space<vmem>>, vector<400x1024xbf16>
    tpu.vector_store %arg19[%swap3A_130, %swap3A_131], %convert_element_type3A_129 {strides = array<i32>} : memref<400x1024xbf16, #tpu.memory_space<vmem>>, vector<400x1024xbf16>,
    %slice3A_133 = vector.extract_strided_slice %mul3A_123 {offsets = [0, 0], sizes = [400, 1024], strides = [1, 1]} : vector<400x2048xf32> to vector<400x1024xf32>
    %convert_element_type3A_134 = arith.truncf %slice3A_133 : vector<400x1024xf32> to vector<400x1024xbf16>
    %swap3A_135 = arith.constant 0 : index
    %swap3A_136 = arith.constant 0 : index
    %swap3A_137 = vector.load %arg20[%swap3A_135, %swap3A_136] : memref<400x1024xbf16, #tpu.memory_space<vmem>>, vector<400x1024xbf16>
    tpu.vector_store %arg20[%swap3A_135, %swap3A_136], %convert_element_type3A_134 {strides = array<i32>} : memref<400x1024xbf16, #tpu.memory_space<vmem>>, vector<400x1024xbf16>,
    %slice3A_138 = vector.extract_strided_slice %mul3A_123 {offsets = [0, 1024], sizes = [400, 1024], strides = [1, 1]} : vector<400x2048xf32> to vector<400x1024xf32>
    %convert_element_type3A_139 = arith.truncf %slice3A_138 : vector<400x1024xf32> to vector<400x1024xbf16>
    %swap3A_140 = arith.constant 0 : index
    %swap3A_141 = arith.constant 0 : index
    %swap3A_142 = vector.load %arg21[%swap3A_140, %swap3A_141] : memref<400x1024xbf16, #tpu.memory_space<vmem>>, vector<400x1024xbf16>
    tpu.vector_store %arg21[%swap3A_140, %swap3A_141], %convert_element_type3A_139 {strides = array<i32>} : memref<400x1024xbf16, #tpu.memory_space<vmem>>, vector<400x1024xbf16>,
    %get3A_143 = arith.constant 0 : index
    %get3A_144 = arith.constant 0 : index
    %get3A_145 = vector.load %arg17[%get3A_143, %get3A_144] : memref<400x512xf32, #tpu.memory_space<vmem>>, vector<400x512xf32>
    %mul3A_146 = arith.mulf %get3A_145, %get3A_145 : vector<400x512xf32>
    %reduce_sum3A_147 = arith.constant dense<0.000000e+00> : vector<400xf32>
    %reduce_sum3A_148 = vector.multi_reduction <add>, %mul3A_146, %reduce_sum3A_147 [1] : vector<400x512xf32> to vector<400xf32>
    %broadcast_in_dim3A_149 = vector.shape_cast %reduce_sum3A_148 : vector<400xf32> to vector<400x1xf32>
    %sqrt3A_150 = math.sqrt %broadcast_in_dim3A_149 : vector<400x1xf32>
    %add3A_151 = arith.constant 9.99999993E-9 : f32
    %add3A_152 = vector.broadcast %add3A_151 : f32 to vector<400x1xf32>
    %add3A_153 = arith.addf %sqrt3A_150, %add3A_152 : vector<400x1xf32>
    %div3A_154 = arith.constant 1.000000e+00 : f32
    %div3A_155 = vector.broadcast %div3A_154 : f32 to vector<400x1xf32>
    %div3A_156 = arith.divf %div3A_155, %add3A_153 : vector<400x1xf32>
    %mul3A_157 = vector.broadcast %div3A_156 : vector<400x1xf32> to vector<400x512xf32>
    %mul3A_158 = arith.mulf %get3A_145, %mul3A_157 : vector<400x512xf32>
    %mul3A_159 = vector.broadcast %add3A_107 : vector<400x1xf32> to vector<400x512xf32>
    %mul3A_160 = arith.mulf %mul3A_158, %mul3A_159 : vector<400x512xf32>
    %convert_element_type3A_161 = arith.truncf %mul3A_160 : vector<400x512xf32> to vector<400x512xbf16>
    %swap3A_162 = arith.constant 0 : index
    %swap3A_163 = arith.constant 0 : index
    %swap3A_164 = vector.load %arg22[%swap3A_162, %swap3A_163] : memref<400x512xbf16, #tpu.memory_space<vmem>>, vector<400x512xbf16>
    tpu.vector_store %arg22[%swap3A_162, %swap3A_163], %convert_element_type3A_161 {strides = array<i32>} : memref<400x512xbf16, #tpu.memory_space<vmem>>, vector<400x512xbf16>,
    %convert_element_type3A_165 = arith.truncf %mul3A_158 : vector<400x512xf32> to vector<400x512xbf16>
    %swap3A_166 = arith.constant 0 : index
    %swap3A_167 = arith.constant 0 : index
    %swap3A_168 = vector.load %arg23[%swap3A_166, %swap3A_167] : memref<400x512xbf16, #tpu.memory_space<vmem>>, vector<400x512xbf16>
    tpu.vector_store %arg23[%swap3A_166, %swap3A_167], %convert_element_type3A_165 {strides = array<i32>} : memref<400x512xbf16, #tpu.memory_space<vmem>>, vector<400x512xbf16>,
    return
  }
  func.func @transform_0(%arg0: i32) -> (i32, i32) {
    %c0_i32 = arith.constant 0 : i32
    %c0_i32_0 = arith.constant 0 : i32
    return %arg0, %c0_i32 : i32, i32
  }
  func.func @transform_1(%arg0: i32) -> (i32, i32) {
    %c0_i32 = arith.constant 0 : i32
    %c0_i32_0 = arith.constant 0 : i32
    %c0_i32_1 = arith.constant 0 : i32
    return %c0_i32, %c0_i32_0 : i32, i32
  }
  func.func @transform_2(%arg0: i32) -> (i32, i32) {
    %c0_i32 = arith.constant 0 : i32
    %c0_i32_0 = arith.constant 0 : i32
    %c0_i32_1 = arith.constant 0 : i32
    return %c0_i32, %c0_i32_0 : i32, i32
  }
  func.func @transform_3(%arg0: i32) -> i32 {
    %c0_i32 = arith.constant 0 : i32
    %c0_i32_0 = arith.constant 0 : i32
    return %c0_i32 : i32
  }
  func.func @transform_4(%arg0: i32) -> i32 {
    %c0_i32 = arith.constant 0 : i32
    %c0_i32_0 = arith.constant 0 : i32
    return %c0_i32 : i32
  }
  func.func @transform_5(%arg0: i32) -> i32 {
    %c0_i32 = arith.constant 0 : i32
    %c0_i32_0 = arith.constant 0 : i32
    return %c0_i32 : i32
  }
  func.func @transform_6(%arg0: i32) -> (i32, i32) {
    %c0_i32 = arith.constant 0 : i32
    %c0_i32_0 = arith.constant 0 : i32
    %c0_i32_1 = arith.constant 0 : i32
    return %c0_i32, %c0_i32_0 : i32, i32
  }
  func.func @transform_7(%arg0: i32) -> (i32, i32) {
    %c0_i32 = arith.constant 0 : i32
    %c0_i32_0 = arith.constant 0 : i32
    %c0_i32_1 = arith.constant 0 : i32
    return %c0_i32, %c0_i32_0 : i32, i32
  }
  func.func @transform_8(%arg0: i32) -> i32 {
    %c0_i32 = arith.constant 0 : i32
    %c0_i32_0 = arith.constant 0 : i32
    return %c0_i32 : i32
  }
  func.func @transform_9(%arg0: i32) -> (i32, i32) {
    %c0_i32 = arith.constant 0 : i32
    %c0_i32_0 = arith.constant 0 : i32
    %c0_i32_1 = arith.constant 0 : i32
    return %c0_i32, %c0_i32_0 : i32, i32
  }
  func.func @transform_10(%arg0: i32) -> i32 {
    %c0_i32 = arith.constant 0 : i32
    %c0_i32_0 = arith.constant 0 : i32
    return %c0_i32 : i32
  }
  func.func @transform_11(%arg0: i32) -> (i32, i32) {
    %c0_i32 = arith.constant 0 : i32
    %c0_i32_0 = arith.constant 0 : i32
    %c0_i32_1 = arith.constant 0 : i32
    return %c0_i32, %c0_i32_0 : i32, i32
  }
  func.func @transform_12(%arg0: i32) -> (i32, i32) {
    %c0_i32 = arith.constant 0 : i32
    %c0_i32_0 = arith.constant 0 : i32
    %c0_i32_1 = arith.constant 0 : i32
    return %c0_i32, %c0_i32_0 : i32, i32
  }
  func.func @transform_13(%arg0: i32) -> i32 {
    %c0_i32 = arith.constant 0 : i32
    %c0_i32_0 = arith.constant 0 : i32
    return %c0_i32 : i32
  }
  func.func @transform_14(%arg0: i32) -> (i32, i32) {
    %c0_i32 = arith.constant 0 : i32
    %c0_i32_0 = arith.constant 0 : i32
    %c0_i32_1 = arith.constant 0 : i32
    return %c0_i32, %c0_i32_0 : i32, i32
  }
  func.func @transform_15(%arg0: i32) -> (i32, i32) {
    %c0_i32 = arith.constant 0 : i32
    %c0_i32_0 = arith.constant 0 : i32
    return %arg0, %c0_i32 : i32, i32
  }
  func.func @transform_16(%arg0: i32) -> (i32, i32) {
    %c0_i32 = arith.constant 0 : i32
    %c0_i32_0 = arith.constant 0 : i32
    return %arg0, %c0_i32 : i32, i32
  }
  func.func @transform_17(%arg0: i32) -> (i32, i32) {
    %c0_i32 = arith.constant 0 : i32
    %c0_i32_0 = arith.constant 0 : i32
    return %arg0, %c0_i32 : i32, i32
  }
  func.func @transform_18(%arg0: i32) -> (i32, i32) {
    %c0_i32 = arith.constant 0 : i32
    %c0_i32_0 = arith.constant 0 : i32
    return %arg0, %c0_i32 : i32, i32
  }
  func.func @transform_19(%arg0: i32) -> (i32, i32) {
    %c0_i32 = arith.constant 0 : i32
    %c0_i32_0 = arith.constant 0 : i32
    return %arg0, %c0_i32 : i32, i32
  }
  func.func @transform_20(%arg0: i32) -> (i32, i32) {
    %c0_i32 = arith.constant 0 : i32
    %c0_i32_0 = arith.constant 0 : i32
    return %arg0, %c0_i32 : i32, i32
  }
  func.func @transform_21(%arg0: i32) -> (i32, i32) {
    %c0_i32 = arith.constant 0 : i32
    %c0_i32_0 = arith.constant 0 : i32
    return %arg0, %c0_i32 : i32, i32
  }
  func.func @transform_22(%arg0: i32) -> (i32, i32) {
    %c0_i32 = arith.constant 0 : i32
    %c0_i32_0 = arith.constant 0 : i32
    return %arg0, %c0_i32 : i32, i32
  }
}

module attributes {stable_mosaic.version = 14 : i64} {
  func.func @_fin_body(%arg0: memref<32x10000xf32, #tpu.memory_space<vmem>>, %arg1: memref<1xf32, #tpu.memory_space<vmem>>, %arg2: memref<1xf32, #tpu.memory_space<vmem>>, %arg3: memref<10000xf32, #tpu.memory_space<vmem>>) attributes {dimension_semantics = [], scalar_prefetch = 0 : i64, scratch_operands = 0 : i64, tpu.core_type = #tpu.core_type<tc>} {
    %get3A = arith.constant 0 : index
    %get3A_0 = arith.constant 0 : index
    %get3A_1 = vector.load %arg0[%get3A, %get3A_0] : memref<32x10000xf32, #tpu.memory_space<vmem>>, vector<32x10000xf32>
    %reduce_sum3A = arith.constant dense<0.000000e+00> : vector<10000xf32>
    %reduce_sum3A_2 = vector.multi_reduction <add>, %get3A_1, %reduce_sum3A [0] : vector<32x10000xf32> to vector<10000xf32>
    %get3A_3 = arith.constant 0 : index
    %get3A_4 = vector.load %arg1[%get3A_3] : memref<1xf32, #tpu.memory_space<vmem>>, vector<1xf32>
    %get3A_5 = vector.extract %get3A_4[0] : f32 from vector<1xf32>
    %add3A = vector.broadcast %get3A_5 : f32 to vector<10000xf32>
    %add3A_6 = arith.addf %reduce_sum3A_2, %add3A : vector<10000xf32>
    %get3A_7 = arith.constant 0 : index
    %get3A_8 = vector.load %arg2[%get3A_7] : memref<1xf32, #tpu.memory_space<vmem>>, vector<1xf32>
    %get3A_9 = vector.extract %get3A_8[0] : f32 from vector<1xf32>
    %add3A_10 = vector.broadcast %get3A_9 : f32 to vector<10000xf32>
    %add3A_11 = arith.addf %add3A_6, %add3A_10 : vector<10000xf32>
    %swap3A = arith.constant 0 : index
    %swap3A_12 = vector.load %arg3[%swap3A] : memref<10000xf32, #tpu.memory_space<vmem>>, vector<10000xf32>
    tpu.vector_store %arg3[%swap3A], %add3A_11 {strides = array<i32>} : memref<10000xf32, #tpu.memory_space<vmem>>, vector<10000xf32>,
    return
  }
}

</mosaic_0001>

<sc_bundles>
// kernel: kernel.5.cloned.1.call-start
scs
__scs_entry_jumppad:
0x0: {  	(pc) =	sbr.rel $0x88, $3  }
0x1: {  	(tag) =	ssettag $0x0;
	lr =	simm.s32 $0x1  }
0x2: {  	[smem:$0x3F8D] =	sst lr;
	_ =	strace $0xD0000000  }
0x3: {  	_ = 	snop  }
0x4: {  	_ = 	snop  }
0x5: {  	_ = 	snop  }
0x6: {  	_ = 	snop  }
0x7: {  	_ = 	snop  }
__scs_overlays_trampoline_lowered:
0x8: {  	[smem:$0x3F9C] =	sst s0  }
0x9: {  	[smem:$0x3F9D] =	sst s1  }
0xa: {  	[smem:$0x3F9E] =	sst s2  }
0xb: {  	[smem:$0x3F9F] =	sst s3  }
0xc: {  	[smem:$0x3FA0] =	sst s4  }
0xd: {  	[smem:$0x3FA1] =	sst s5  }
0xe: {  	[smem:$0x3FA2] =	sst s6  }
0xf: {  	[smem:$0x3FA3] =	sst s7  }
0x10: {  	[smem:$0x3FA4] =	sst s8  }
0x11: {  	[smem:$0x3FA5] =	sst s9;
	s0 =	simm.s32 @!p0 $0x0  }
0x12: {  	s1 =	sld [smem:$0x3F8B];
	s0 =	simm.s32 @p0 $0x1  }
0x13: {  	[smem:$0x3FA6] =	sst s0;
	s0 =	simm.s32 @!p1 $0x0  }
0x14: {  	s2 =	sld [smem:$0x3F8A];
	s0 =	simm.s32 @p1 $0x1  }
0x15: {  	[smem:$0x3FA7] =	sst s0;
	s0 =	simm.s32 @!p2 $0x0  }
0x16: {  	s3 =	sld [smem:$0x3FDB];
	s0 =	simm.s32 @p2 $0x1  }
0x17: {  	s4 =	simm.s32 $0x1BF5;
	[smem:$0x3FA9] =	sst s0  }
0x18: {  	s0 =	sld [smem:$0x3F8C];
	_ =	swait.ge [sflag:s4], $0x0  }
0x19: {  	s7 =	sld [smem:$0x3F8D]  }
0x1a: {  	s8 =	sadd.s32 $0xFFFFE003, lr  }
0x1b: {  	s9 =	sadd.s32 $0xFFFFFEF7, lr;
	s5 =	simm.s32 $0xFFFFFFFF;
	p2 =	slt.u32 s8, $0xFFFFF086  }
0x1c: {  	p1 =	slt.u32 s9, $0xF7A;
	s5 =	simm.s32 @!p2 $0x0  }
0x1d: {  	s5 =	simm.s32 @p1 $0x1;
	p0 =	seq.s32 s7, s2  }
0x1e: {  	s7 =	smul.u32 @!p0 $0xF7A, s2;
	p2 =	seq.s32 @!p0 s5, $0x0  }
0x1f: {  	s9 =	smul.u32 $0xF7A, s1;
	s8 =	simm.s32 @!p0 $0x1BF5;
	p2 =	por !p2, p0  }
0x20: {  	[sflag:s8] =	ssyncset.s32 @!p0 $0xFFFFF086;
	s6 =	sadd.s32 @!p0 s3, s7;
	s7 =	simm.s32 @!p0 $0x108  }
0x21: {  	s3 =	sadd.s32 s3, s9;
	s6 =	sadd.s32 @!p0 $0x88, s6;
	s7 =	simm.s32 @p2 $0x1082  }
0x22: {  	[simem:s7], [sflag:s8] =	dma.local @!p0 [hbm:s6], $0xF7A  }
0x23: {  	s9 =	sor.u32 $0xD0000000, s2;
	s6 =	simm.s32 $0x108;
	_ =	swait.ge @!p0 [sflag:s8], $0x0  }
0x24: {  	s3 =	sadd.s32 $0x88, s3;
	s6 =	simm.s32 @!p1 $0x1082;
	[sflag:s4] =	ssyncset.s32 $0xFFFFF086  }
0x25: {  	[simem:s6], [sflag:s4] =	dma.local [hbm:s3], $0xF7A  }
0x26: {  	[smem:$0x3F8D] =	sst s1;
	(tag) =	ssettag s2;
	_ =	strace s9  }
0x27: {  	s1 =	sld [smem:$0x3F9D]  }
0x28: {  	s2 =	sld [smem:$0x3F9E]  }
0x29: {  	s4 =	sld [smem:$0x3FA0]  }
0x2a: {  	p0 =	seq.s32 s5, $0x0;
	s5 =	sld [smem:$0x3FA1]  }
0x2b: {  	s6 =	sld [smem:$0x3FA2]  }
0x2c: {  	s7 =	sld [smem:$0x3FA3]  }
0x2d: {  	s3 =	simm.s32 $0x108;
	s8 =	sld [smem:$0x3FA4]  }
0x2e: {  	s3 =	simm.s32 @!p0 $0x1082;
	s9 =	sld [smem:$0x3FA5]  }
0x2f: {  	lr =	sadd.s32 s0, s3;
	s0 =	sld [smem:$0x3F9C]  }
0x30: {  	s3 =	sld [smem:$0x3F9F]  }
0x31: {  	[smem:$0x3FA8] =	sst s10  }
0x32: {  	s10 =	sld [smem:$0x3FA6];
	_ =	sdelay $0x3  }
0x33: {  	p0 =	seq.s32 s10, $0x1;
	s10 =	sld [smem:$0x3FA8];
	_ =	sdelay $0x3  }
0x34: {  	[smem:$0x3FA8] =	sst s10  }
0x35: {  	s10 =	sld [smem:$0x3FA7];
	_ =	sdelay $0x3  }
0x36: {  	p1 =	seq.s32 s10, $0x1;
	s10 =	sld [smem:$0x3FA8];
	_ =	sdelay $0x3  }
0x37: {  	[smem:$0x3FA8] =	sst s10  }
0x38: {  	s10 =	sld [smem:$0x3FA9]  }
0x39: {  	_ = 	snop;
	(pc) =	sbr.ind lr, $3  }
0x3a: {  	_ = 	snop  }
0x3b: {  	_ = 	snop  }
0x3c: {  	p2 =	seq.s32 s10, $0x1;
	s10 =	sld [smem:$0x3FA8]  }
0x3d: {  	_ =	shalt  }
0x3e: {  	_ =	shalt  }
0x3f: {  	_ =	shalt  }
0x40: {  	_ =	shalt  }
0x41: {  	_ =	shalt  }
0x42: {  	_ =	shalt  }
0x43: {  	_ =	shalt  }
0x44: {  	_ =	shalt  }
0x45: {  	_ =	shalt  }
0x46: {  	_ =	shalt  }
0x47: {  	_ =	shalt  }
0x48: {  	_ =	shalt  }
0x49: {  	_ =	shalt  }
0x4a: {  	_ =	shalt  }
0x4b: {  	_ =	shalt  }
0x4c: {  	_ =	shalt  }
0x4d: {  	_ =	shalt  }
0x4e: {  	_ =	shalt  }
0x4f: {  	_ =	shalt  }
0x50: {  	_ =	shalt  }
0x51: {  	_ =	shalt  }
0x52: {  	_ =	shalt  }
0x53: {  	_ =	shalt  }
0x54: {  	_ =	shalt  }
0x55: {  	_ =	shalt  }
0x56: {  	_ =	shalt  }
0x57: {  	_ =	shalt  }
0x58: {  	_ =	shalt  }
0x59: {  	_ =	shalt  }
0x5a: {  	_ =	shalt  }
0x5b: {  	_ =	shalt  }
0x5c: {  	_ =	shalt  }
0x5d: {  	_ =	shalt  }
0x5e: {  	_ =	shalt  }
0x5f: {  	_ =	shalt  }
0x60: {  	_ =	shalt  }
0x61: {  	_ =	shalt  }
0x62: {  	_ =	shalt  }
0x63: {  	_ =	shalt  }
0x64: {  	_ =	shalt  }
0x65: {  	_ =	shalt  }
0x66: {  	_ =	shalt  }
0x67: {  	_ =	shalt  }
0x68: {  	_ =	shalt  }
0x69: {  	_ =	shalt  }
0x6a: {  	_ =	shalt  }
0x6b: {  	_ =	shalt  }
0x6c: {  	_ =	shalt  }
0x6d: {  	_ =	shalt  }
0x6e: {  	_ =	shalt  }
0x6f: {  	_ =	shalt  }
0x70: {  	_ =	shalt  }
0x71: {  	_ =	shalt  }
0x72: {  	_ =	shalt  }
0x73: {  	_ =	shalt  }
0x74: {  	_ =	shalt  }
0x75: {  	_ =	shalt  }
0x76: {  	_ =	shalt  }
0x77: {  	_ =	shalt  }
0x78: {  	_ =	shalt  }
0x79: {  	_ =	shalt  }
0x7a: {  	_ =	shalt  }
0x7b: {  	_ =	shalt  }
0x7c: {  	_ =	shalt  }
0x7d: {  	_ =	shalt  }
0x7e: {  	_ =	shalt  }
0x7f: {  	_ =	shalt  }
0x80: {  	_ =	shalt  }
0x81: {  	_ =	shalt  }
0x82: {  	_ =	shalt  }
0x83: {  	_ =	shalt  }
0x84: {  	_ =	shalt  }
0x85: {  	_ =	shalt  }
0x86: {  	_ =	shalt  }
0x87: {  	_ =	shalt  }
.Lfunc_end0:
.L_simem_size_0:
called_computation_lowered:
.L_overlay_start_0:
0x88: {  	s2 =	sld [smem:$0x3FD9]  }
0x89: {  	s3 =	sld [smem:$0x3FFE];
	_ =	sdelay $0x1  }
0x8a: {  	s1 =	srdreg.scid  }
0x8b: {  	s0 =	sand.u32 $0x1, s1  }
0x8c: {  	s16 =	sshll.u32 s0, $0xA;
	s2 =	sadd.s32 s3, s2  }
0x8d: {  	s2 =	sadd.s32 s2, s16  }
0x8e: {  	[smem:$0x3FB4] =	sst s2  }
0x8f: {  	_ = 	snop  }
0x90: {  	(tm) =	ssettm $0x1  }
0x91: {  	s17 =	sld [smem:$0x3FFB];
	_ =	sdelay $0x3  }
0x92: {  	_ =	strace s17  }
0x93: {  	s2 =	sld [smem:$0x3FFC];
	_ =	sdelay $0x3  }
0x94: {  	_ =	strace s2  }
0x95: {  	s2 =	sld [smem:$0x3FFD];
	_ =	sdelay $0x3  }
0x96: {  	_ =	strace s2  }
0x97: {  	_ =	strace $0x8FFFFFFF  }
0x98: {  	s18 =	sld [smem:$0x3FDB];
	_ =	sdelay $0x1  }
0x99: {  	s19 =	simm.s32 $_scs_section_size  }
0x9a: {  	s4 =	simm.s32 $_size__tile_overlayer_lowered;
	s5 =	simm.s32 $_tile_overlayer_lowered  }
0x9b: {  	s22 =	simm.s32 $0x1BFF;
	s21 =	sshll.u32 s5, $0x1;
	s2 =	sadd.s32 s19, s18  }
0x9c: {  	s6 =	simm.s32 $0x0;
	s20 =	sshll.u32 s4, $0x1;
	s4 =	sadd.s32 s21, s2  }
0x9d: {  	[timem:s6], [sflag:s22] =	dma.local [hbm:s4], s20  }
0x9e: {  	_ =	swait.ge [sflag:s22], s20  }
0x9f: {  	s3 =	ssub.s32 $0x0, s20;
	[sflag:s22] =	ssyncset.done $0x0  }
0xa0: {  	[sflag:s22] =	ssyncadd.s32 s3;
	_ =	sdelay $0x1  }
0xa1: {  	s23 =	simm.s32 $0x1B8B  }
0xa2: {  	_ =	swait.ge [sflag:s23], $0x1  }
0xa3: {  	[sflag:s23] =	ssyncset.done $0x0  }
0xa4: {  	s25 =	simm.s32 $0x1B8E;
	s24 =	sld [smem:$0x3FFE];
	[sflag:s23] =	ssyncadd.s32 $0xFFFFFFFF  }
0xa5: {  	s26 =	simm.s32 $execute0_lowered;
	[smem:$0x3FD2] =	sst s25  }
0xa6: {  	s4 =	sshll.u32 s26, $0x1;
	_ =	strace $0x80000046;
	[dreg:$0x1] =	wrdreg $0xFFFFFFFF  }
0xa7: {  	s28 =	simm.s32 $_size_execute0_lowered;
	s2 =	sadd.s32 s2, s4;
	[dreg:$0x0] =	wrdreg $0x0  }
0xa8: {  	s4 =	sshll.u32 s28, $0x1;
	[dreg:$0x2] =	wrdreg s2  }
0xa9: {  	[dreg:$0x3] =	wrdreg s4  }
0xaa: {  	[dreg:$0x4] =	wrdreg $0xC0  }
0xab: {  	_ =	task [dreg:s6], $0x5FFFF  }
0xac: {  	[dreg:$0x1] =	wrdreg $0xFFFFFFFF  }
0xad: {  	[dreg:$0x0] =	wrdreg $0x60  }
0xae: {  	[dreg:$0x2] =	wrdreg s24  }
0xaf: {  	[dreg:$0x3] =	wrdreg $0x9  }
0xb0: {  	_ =	task.clear_ibuf [dreg:s6], $0x4FFFF;
	_ =	strace $0x90000046  }
0xb1: {  	s29 =	simm.s32 $0x9;
	_ =	strace $0x80000048  }
0xb2: {  	_ =	swait.ge [sflag:s29], $0x1  }
0xb3: {  	[sflag:s29] =	ssyncadd.s32 $0xFFFFFFFF  }
0xb4: {  	_ =	strace $0x90000048  }
0xb5: {  	_ =	sfence  }
0xb6: {  	s30 =	sld [smem:$0x0];
	_ =	sdelay $0x2  }
0xb7: {  	s31 =	sshll.u32 s1, $0xD;
	s1 =	sshrl.u32 s1, $0x2  }
0xb8: {  	s3 =	sand.u32 $0x4000, s31;
	s1 =	sadd.s32 s1, s30  }
0xb9: {  	s0 =	sor.u32 s3, s0;
	s1 =	sshll.u32 s1, $0x11  }
0xba: {  	s0 =	sor.u32 s1, s0  }
0xbb: {  	s0 =	sadd.s32 $0x8F2B, s0  }
0xbc: {  	[sflag:s0] =	ssyncadd.remote.s32 $0x1  }
0xbd: {  	_ =	sfence.sel $0xFFFF  }
0xbe: {  	[dreg:$0x0] =	wrdreg $0xFFFFFFFF;
	(pc) =	sbr.abs _section_cstart, $3  }
0xbf: {  	[dreg:$0x1] =	wrdreg $0xFFFFFFFF  }
0xc0: {  	_ =	task.clear_ibuf [dreg:s6], $0x2FFFF;
	_ =	strace $0x9FFFFFFF  }
0xc1: {  	(tm) =	ssettm $0x7FFFFFFF  }
tec
execute0_lowered:
.L_overlay_start_1:
0x0: {  	(tag) =	ssettag $0x1  }
0x1: {  	s0 =	rddreg [dreg:$0x0];
	s2 =	simm.s32 $0x0;
	s1 =	srdreg.scid  }
0x2: {  	s3 =	stileid.u32;
	s19 =	simm.s32 $0xC000;
	s20 =	simm.s32 $0x5  }
0x3: {  	v0 =	vimm.s32 $0xFEDCBA98;
	s22 =	simm.s32 $0xD3A0;
	s23 =	simm.s32 $0x10;
	s28 =	simm.s32 $0x1  }
0x4: {  	v1 =	vimm.s32 $0x76543210;
	s29 =	simm.s32 $0x2;
	s30 =	simm.s32 $0xE740;
	s31 =	simm.s32 $0x3;
	v0 =	vunpack.c.l.s4.s8 v0  }
0x5: {  	v2 =	vimm.s32 $0xBA98FEDC;
	[smem:$0x7FF] =	sst s2;
	s4 =	sshll.u32 s3, $0x1;
	s3 =	sadd.s32 $0x1D8400, s0;
	v1 =	vunpack.c.l.s4.s8 v1  }
0x6: {  	v3 =	vimm.s32 $0xDCFE98BA;
	s1 =	sand.u32 $0x1, s1;
	s5 =	sadd.s32 $0x310C00, s0;
	s7 =	sadd.s32 $0x9FC00, s0;
	v0 =	vunpack.c.0.s8.s32 v0  }
0x7: {  	v4 =	vimm.s32 $0x54761032;
	s8 =	sadd.s32 $0x2C2A00, s0;
	s9 =	sadd.s32 $0x274800, s0;
	s11 =	sor.u32 s1, s4;
	v1 =	vunpack.c.0.s8.s32 v1  }
0x8: {  	s15 =	sadd.s32 $0x1220C, s0;
	_ =	strace $0x80000047;
	s6 =	smul.u32 $0x13A0, s11;
	v0 =	vand.u32 $0xF, v0  }
0x9: {  	v5 =	vimm.s32 $0xEFCDAB89;
	s4 =	sadd.s32 $0x13C000, s0;
	s1 =	ssub.s32 $0x2, s1;
	s12 =	smul.u32 $0x4E2, s11;
	v0 =	vcombine.low v0, v1;
	v1 =	vimm.s32 $0x32107654  }
0xa: {  	v6 =	vimm.s32 $0x67452301;
	v2 =	vunpack.c.l.s4.s8 v2;
	[dreg:$0x3] =	wrdreg s15;
	s15 =	sadd.s32 $0x8620, s0;
	s24 =	sshrl.u32 s1, $0x1;
	v1 =	vunpack.c.l.s4.s8 v1  }
0xb: {  	v3 =	vunpack.c.l.s4.s8 v3;
	v4 =	vunpack.c.l.s4.s8 v4;
	v5 =	vunpack.c.l.s4.s8 v5;
	p0 =	seq.s32 s11, $0x1F;
	s10 =	sshrl.u32 s6, $0x3;
	s14 =	sadd.s32 s12, s0  }
0xc: {  	v6 =	vunpack.c.l.s4.s8 v6;
	v2 =	vunpack.c.0.s8.s32 v2;
	s12 =	sadd.s32 $0x12420, s0;
	s13 =	sadd.s32 s10, s0;
	s0 =	sadd.s32 $0x840C, s0;
	v7 =	vunpack.c.0.s8.s32 v1  }
0xd: {  	vm0 =	vmxor vm0, vm0;
	v8 =	vunpack.c.0.s8.s32 v3;
	v4 =	vunpack.c.0.s8.s32 v4;
	s1 =	ssub.s32 s1, s24;
	s26 =	sadd.s32 $0x4C0C, s12;
	[dreg:$0x5] =	wrdreg s0  }
0xe: {  	v6 =	vunpack.c.0.s8.s32 v6;
	s18 =	smax.u32 s1, $0x1;
	s25 =	sadd.s32 $0xD600, s13;
	[dreg:$0x6] =	wrdreg s26;
	v2 =	vcombine.low v7, v2;
	v7 =	vunpack.c.0.s8.s32 v5  }
0xf: {  	v3 =	vimm.s32 $0x0;
	v4 =	vcombine.low v4, v8;
	s1 =	simm.s32 $0x0;
	s13 =	sadd.s32 $0x3800, s13;
	[dreg:$0x2] =	wrdreg s25;
	v1 =	vimm.f32 $0.0e+00  }
0x10: {  	s17 =	sadd.s32 $0x17400, s14;
	s0 =	simm.s32 $0x4;
	[dreg:$0x4] =	wrdreg s13;
	v5 =	vimm.bf16 $0.0e+00;
	v6 =	vcombine.low v6, v7;
	v7 =	vlaneseq.u32  }
.LBB2_1:
0x11: {  	s11 =	simm.s32 $0x40;
	s13 =	simm.s32 $0x0  }
.LBB2_2:
0x12: {  	p1 =	sne.s32 s11, $0x9C00;
	[tilespmem:s13+$0xE740] =	vst v1;
	s13 =	smov.u32 s11;
	s11 =	sadd.s32 $0x40, s11  }
.Ltmp0:
0x13: {  	(pc) =	sbr.rel @p1 .LBB2_2-.Ltmp0, $2  }
0x14: {  	_ =	sdelay $0x2  }
0x15: {  	s13 =	sshra.s32 s13, $0x2  }
.Ltmp1:
0x16: {  	(pc) =	sbr.rel @!p0 .LBB2_4-.Ltmp1, $2  }
0x17: {  	_ =	sdelay $0x2  }
0x18: {  	[tilespmem:s13+$0xE740] =	vst v1  }
0x19: {  	s11 =	rddreg [dreg:$0x3]  }
0x1a: {  	[tilespmem:s19], [sflag:$0x5] =	stream.linear.gather [hbm4b:s11+s2], $0x10A0, $0x38;
	[tilespmem:$0x10E50] =	vst v63  }
0x1b: {  	_ =	swait.ge [sflag:s20], $0x10A0  }
0x1c: {  	[sflag:s20] =	ssyncset.done $0x0  }
0x1d: {  	[sflag:s20] =	ssyncadd.s32 $0xFFFFEF60  }
0x1e: {  	[tilespmem:$0xD0A0] =	vst v3  }
0x1f: {  	[tilespmem:$0xD0B0] =	vst v3  }
0x20: {  	[tilespmem:$0xD0C0] =	vst v3  }
0x21: {  	[tilespmem:$0xD0D0] =	vst v3  }
0x22: {  	[tilespmem:$0xD0E0] =	vst v3  }
0x23: {  	[tilespmem:$0xD0F0] =	vst v3  }
0x24: {  	[tilespmem:$0xD100] =	vst v3  }
0x25: {  	[tilespmem:$0xD110] =	vst v3  }
0x26: {  	[tilespmem:$0xD120] =	vst v3  }
0x27: {  	[tilespmem:$0xD130] =	vst v3  }
0x28: {  	[tilespmem:$0xD140] =	vst v3  }
0x29: {  	[tilespmem:$0xD150] =	vst v3  }
0x2a: {  	[tilespmem:$0xD160] =	vst v3  }
0x2b: {  	[tilespmem:$0xD170] =	vst v3  }
0x2c: {  	[tilespmem:$0xD180] =	vst v3  }
0x2d: {  	[tilespmem:$0xD190] =	vst v3  }
0x2e: {  	[tilespmem:$0xD1A0] =	vst v3  }
0x2f: {  	[tilespmem:$0xD1B0] =	vst v3  }
0x30: {  	[tilespmem:$0xD1C0] =	vst v3  }
0x31: {  	[tilespmem:$0xD1D0] =	vst v3  }
0x32: {  	[tilespmem:$0xD1E0] =	vst v3  }
0x33: {  	[tilespmem:$0xD1F0] =	vst v3  }
0x34: {  	[tilespmem:$0xD200] =	vst v3  }
0x35: {  	[tilespmem:$0xD210] =	vst v3  }
0x36: {  	[tilespmem:$0xD220] =	vst v3  }
0x37: {  	[tilespmem:$0xD230] =	vst v3  }
0x38: {  	[tilespmem:$0xD240] =	vst v3  }
0x39: {  	[tilespmem:$0xD250] =	vst v3  }
0x3a: {  	[tilespmem:$0xD260] =	vst v3  }
0x3b: {  	[tilespmem:$0xD270] =	vst v3  }
0x3c: {  	[tilespmem:$0xD280] =	vst v3  }
0x3d: {  	[tilespmem:$0xD290] =	vst v3  }
0x3e: {  	[tilespmem:$0xD2A0] =	vst v3  }
0x3f: {  	[tilespmem:$0xD2B0] =	vst v3  }
0x40: {  	[tilespmem:$0xD2C0] =	vst v3  }
0x41: {  	[tilespmem:$0xD2D0] =	vst v3  }
0x42: {  	[tilespmem:$0xD2E0] =	vst v3  }
0x43: {  	[tilespmem:$0xD2F0] =	vst v3  }
0x44: {  	[tilespmem:$0xD300] =	vst v3  }
0x45: {  	[tilespmem:$0xD310] =	vst v3  }
0x46: {  	[tilespmem:$0xD320] =	vst v3  }
0x47: {  	[tilespmem:$0xD330] =	vst v3  }
0x48: {  	[tilespmem:$0xD340] =	vst v3  }
0x49: {  	[tilespmem:$0xD350] =	vst v3  }
0x4a: {  	[tilespmem:$0xD360] =	vst v3  }
0x4b: {  	[tilespmem:$0xD370] =	vst v3  }
0x4c: {  	[tilespmem:$0xD380] =	vst v3  }
0x4d: {  	s26 =	rddreg [dreg:$0x6];
	[tilespmem:$0xD390] =	vst v3  }
0x4e: {  	[tilespmem:s22], [sflag:$0x5] =	stream.linear.gather [hbm4b:s26+s2], $0x10A0, $0x38;
	[tilespmem:$0x10E50] =	vst v63  }
0x4f: {  	_ =	swait.ge [sflag:s20], $0x10A0  }
0x50: {  	[sflag:s20] =	ssyncset.done $0x0  }
0x51: {  	[sflag:s20] =	ssyncadd.s32 $0xFFFFEF60  }
0x52: {  	[tilespmem:$0xE440] =	vst v3  }
0x53: {  	[tilespmem:$0xE450] =	vst v3  }
0x54: {  	[tilespmem:$0xE460] =	vst v3  }
0x55: {  	[tilespmem:$0xE470] =	vst v3  }
0x56: {  	[tilespmem:$0xE480] =	vst v3  }
0x57: {  	[tilespmem:$0xE490] =	vst v3  }
0x58: {  	[tilespmem:$0xE4A0] =	vst v3  }
0x59: {  	[tilespmem:$0xE4B0] =	vst v3  }
0x5a: {  	[tilespmem:$0xE4C0] =	vst v3  }
0x5b: {  	[tilespmem:$0xE4D0] =	vst v3  }
0x5c: {  	[tilespmem:$0xE4E0] =	vst v3  }
0x5d: {  	[tilespmem:$0xE4F0] =	vst v3  }
0x5e: {  	[tilespmem:$0xE500] =	vst v3  }
0x5f: {  	[tilespmem:$0xE510] =	vst v3  }
0x60: {  	[tilespmem:$0xE520] =	vst v3  }
0x61: {  	[tilespmem:$0xE530] =	vst v3  }
0x62: {  	[tilespmem:$0xE540] =	vst v3  }
0x63: {  	[tilespmem:$0xE550] =	vst v3  }
0x64: {  	[tilespmem:$0xE560] =	vst v3  }
0x65: {  	[tilespmem:$0xE570] =	vst v3  }
0x66: {  	[tilespmem:$0xE580] =	vst v3  }
0x67: {  	[tilespmem:$0xE590] =	vst v3  }
0x68: {  	[tilespmem:$0xE5A0] =	vst v3  }
0x69: {  	[tilespmem:$0xE5B0] =	vst v3  }
0x6a: {  	[tilespmem:$0xE5C0] =	vst v3  }
0x6b: {  	[tilespmem:$0xE5D0] =	vst v3  }
0x6c: {  	[tilespmem:$0xE5E0] =	vst v3  }
0x6d: {  	[tilespmem:$0xE5F0] =	vst v3  }
0x6e: {  	[tilespmem:$0xE600] =	vst v3  }
0x6f: {  	[tilespmem:$0xE610] =	vst v3  }
0x70: {  	[tilespmem:$0xE620] =	vst v3  }
0x71: {  	[tilespmem:$0xE630] =	vst v3  }
0x72: {  	[tilespmem:$0xE640] =	vst v3  }
0x73: {  	[tilespmem:$0xE650] =	vst v3  }
0x74: {  	[tilespmem:$0xE660] =	vst v3  }
0x75: {  	[tilespmem:$0xE670] =	vst v3  }
0x76: {  	[tilespmem:$0xE680] =	vst v3  }
0x77: {  	[tilespmem:$0xE690] =	vst v3  }
0x78: {  	[tilespmem:$0xE6A0] =	vst v3  }
0x79: {  	[tilespmem:$0xE6B0] =	vst v3  }
0x7a: {  	[tilespmem:$0xE6C0] =	vst v3  }
0x7b: {  	[tilespmem:$0xE6D0] =	vst v3  }
0x7c: {  	[tilespmem:$0xE6E0] =	vst v3  }
.Ltmp2:
0x7d: {  	[tilespmem:$0xE6F0] =	vst v3;
	(pc) =	sbr.rel .LBB2_6-.Ltmp2, $4  }
0x7e: {  	[tilespmem:$0xE700] =	vst v3  }
0x7f: {  	[tilespmem:$0xE710] =	vst v3  }
0x80: {  	[tilespmem:$0xE720] =	vst v3  }
0x81: {  	[tilespmem:$0xE730] =	vst v3  }
.LBB2_4:
0x82: {  	s11 =	rddreg [dreg:$0x2]  }
0x83: {  	[tilespmem:s19], [sflag:$0x5] =	stream.linear.gather [hbm4b:s11+s2], $0x13A0, $0x38;
	[tilespmem:$0x10E50] =	vst v63  }
0x84: {  	_ =	swait.ge [sflag:s20], $0x13A0  }
0x85: {  	[sflag:s20] =	ssyncset.done $0x0  }
0x86: {  	s26 =	sadd.s32 s10, s12;
	[sflag:s20] =	ssyncadd.s32 $0xFFFFEC60  }
0x87: {  	[tilespmem:s22], [sflag:$0x5] =	stream.linear.gather [hbm4b:s26+s2], $0x13A0, $0x38;
	[tilespmem:$0x10E50] =	vst v63  }
0x88: {  	_ =	swait.ge [sflag:s20], $0x13A0  }
0x89: {  	[sflag:s20] =	ssyncset.done $0x0  }
0x8a: {  	[sflag:s20] =	ssyncadd.s32 $0xFFFFEC60  }
.LBB2_6:
0x8b: {  	s25 =	simm.s32 $0x0  }
0x8c: {  	[tilespmem:s25], [sflag:$0x1] =	stream.indirect.gather [hbm4b:s3+s23], $0x200, s19, s23, $0xb8;
	[tilespmem:$0x10E50] =	vst v63  }
0x8d: {  	s11 =	simm.s32 $0x4000  }
0x8e: {  	[tilespmem:s11], [sflag:$0x1] =	stream.indirect.gather [hbm4b:s7+s23], $0x200, s22, s23, $0xb8;
	[tilespmem:$0x10E50] =	vst v63  }
0x8f: {  	s24 =	simm.s32 $0x2000  }
0x90: {  	[tilespmem:s24], [sflag:$0x2] =	stream.indirect.gather [hbm4b:s4+s23], $0x200, s19, s23, $0xb8;
	[tilespmem:$0x10E50] =	vst v63  }
0x91: {  	s26 =	simm.s32 $0x6000  }
0x92: {  	[tilespmem:s26], [sflag:$0x2] =	stream.indirect.gather [hbm4b:s5+s23], $0x200, s22, s23, $0xb8;
	[tilespmem:$0x10E50] =	vst v63  }
.LBB2_7:
0x93: {  	_ =	swait.ge [sflag:s28], $0x2000  }
0x94: {  	[sflag:s28] =	ssyncset.done $0x0  }
0x95: {  	[sflag:s28] =	ssyncadd.s32 $0xFFFFE000  }
0x96: {  	_ =	swait.ge [sflag:s28], $0x2000  }
0x97: {  	[sflag:s28] =	ssyncset.done $0x0  }
0x98: {  	s13 =	simm.s32 $0x100;
	[sflag:s28] =	ssyncadd.s32 $0xFFFFE000  }
0x99: {  	s11 =	simm.s32 $0x4100;
	v8 =	vld [tilespmem:s13+$0xD0]  }
0x9a: {  	v14 =	vld [tilespmem:s11+$0xD0]  }
0x9b: {  	v15 =	vld [tilespmem:s13+$0xB0]  }
0x9c: {  	v17 =	vld [tilespmem:s11+$0xB0]  }
0x9d: {  	v20 =	vld [tilespmem:s13+$0xC0]  }
0x9e: {  	v31 =	vld [tilespmem:s11+$0xC0]  }
0x9f: {  	v32 =	vld [tilespmem:s13+$0x50]  }
0xa0: {  	v33 =	vld [tilespmem:s11+$0x50]  }
0xa1: {  	v37 =	vld [tilespmem:s13+$0x90]  }
0xa2: {  	v39 =	vld [tilespmem:s11+$0x90]  }
0xa3: {  	v41 =	vld [tilespmem:s13+$0xA0]  }
0xa4: {  	v42 =	vld [tilespmem:s11+$0xA0]  }
0xa5: {  	v43 =	vld [tilespmem:s13+$0x30]  }
0xa6: {  	v44 =	vld [tilespmem:s11+$0x30]  }
0xa7: {  	v45 =	vld [tilespmem:s13+$0x40]  }
0xa8: {  	v46 =	vld [tilespmem:s11+$0x40]  }
0xa9: {  	v47 =	vld [tilespmem:s13+$0x80]  }
0xaa: {  	v48 =	vld [tilespmem:s11+$0x80]  }
0xab: {  	v49 =	vld [tilespmem:s13+$0xFFFFFFD0]  }
0xac: {  	v50 =	vld [tilespmem:s11+$0xFFFFFFD0]  }
0xad: {  	v9 =	vld [tilespmem:s13+$0xFFFFFFE0]  }
0xae: {  	v51 =	vld [tilespmem:s13+$0x10]  }
0xaf: {  	v52 =	vld [tilespmem:s11+$0x10]  }
0xb0: {  	v22 =	vld [tilespmem:s13+$0x20]  }
0xb1: {  	v24 =	vld [tilespmem:s11+$0x20]  }
0xb2: {  	v10 =	vld [tilespmem:s13+$0xFFFFFF70]  }
0xb3: {  	v18 =	vld [tilespmem:s13+$0xFFFFFFB0]  }
0xb4: {  	v19 =	vld [tilespmem:s11+$0xFFFFFFB0]  }
0xb5: {  	v11 =	vld [tilespmem:s13+$0xFFFFFFC0]  }
0xb6: {  	v26 =	vld [tilespmem:s13+$0x0]  }
0xb7: {  	v29 =	vld [tilespmem:s11+$0x0]  }
0xb8: {  	v12 =	vld [tilespmem:s13+$0xFFFFFF50]  }
0xb9: {  	v13 =	vld [tilespmem:s11+$0xFFFFFF50]  }
0xba: {  	v28 =	vld [tilespmem:s13+$0xFFFFFF90]  }
0xbb: {  	v30 =	vld [tilespmem:s11+$0xFFFFFF90]  }
0xbc: {  	v23 =	vld [tilespmem:s13+$0xFFFFFFA0]  }
0xbd: {  	v25 =	vld [tilespmem:s11+$0xFFFFFFA0]  }
0xbe: {  	v21 =	vld [tilespmem:s13+$0xFFFFFF30]  }
0xbf: {  	v35 =	vld [tilespmem:s13+$0xFFFFFF80]  }
0xc0: {  	v36 =	vld [tilespmem:s11+$0xFFFFFF80];
	v16 =	vmul.bf16 v14, v8  }
0xc1: {  	v34 =	vld [tilespmem:s13+$0xFFFFFF10];
	v27 =	vmul.bf16 v17, v15;
	v15 =	vmul.bf16 v31, v20  }
0xc2: {  	v38 =	vld [tilespmem:s11+$0xFFFFFF10];
	v14 =	vmul.bf16 v33, v32;
	v40 =	vmul.bf16 v39, v37  }
0xc3: {  	v37 =	vld [tilespmem:s13+$0xFFFFFF00];
	v33 =	vmul.bf16 v44, v43;
	v32 =	vmul.bf16 v42, v41  }
0xc4: {  	v39 =	vld [tilespmem:s11+$0xFFFFFF00];
	v20 =	vmul.bf16 v46, v45;
	v41 =	vmul.bf16 v48, v47  }
0xc5: {  	s14 =	simm.s32 $0x1;
	s16 =	simm.s32 $0x0;
	v8 =	vimm.f32 $0.0e+00;
	v31 =	vld [tilespmem:s11+$0xFFFFFF30];
	v17 =	vmul.bf16 v50, v49;
	v42 =	vmul.bf16 v52, v51  }
.LBB2_8:
0xc6: {  	p1 =	sne.s32 s14, $0xF;
	v43 =	vld [tilespmem:s13+$0xFFFFFF20];
	v26 =	vmul.bf16 v29, v26;
	v22 =	vmul.bf16 v24, v22  }
0xc7: {  	v29 =	vmul.bf16 v36, v35;
	v28 =	vmul.bf16 v30, v28;
	v30 =	vadd.bf16 v5, v40;
	v24 =	vld [tilespmem:s11+$0xFFFFFF20]  }
0xc8: {  	v34 =	vmul.bf16 v38, v34;
	v36 =	vadd.bf16 v5, v42;
	v38 =	vadd.bf16 v5, v41;
	v35 =	vld [tilespmem:s13+$0xFFFFFF40]  }
0xc9: {  	v28 =	vadd.bf16 v5, v28;
	v26 =	vadd.bf16 v5, v26;
	v37 =	vmul.bf16 v39, v37;
	v39 =	vld [tilespmem:s11+$0xFFFFFF40]  }
0xca: {  	v18 =	vmul.bf16 v19, v18;
	v29 =	vadd.bf16 v5, v29;
	v34 =	vadd.bf16 v5, v34;
	v40 =	vld [tilespmem:s13+$0xFFFFFF60]  }
0xcb: {  	v23 =	vmul.bf16 v25, v23;
	v25 =	vadd.bf16 v27, v30;
	v19 =	vadd.bf16 v5, v37;
	v37 =	vld [tilespmem:s11+$0xFFFFFF60]  }
0xcc: {  	v30 =	vadd.bf16 v33, v36;
	v32 =	vadd.bf16 v32, v38;
	v24 =	vmul.bf16 v24, v43;
	v27 =	vld [tilespmem:s11+$0xFFFFFFC0]  }
0xcd: {  	v21 =	vmul.bf16 v31, v21;
	v18 =	vadd.bf16 v18, v28;
	v22 =	vadd.bf16 v22, v26;
	v31 =	vld [tilespmem:s11+$0xFFFFFF70]  }
0xce: {  	v23 =	vadd.bf16 v23, v29;
	v19 =	vadd.bf16 v24, v19;
	v24 =	vmul.bf16 v39, v35;
	v26 =	vld [tilespmem:s11+$0xFFFFFFE0]  }
0xcf: {  	v12 =	vmul.bf16 v13, v12;
	v16 =	vadd.bf16 v16, v25;
	v21 =	vadd.bf16 v21, v34;
	v13 =	vld [tilespmem:s13+$0xFFFFFFF0]  }
0xd0: {  	v15 =	vadd.bf16 v15, v32;
	v19 =	vadd.bf16 v24, v19;
	v24 =	vmul.bf16 v37, v40;
	v25 =	vld [tilespmem:s11+$0xFFFFFFF0]  }
0xd1: {  	v14 =	vadd.bf16 v14, v30;
	v20 =	vadd.bf16 v20, v22;
	v11 =	vmul.bf16 v27, v11;
	v22 =	vld [tilespmem:s13+$0x60]  }
0xd2: {  	v12 =	vadd.bf16 v12, v21;
	v19 =	vadd.bf16 v24, v19;
	v10 =	vmul.bf16 v31, v10;
	v21 =	vld [tilespmem:s11+$0x60]  }
0xd3: {  	v17 =	vadd.bf16 v17, v18;
	v11 =	vadd.bf16 v11, v23;
	v9 =	vmul.bf16 v26, v9;
	v18 =	vld [tilespmem:s13+$0x70]  }
0xd4: {  	v10 =	vadd.bf16 v10, v12;
	v12 =	vunpack.i.u.bf16.f32 v19;
	v19 =	vunpack.i.l.bf16.f32 v19;
	v23 =	vld [tilespmem:s11+$0x70]  }
0xd5: {  	v19 =	vadd.f32 $0.0e+00, v19;
	v12 =	vadd.f32 $0.0e+00, v12;
	v13 =	vmul.bf16 v25, v13;
	v24 =	vld [tilespmem:s13+$0xE0]  }
0xd6: {  	v9 =	vadd.bf16 v9, v11;
	v25 =	vunpack.i.u.bf16.f32 v10;
	v10 =	vunpack.i.l.bf16.f32 v10;
	v11 =	vld [tilespmem:s11+$0xE0]  }
0xd7: {  	v10 =	vadd.f32 v10, v19;
	v12 =	vadd.f32 v25, v12;
	v19 =	vmul.bf16 v21, v22;
	v21 =	vld [tilespmem:s13+$0xF0]  }
0xd8: {  	v13 =	vadd.bf16 v13, v17;
	v17 =	vunpack.i.u.bf16.f32 v9;
	v9 =	vunpack.i.l.bf16.f32 v9;
	s13 =	sadd.s32 $0x200, s13;
	v22 =	vld [tilespmem:s11+$0xF0]  }
0xd9: {  	s11 =	sadd.s32 $0x200, s11;
	v27 =	vld [tilespmem:s13+$0xD0];
	v9 =	vadd.f32 v9, v10;
	v10 =	vadd.f32 v17, v12;
	v12 =	vmul.bf16 v23, v18  }
0xda: {  	v18 =	vunpack.i.u.bf16.f32 v13;
	v13 =	vunpack.i.l.bf16.f32 v13;
	v19 =	vadd.bf16 v19, v20;
	v17 =	vld [tilespmem:s11+$0xD0]  }
0xdb: {  	v20 =	vld [tilespmem:s13+$0xB0];
	v9 =	vadd.f32 v13, v9;
	v10 =	vadd.f32 v18, v10;
	v11 =	vmul.bf16 v11, v24  }
0xdc: {  	v12 =	vadd.bf16 v12, v14;
	v13 =	vunpack.i.u.bf16.f32 v19;
	v14 =	vunpack.i.l.bf16.f32 v19;
	v31 =	vld [tilespmem:s11+$0xB0]  }
0xdd: {  	v32 =	vld [tilespmem:s13+$0xC0];
	v9 =	vadd.f32 v14, v9;
	v10 =	vadd.f32 v13, v10;
	v13 =	vmul.bf16 v22, v21  }
0xde: {  	v18 =	vunpack.i.u.bf16.f32 v12;
	v12 =	vunpack.i.l.bf16.f32 v12;
	v11 =	vadd.bf16 v11, v15;
	v14 =	vld [tilespmem:s11+$0xC0]  }
0xdf: {  	v33 =	vld [tilespmem:s13+$0x50];
	v9 =	vadd.f32 v12, v9;
	v10 =	vadd.f32 v18, v10  }
0xe0: {  	v12 =	vadd.bf16 v13, v16;
	v13 =	vunpack.i.u.bf16.f32 v11;
	v11 =	vunpack.i.l.bf16.f32 v11;
	v37 =	vld [tilespmem:s11+$0x50]  }
0xe1: {  	v39 =	vld [tilespmem:s13+$0x90];
	v9 =	vadd.f32 v11, v9;
	v10 =	vadd.f32 v13, v10  }
0xe2: {  	v11 =	vunpack.i.u.bf16.f32 v12;
	v12 =	vunpack.i.l.bf16.f32 v12;
	v40 =	vld [tilespmem:s11+$0x90]  }
0xe3: {  	v41 =	vld [tilespmem:s13+$0xA0];
	v9 =	vadd.f32 v12, v9;
	v10 =	vadd.f32 v11, v10  }
0xe4: {  	v42 =	vld [tilespmem:s11+$0xA0]  }
0xe5: {  	v43 =	vld [tilespmem:s13+$0x30];
	v9 =	vadd.f32 v9, v10  }
0xe6: {  	v44 =	vld [tilespmem:s11+$0x30]  }
0xe7: {  	v45 =	vld [tilespmem:s13+$0x40];
	v10 =	vperm.xlane v9, v0  }
0xe8: {  	v46 =	vld [tilespmem:s11+$0x40]  }
0xe9: {  	v47 =	vld [tilespmem:s13+$0x80];
	v10 =	vadd.f32 v9, v10  }
0xea: {  	v48 =	vld [tilespmem:s11+$0x80]  }
0xeb: {  	v49 =	vld [tilespmem:s13+$0xFFFFFFD0];
	v11 =	vperm.xlane v10, v2  }
0xec: {  	v50 =	vld [tilespmem:s11+$0xFFFFFFD0]  }
0xed: {  	v9 =	vld [tilespmem:s13+$0xFFFFFFE0];
	v10 =	vadd.f32 v10, v11  }
0xee: {  	v51 =	vld [tilespmem:s13+$0x10]  }
0xef: {  	v52 =	vld [tilespmem:s11+$0x10];
	v11 =	vperm.xlane v10, v4  }
0xf0: {  	v22 =	vld [tilespmem:s13+$0x20]  }
0xf1: {  	v24 =	vld [tilespmem:s11+$0x20];
	v12 =	vadd.f32 v10, v11  }
0xf2: {  	v10 =	vld [tilespmem:s13+$0xFFFFFF70]  }
0xf3: {  	v18 =	vld [tilespmem:s13+$0xFFFFFFB0];
	v13 =	vperm.xlane v12, v6  }
0xf4: {  	v19 =	vld [tilespmem:s11+$0xFFFFFFB0]  }
0xf5: {  	v11 =	vld [tilespmem:s13+$0xFFFFFFC0];
	v12 =	vadd.f32 v12, v13;
	v13 =	vmov s16;
	s16 =	smov.u32 s14  }
0xf6: {  	v26 =	vld [tilespmem:s13+$0x0];
	vm1 =	veq.s32 v13, v7  }
0xf7: {  	v29 =	vld [tilespmem:s11+$0x0];
	v8 =	vsel vm1, v12, v8  }
0xf8: {  	v12 =	vld [tilespmem:s13+$0xFFFFFF50]  }
0xf9: {  	v13 =	vld [tilespmem:s11+$0xFFFFFF50]  }
0xfa: {  	v28 =	vld [tilespmem:s13+$0xFFFFFF90]  }
0xfb: {  	v30 =	vld [tilespmem:s11+$0xFFFFFF90]  }
0xfc: {  	v23 =	vld [tilespmem:s13+$0xFFFFFFA0]  }
0xfd: {  	v25 =	vld [tilespmem:s11+$0xFFFFFFA0]  }
0xfe: {  	v21 =	vld [tilespmem:s13+$0xFFFFFF30]  }
0xff: {  	v35 =	vld [tilespmem:s13+$0xFFFFFF80]  }
0x100: {  	v16 =	vmul.bf16 v17, v27;
	v36 =	vld [tilespmem:s11+$0xFFFFFF80]  }
.Ltmp3:
0x101: {  	v27 =	vmul.bf16 v31, v20;
	v15 =	vmul.bf16 v14, v32;
	v34 =	vld [tilespmem:s13+$0xFFFFFF10];
	(pc) =	sbr.rel @p1 .LBB2_8-.Ltmp3, $4  }
0x102: {  	v14 =	vmul.bf16 v37, v33;
	v40 =	vmul.bf16 v40, v39;
	v38 =	vld [tilespmem:s11+$0xFFFFFF10]  }
0x103: {  	v32 =	vmul.bf16 v42, v41;
	v33 =	vmul.bf16 v44, v43;
	v37 =	vld [tilespmem:s13+$0xFFFFFF00]  }
0x104: {  	v20 =	vmul.bf16 v46, v45;
	v41 =	vmul.bf16 v48, v47;
	v39 =	vld [tilespmem:s11+$0xFFFFFF00]  }
0x105: {  	v17 =	vmul.bf16 v50, v49;
	v42 =	vmul.bf16 v52, v51;
	s14 =	sadd.s32 $0x1, s14;
	v31 =	vld [tilespmem:s11+$0xFFFFFF30]  }
0x106: {  	v43 =	vld [tilespmem:s13+$0xFFFFFF20]  }
0x107: {  	v44 =	vld [tilespmem:s11+$0xFFFFFF20]  }
0x108: {  	v45 =	vld [tilespmem:s13+$0xFFFFFF40]  }
0x109: {  	v46 =	vld [tilespmem:s11+$0xFFFFFF40]  }
0x10a: {  	v47 =	vld [tilespmem:s13+$0xFFFFFF60]  }
0x10b: {  	v48 =	vld [tilespmem:s11+$0xFFFFFF60]  }
0x10c: {  	v49 =	vld [tilespmem:s11+$0xFFFFFFC0]  }
0x10d: {  	v50 =	vld [tilespmem:s11+$0xFFFFFF70]  }
0x10e: {  	v51 =	vld [tilespmem:s11+$0xFFFFFFE0]  }
0x10f: {  	v52 =	vld [tilespmem:s13+$0xFFFFFFF0]  }
0x110: {  	v53 =	vld [tilespmem:s11+$0xFFFFFFF0]  }
0x111: {  	v54 =	vld [tilespmem:s13+$0x60]  }
0x112: {  	v55 =	vld [tilespmem:s11+$0x60]  }
0x113: {  	v56 =	vld [tilespmem:s13+$0x70]  }
0x114: {  	v57 =	vld [tilespmem:s11+$0x70]  }
0x115: {  	v58 =	vld [tilespmem:s13+$0xE0]  }
0x116: {  	v59 =	vld [tilespmem:s11+$0xE0];
	s24 =	sadd.s32 $0x1, s25;
	p1 =	seq.s32 s25, $0x139  }
0x117: {  	v60 =	vld [tilespmem:s13+$0xF0];
	s13 =	sshll.u32 @!p1 s24, $0x4  }
0x118: {  	v61 =	vld [tilespmem:s11+$0xF0];
	s14 =	simm.s32 @!p1 $0x10;
	s11 =	simm.s32 @!p1 $0x0;
	s26 =	sadd.s32 @!p1 $0xC000, s13  }
0x119: {  	[tilespmem:s11], [sflag:$0x1] =	stream.indirect.gather @!p1 [hbm4b:s3+s14], $0x200, s26, s14, $0xb8;
	[tilespmem:$0x10E50] =	vst v63  }
0x11a: {  	s11 =	sadd.s32 @!p1 $0xD3A0, s13;
	s13 =	simm.s32 @!p1 $0x4000  }
0x11b: {  	v26 =	vmul.bf16 v29, v26;
	[tilespmem:s13], [sflag:$0x1] =	stream.indirect.gather @!p1 [hbm4b:s7+s14], $0x200, s11, s14, $0xb8;
	[tilespmem:$0x10E50] =	vst v63  }
0x11c: {  	v22 =	vmul.bf16 v24, v22;
	v24 =	vmul.bf16 v36, v35;
	v29 =	vadd.bf16 v5, v40;
	_ =	swait.ge [sflag:s29], $0x2000  }
0x11d: {  	v28 =	vmul.bf16 v30, v28;
	v41 =	vadd.bf16 v5, v41;
	v18 =	vmul.bf16 v19, v18;
	[sflag:s29] =	ssyncset.done $0x0  }
0x11e: {  	v23 =	vmul.bf16 v25, v23;
	v40 =	vadd.bf16 v5, v42;
	v27 =	vadd.bf16 v27, v29;
	[sflag:s29] =	ssyncadd.s32 $0xFFFFE000  }
0x11f: {  	v30 =	vmul.bf16 v38, v34;
	v19 =	vadd.bf16 v32, v41;
	v28 =	vadd.bf16 v5, v28;
	_ =	swait.ge [sflag:s29], $0x2000  }
0x120: {  	v25 =	vadd.bf16 v5, v26;
	v24 =	vadd.bf16 v5, v24;
	v42 =	vmul.bf16 v39, v37;
	[sflag:s29] =	ssyncset.done $0x0  }
0x121: {  	v29 =	vadd.bf16 v33, v40;
	v26 =	vadd.bf16 v5, v30;
	v21 =	vmul.bf16 v31, v21;
	s13 =	simm.s32 $0x2100;
	[sflag:s29] =	ssyncadd.s32 $0xFFFFE000  }
0x122: {  	v18 =	vadd.bf16 v18, v28;
	v30 =	vmul.bf16 v44, v43;
	v44 =	vadd.bf16 v5, v42;
	s14 =	simm.s32 $0x6100;
	v31 =	vld [tilespmem:s13+$0xD0]  }
0x123: {  	v12 =	vmul.bf16 v13, v12;
	v22 =	vadd.bf16 v22, v25;
	v13 =	vadd.bf16 v16, v27;
	v27 =	vld [tilespmem:s14+$0xD0]  }
0x124: {  	v23 =	vadd.bf16 v23, v24;
	v28 =	vmul.bf16 v46, v45;
	v25 =	vadd.bf16 v30, v44;
	v32 =	vld [tilespmem:s13+$0xB0]  }
0x125: {  	v15 =	vadd.bf16 v15, v19;
	v11 =	vmul.bf16 v49, v11;
	v19 =	vadd.bf16 v20, v22;
	v20 =	vld [tilespmem:s14+$0xB0]  }
0x126: {  	v24 =	vmul.bf16 v48, v47;
	v21 =	vadd.bf16 v21, v26;
	v16 =	vadd.bf16 v28, v25;
	v34 =	vld [tilespmem:s13+$0xC0]  }
0x127: {  	v17 =	vadd.bf16 v17, v18;
	v11 =	vadd.bf16 v11, v23;
	v18 =	vld [tilespmem:s14+$0xC0]  }
0x128: {  	v10 =	vmul.bf16 v50, v10;
	v12 =	vadd.bf16 v12, v21;
	v16 =	vadd.bf16 v24, v16;
	v23 =	vld [tilespmem:s13+$0x50]  }
0x129: {  	v14 =	vadd.bf16 v14, v29;
	v9 =	vmul.bf16 v51, v9;
	v38 =	vld [tilespmem:s14+$0x50]  }
0x12a: {  	v10 =	vadd.bf16 v10, v12;
	v40 =	vld [tilespmem:s13+$0x90];
	v12 =	vunpack.i.u.bf16.f32 v16;
	v16 =	vunpack.i.l.bf16.f32 v16  }
0x12b: {  	v21 =	vmul.bf16 v53, v52;
	v41 =	vld [tilespmem:s14+$0x90];
	v16 =	vadd.f32 $0.0e+00, v16;
	v12 =	vadd.f32 $0.0e+00, v12  }
0x12c: {  	v9 =	vadd.bf16 v9, v11;
	v22 =	vunpack.i.u.bf16.f32 v10;
	v10 =	vunpack.i.l.bf16.f32 v10;
	v42 =	vld [tilespmem:s13+$0xA0]  }
0x12d: {  	v43 =	vld [tilespmem:s14+$0xA0];
	v10 =	vadd.f32 v10, v16;
	v11 =	vadd.f32 v22, v12;
	v12 =	vmul.bf16 v55, v54  }
0x12e: {  	v44 =	vld [tilespmem:s13+$0x30];
	v16 =	vadd.bf16 v21, v17;
	v17 =	vunpack.i.u.bf16.f32 v9;
	v9 =	vunpack.i.l.bf16.f32 v9  }
0x12f: {  	v45 =	vld [tilespmem:s14+$0x30];
	v9 =	vadd.f32 v9, v10;
	v10 =	vadd.f32 v17, v11;
	v11 =	vmul.bf16 v57, v56  }
0x130: {  	v62 =	vld [tilespmem:s13+$0x10];
	v17 =	vunpack.i.u.bf16.f32 v16;
	v16 =	vunpack.i.l.bf16.f32 v16;
	v12 =	vadd.bf16 v12, v19  }
0x131: {  	v63 =	vld [tilespmem:s14+$0x10];
	v9 =	vadd.f32 v16, v9;
	v10 =	vadd.f32 v17, v10;
	v16 =	vmul.bf16 v59, v58  }
0x132: {  	v24 =	vld [tilespmem:s14+$0x20];
	v11 =	vadd.bf16 v11, v14;
	v14 =	vunpack.i.u.bf16.f32 v12;
	v12 =	vunpack.i.l.bf16.f32 v12  }
0x133: {  	v28 =	vld [tilespmem:s13+$0x0];
	v9 =	vadd.f32 v12, v9;
	v10 =	vadd.f32 v14, v10;
	v12 =	vmul.bf16 v61, v60  }
0x134: {  	v29 =	vld [tilespmem:s14+$0x0];
	v14 =	vunpack.i.u.bf16.f32 v11;
	v11 =	vunpack.i.l.bf16.f32 v11;
	v15 =	vadd.bf16 v16, v15  }
0x135: {  	v30 =	vld [tilespmem:s13+$0xFFFFFF90];
	v9 =	vadd.f32 v11, v9;
	v10 =	vadd.f32 v14, v10  }
0x136: {  	v33 =	vld [tilespmem:s14+$0xFFFFFF90];
	v11 =	vadd.bf16 v12, v13;
	v12 =	vunpack.i.u.bf16.f32 v15;
	v13 =	vunpack.i.l.bf16.f32 v15  }
0x137: {  	v25 =	vld [tilespmem:s13+$0xFFFFFFA0];
	v9 =	vadd.f32 v13, v9;
	v12 =	vadd.f32 v12, v10  }
0x138: {  	v26 =	vld [tilespmem:s14+$0xFFFFFFA0];
	v13 =	vunpack.i.u.bf16.f32 v11;
	v11 =	vunpack.i.l.bf16.f32 v11  }
0x139: {  	v35 =	vld [tilespmem:s13+$0xFFFFFF80];
	v9 =	vadd.f32 v11, v9;
	v11 =	vadd.f32 v13, v12  }
0x13a: {  	v36 =	vld [tilespmem:s14+$0xFFFFFF80]  }
0x13b: {  	v37 =	vld [tilespmem:s13+$0xFFFFFF10];
	v9 =	vadd.f32 v9, v11  }
0x13c: {  	v39 =	vld [tilespmem:s14+$0xFFFFFF10]  }
0x13d: {  	v22 =	vld [tilespmem:s13+$0x20];
	v12 =	vperm.xlane v9, v0  }
0x13e: {  	v21 =	vld [tilespmem:s13+$0xFFFFFF30]  }
0x13f: {  	v40 =	vmul.bf16 v41, v40;
	v41 =	vld [tilespmem:s14+$0xFFFFFF00];
	v9 =	vadd.f32 v9, v12  }
0x140: {  	v18 =	vmul.bf16 v18, v34;
	v34 =	vld [tilespmem:s14+$0xFFFFFF30]  }
0x141: {  	v56 =	vld [tilespmem:s13+$0x40];
	v13 =	vperm.xlane v9, v2  }
0x142: {  	v57 =	vld [tilespmem:s14+$0x40]  }
0x143: {  	v58 =	vld [tilespmem:s13+$0x80];
	v9 =	vadd.f32 v9, v13  }
0x144: {  	v59 =	vld [tilespmem:s14+$0x80]  }
0x145: {  	v60 =	vld [tilespmem:s13+$0xFFFFFFD0];
	v17 =	vperm.xlane v9, v4  }
0x146: {  	v61 =	vld [tilespmem:s14+$0xFFFFFFD0]  }
0x147: {  	v16 =	vld [tilespmem:s14+$0xFFFFFFB0];
	v9 =	vadd.f32 v9, v17  }
0x148: {  	v15 =	vld [tilespmem:s13+$0xFFFFFFB0]  }
0x149: {  	v19 =	vmul.bf16 v27, v31;
	v14 =	vld [tilespmem:s14+$0xFFFFFF50];
	v17 =	vperm.xlane v9, v6  }
0x14a: {  	v27 =	vmul.bf16 v20, v32;
	v31 =	vmul.bf16 v45, v44;
	v10 =	vld [tilespmem:s13+$0xFFFFFFE0]  }
0x14b: {  	v32 =	vmul.bf16 v43, v42;
	v11 =	vld [tilespmem:s13+$0xFFFFFF70];
	v9 =	vadd.f32 v9, v17;
	v17 =	vmov s16  }
0x14c: {  	v43 =	vmul.bf16 v63, v62;
	v42 =	vmul.bf16 v59, v58;
	v12 =	vld [tilespmem:s13+$0xFFFFFFC0];
	vm1 =	veq.s32 v17, v7  }
0x14d: {  	v20 =	vmul.bf16 v61, v60;
	v17 =	vmul.bf16 v38, v23;
	v38 =	vld [tilespmem:s13+$0xFFFFFF00];
	v8 =	vsel vm1, v9, v8  }
0x14e: {  	s21 =	simm.s32 $0x1;
	v13 =	vld [tilespmem:s13+$0xFFFFFF50];
	s16 =	simm.s32 $0x0;
	v23 =	vmul.bf16 v57, v56;
	v9 =	vimm.f32 $0.0e+00;
	v8 =	vadd.f32 $0.0e+00, v8  }
.LBB2_10:
0x14f: {  	p2 =	sne.s32 s21, $0xF;
	v44 =	vld [tilespmem:s13+$0xFFFFFF20];
	v28 =	vmul.bf16 v29, v28;
	v22 =	vmul.bf16 v24, v22  }
0x150: {  	v29 =	vmul.bf16 v36, v35;
	v30 =	vmul.bf16 v33, v30;
	v33 =	vadd.bf16 v5, v40;
	v24 =	vld [tilespmem:s14+$0xFFFFFF20]  }
0x151: {  	v35 =	vmul.bf16 v39, v37;
	v37 =	vadd.bf16 v5, v43;
	v39 =	vadd.bf16 v5, v42;
	v36 =	vld [tilespmem:s13+$0xFFFFFF40]  }
0x152: {  	v30 =	vadd.bf16 v5, v30;
	v28 =	vadd.bf16 v5, v28;
	v38 =	vmul.bf16 v41, v38;
	v40 =	vld [tilespmem:s14+$0xFFFFFF40]  }
0x153: {  	v15 =	vmul.bf16 v16, v15;
	v29 =	vadd.bf16 v5, v29;
	v35 =	vadd.bf16 v5, v35;
	v41 =	vld [tilespmem:s13+$0xFFFFFF60]  }
0x154: {  	v25 =	vmul.bf16 v26, v25;
	v26 =	vadd.bf16 v27, v33;
	v16 =	vadd.bf16 v5, v38;
	v38 =	vld [tilespmem:s14+$0xFFFFFF60]  }
0x155: {  	v31 =	vadd.bf16 v31, v37;
	v32 =	vadd.bf16 v32, v39;
	v24 =	vmul.bf16 v24, v44;
	v27 =	vld [tilespmem:s14+$0xFFFFFFC0]  }
0x156: {  	v21 =	vmul.bf16 v34, v21;
	v15 =	vadd.bf16 v15, v30;
	v22 =	vadd.bf16 v22, v28;
	v33 =	vld [tilespmem:s14+$0xFFFFFF70]  }
0x157: {  	v25 =	vadd.bf16 v25, v29;
	v16 =	vadd.bf16 v24, v16;
	v24 =	vmul.bf16 v40, v36;
	v28 =	vld [tilespmem:s14+$0xFFFFFFE0]  }
0x158: {  	v13 =	vmul.bf16 v14, v13;
	v19 =	vadd.bf16 v19, v26;
	v21 =	vadd.bf16 v21, v35;
	v14 =	vld [tilespmem:s13+$0xFFFFFFF0]  }
0x159: {  	v18 =	vadd.bf16 v18, v32;
	v16 =	vadd.bf16 v24, v16;
	v24 =	vmul.bf16 v38, v41;
	v26 =	vld [tilespmem:s14+$0xFFFFFFF0]  }
0x15a: {  	v17 =	vadd.bf16 v17, v31;
	v22 =	vadd.bf16 v23, v22;
	v12 =	vmul.bf16 v27, v12;
	v23 =	vld [tilespmem:s13+$0x60]  }
0x15b: {  	v13 =	vadd.bf16 v13, v21;
	v16 =	vadd.bf16 v24, v16;
	v11 =	vmul.bf16 v33, v11;
	v21 =	vld [tilespmem:s14+$0x60]  }
0x15c: {  	v15 =	vadd.bf16 v20, v15;
	v12 =	vadd.bf16 v12, v25;
	v10 =	vmul.bf16 v28, v10;
	v20 =	vld [tilespmem:s13+$0x70]  }
0x15d: {  	v11 =	vadd.bf16 v11, v13;
	v13 =	vunpack.i.u.bf16.f32 v16;
	v16 =	vunpack.i.l.bf16.f32 v16;
	v24 =	vld [tilespmem:s14+$0x70]  }
0x15e: {  	v16 =	vadd.f32 $0.0e+00, v16;
	v13 =	vadd.f32 $0.0e+00, v13;
	v14 =	vmul.bf16 v26, v14;
	v25 =	vld [tilespmem:s13+$0xE0]  }
0x15f: {  	v10 =	vadd.bf16 v10, v12;
	v26 =	vunpack.i.u.bf16.f32 v11;
	v11 =	vunpack.i.l.bf16.f32 v11;
	v12 =	vld [tilespmem:s14+$0xE0]  }
0x160: {  	v11 =	vadd.f32 v11, v16;
	v13 =	vadd.f32 v26, v13;
	v16 =	vmul.bf16 v21, v23;
	v21 =	vld [tilespmem:s13+$0xF0]  }
0x161: {  	v14 =	vadd.bf16 v14, v15;
	v15 =	vunpack.i.u.bf16.f32 v10;
	v10 =	vunpack.i.l.bf16.f32 v10;
	s13 =	sadd.s32 $0x200, s13;
	v23 =	vld [tilespmem:s14+$0xF0]  }
0x162: {  	s14 =	sadd.s32 $0x200, s14;
	v27 =	vld [tilespmem:s13+$0xD0];
	v10 =	vadd.f32 v10, v11;
	v11 =	vadd.f32 v15, v13;
	v13 =	vmul.bf16 v24, v20  }
0x163: {  	v15 =	vunpack.i.u.bf16.f32 v14;
	v14 =	vunpack.i.l.bf16.f32 v14;
	v16 =	vadd.bf16 v16, v22;
	v20 =	vld [tilespmem:s14+$0xD0]  }
0x164: {  	v31 =	vld [tilespmem:s13+$0xB0];
	v10 =	vadd.f32 v14, v10;
	v11 =	vadd.f32 v15, v11;
	v12 =	vmul.bf16 v12, v25  }
0x165: {  	v13 =	vadd.bf16 v13, v17;
	v14 =	vunpack.i.u.bf16.f32 v16;
	v15 =	vunpack.i.l.bf16.f32 v16;
	v32 =	vld [tilespmem:s14+$0xB0]  }
0x166: {  	v17 =	vld [tilespmem:s13+$0xC0];
	v10 =	vadd.f32 v15, v10;
	v11 =	vadd.f32 v14, v11;
	v14 =	vmul.bf16 v23, v21  }
0x167: {  	v15 =	vunpack.i.u.bf16.f32 v13;
	v13 =	vunpack.i.l.bf16.f32 v13;
	v12 =	vadd.bf16 v12, v18;
	v23 =	vld [tilespmem:s14+$0xC0]  }
0x168: {  	v34 =	vld [tilespmem:s13+$0x50];
	v10 =	vadd.f32 v13, v10;
	v11 =	vadd.f32 v15, v11  }
0x169: {  	v13 =	vadd.bf16 v14, v19;
	v14 =	vunpack.i.u.bf16.f32 v12;
	v12 =	vunpack.i.l.bf16.f32 v12;
	v38 =	vld [tilespmem:s14+$0x50]  }
0x16a: {  	v40 =	vld [tilespmem:s13+$0x90];
	v10 =	vadd.f32 v12, v10;
	v11 =	vadd.f32 v14, v11  }
0x16b: {  	v12 =	vunpack.i.u.bf16.f32 v13;
	v13 =	vunpack.i.l.bf16.f32 v13;
	v41 =	vld [tilespmem:s14+$0x90]  }
0x16c: {  	v42 =	vld [tilespmem:s13+$0xA0];
	v10 =	vadd.f32 v13, v10;
	v11 =	vadd.f32 v12, v11  }
0x16d: {  	v43 =	vld [tilespmem:s14+$0xA0]  }
0x16e: {  	v44 =	vld [tilespmem:s13+$0x30];
	v10 =	vadd.f32 v10, v11  }
0x16f: {  	v45 =	vld [tilespmem:s14+$0x30]  }
0x170: {  	v46 =	vld [tilespmem:s13+$0x40];
	v11 =	vperm.xlane v10, v0  }
0x171: {  	v47 =	vld [tilespmem:s14+$0x40]  }
0x172: {  	v48 =	vld [tilespmem:s13+$0x80];
	v11 =	vadd.f32 v10, v11  }
0x173: {  	v49 =	vld [tilespmem:s14+$0x80]  }
0x174: {  	v50 =	vld [tilespmem:s13+$0xFFFFFFD0];
	v12 =	vperm.xlane v11, v2  }
0x175: {  	v51 =	vld [tilespmem:s14+$0xFFFFFFD0]  }
0x176: {  	v10 =	vld [tilespmem:s13+$0xFFFFFFE0];
	v11 =	vadd.f32 v11, v12  }
0x177: {  	v52 =	vld [tilespmem:s13+$0x10]  }
0x178: {  	v53 =	vld [tilespmem:s14+$0x10];
	v12 =	vperm.xlane v11, v4  }
0x179: {  	v22 =	vld [tilespmem:s13+$0x20]  }
0x17a: {  	v24 =	vld [tilespmem:s14+$0x20];
	v13 =	vadd.f32 v11, v12  }
0x17b: {  	v11 =	vld [tilespmem:s13+$0xFFFFFF70]  }
0x17c: {  	v15 =	vld [tilespmem:s13+$0xFFFFFFB0];
	v14 =	vperm.xlane v13, v6  }
0x17d: {  	v16 =	vld [tilespmem:s14+$0xFFFFFFB0]  }
0x17e: {  	v12 =	vld [tilespmem:s13+$0xFFFFFFC0];
	v13 =	vadd.f32 v13, v14;
	v14 =	vmov s16;
	s16 =	smov.u32 s21  }
0x17f: {  	v28 =	vld [tilespmem:s13+$0x0];
	vm1 =	veq.s32 v14, v7  }
0x180: {  	v29 =	vld [tilespmem:s14+$0x0];
	v9 =	vsel vm1, v13, v9  }
0x181: {  	v13 =	vld [tilespmem:s13+$0xFFFFFF50]  }
0x182: {  	v14 =	vld [tilespmem:s14+$0xFFFFFF50]  }
0x183: {  	v30 =	vld [tilespmem:s13+$0xFFFFFF90]  }
0x184: {  	v33 =	vld [tilespmem:s14+$0xFFFFFF90]  }
0x185: {  	v25 =	vld [tilespmem:s13+$0xFFFFFFA0]  }
0x186: {  	v26 =	vld [tilespmem:s14+$0xFFFFFFA0]  }
0x187: {  	v21 =	vld [tilespmem:s13+$0xFFFFFF30]  }
0x188: {  	v35 =	vld [tilespmem:s13+$0xFFFFFF80]  }
0x189: {  	v19 =	vmul.bf16 v20, v27;
	v36 =	vld [tilespmem:s14+$0xFFFFFF80]  }
.Ltmp4:
0x18a: {  	v27 =	vmul.bf16 v32, v31;
	v18 =	vmul.bf16 v23, v17;
	v37 =	vld [tilespmem:s13+$0xFFFFFF10];
	(pc) =	sbr.rel @p2 .LBB2_10-.Ltmp4, $4  }
0x18b: {  	v17 =	vmul.bf16 v38, v34;
	v40 =	vmul.bf16 v41, v40;
	v39 =	vld [tilespmem:s14+$0xFFFFFF10]  }
0x18c: {  	v32 =	vmul.bf16 v43, v42;
	v31 =	vmul.bf16 v45, v44;
	v38 =	vld [tilespmem:s13+$0xFFFFFF00]  }
0x18d: {  	v23 =	vmul.bf16 v47, v46;
	v42 =	vmul.bf16 v49, v48;
	v41 =	vld [tilespmem:s14+$0xFFFFFF00]  }
0x18e: {  	v20 =	vmul.bf16 v51, v50;
	v43 =	vmul.bf16 v53, v52;
	s21 =	sadd.s32 $0x1, s21;
	v34 =	vld [tilespmem:s14+$0xFFFFFF30]  }
0x18f: {  	v44 =	vld [tilespmem:s13+$0xFFFFFF20];
	v28 =	vmul.bf16 v29, v28;
	v22 =	vmul.bf16 v24, v22  }
0x190: {  	v49 =	vld [tilespmem:s14+$0xFFFFFF20];
	v50 =	vmul.bf16 v36, v35;
	v30 =	vmul.bf16 v33, v30;
	v51 =	vadd.bf16 v5, v40  }
0x191: {  	v53 =	vld [tilespmem:s13+$0xFFFFFF40];
	v55 =	vadd.bf16 v5, v42;
	v15 =	vmul.bf16 v16, v15;
	v54 =	vadd.bf16 v5, v43  }
0x192: {  	v56 =	vld [tilespmem:s14+$0xFFFFFF40];
	v52 =	vmul.bf16 v39, v37;
	v30 =	vadd.bf16 v5, v30;
	v28 =	vadd.bf16 v5, v28  }
0x193: {  	v57 =	vld [tilespmem:s13+$0xFFFFFF60];
	v29 =	vadd.bf16 v5, v50;
	v60 =	vadd.bf16 v27, v51;
	v38 =	vmul.bf16 v41, v38  }
0x194: {  	v59 =	vld [tilespmem:s14+$0xFFFFFF60];
	v25 =	vmul.bf16 v26, v25;
	v32 =	vadd.bf16 v32, v55;
	v35 =	vadd.bf16 v5, v52  }
0x195: {  	v61 =	vld [tilespmem:s14+$0xFFFFFFC0];
	v31 =	vadd.bf16 v31, v54;
	v58 =	vadd.bf16 v5, v38;
	v24 =	vmul.bf16 v49, v44  }
0x196: {  	v62 =	vld [tilespmem:s14+$0xFFFFFF70];
	v21 =	vmul.bf16 v34, v21;
	v15 =	vadd.bf16 v15, v30;
	v22 =	vadd.bf16 v22, v28  }
0x197: {  	v25 =	vadd.bf16 v25, v29;
	v34 =	vld [tilespmem:s14+$0xFFFFFFE0];
	v63 =	vmul.bf16 v56, v53;
	v16 =	vadd.bf16 v24, v58  }
0x198: {  	v13 =	vmul.bf16 v14, v13;
	v36 =	vld [tilespmem:s13+$0xFFFFFFF0];
	v19 =	vadd.bf16 v19, v60;
	v18 =	vadd.bf16 v18, v32  }
0x199: {  	v37 =	vmul.bf16 v59, v57;
	v38 =	vld [tilespmem:s14+$0xFFFFFFF0];
	v21 =	vadd.bf16 v21, v35;
	v16 =	vadd.bf16 v63, v16  }
0x19a: {  	v40 =	vld [tilespmem:s14+$0x60];
	v12 =	vmul.bf16 v61, v12;
	v17 =	vadd.bf16 v17, v31;
	v22 =	vadd.bf16 v23, v22  }
0x19b: {  	v39 =	vld [tilespmem:s13+$0x60];
	v11 =	vmul.bf16 v62, v11;
	v13 =	vadd.bf16 v13, v21;
	v16 =	vadd.bf16 v37, v16  }
0x19c: {  	v43 =	vld [tilespmem:s14+$0x70];
	v15 =	vadd.bf16 v20, v15;
	v12 =	vadd.bf16 v12, v25;
	v10 =	vmul.bf16 v34, v10  }
0x19d: {  	v41 =	vld [tilespmem:s13+$0x70];
	v11 =	vadd.bf16 v11, v13;
	v42 =	vunpack.i.u.bf16.f32 v16;
	v16 =	vunpack.i.l.bf16.f32 v16  }
0x19e: {  	v46 =	vld [tilespmem:s14+$0xE0];
	v14 =	vmul.bf16 v38, v36;
	v16 =	vadd.f32 $0.0e+00, v16;
	v13 =	vadd.f32 $0.0e+00, v42  }
0x19f: {  	v44 =	vld [tilespmem:s13+$0xE0];
	v10 =	vadd.bf16 v10, v12;
	v45 =	vunpack.i.u.bf16.f32 v11;
	v11 =	vunpack.i.l.bf16.f32 v11  }
0x1a0: {  	v48 =	vld [tilespmem:s13+$0xF0];
	v47 =	vmul.bf16 v40, v39;
	v11 =	vadd.f32 v11, v16;
	v13 =	vadd.f32 v45, v13  }
0x1a1: {  	v50 =	vld [tilespmem:s14+$0xF0];
	v14 =	vadd.bf16 v14, v15;
	v49 =	vunpack.i.u.bf16.f32 v10;
	v10 =	vunpack.i.l.bf16.f32 v10  }
0x1a2: {  	v52 =	vmul.bf16 v43, v41;
	v10 =	vadd.f32 v10, v11;
	v51 =	vadd.f32 v49, v13  }
0x1a3: {  	v53 =	vunpack.i.u.bf16.f32 v14;
	v14 =	vunpack.i.l.bf16.f32 v14;
	v16 =	vadd.bf16 v47, v22  }
0x1a4: {  	v12 =	vmul.bf16 v46, v44;
	v10 =	vadd.f32 v14, v10;
	v11 =	vadd.f32 v53, v51  }
0x1a5: {  	v13 =	vadd.bf16 v52, v17;
	v54 =	vunpack.i.u.bf16.f32 v16;
	v55 =	vunpack.i.l.bf16.f32 v16  }
0x1a6: {  	v56 =	vmul.bf16 v50, v48;
	v10 =	vadd.f32 v55, v10;
	v11 =	vadd.f32 v54, v11  }
0x1a7: {  	v12 =	vadd.bf16 v12, v18;
	v57 =	vunpack.i.u.bf16.f32 v13;
	v13 =	vunpack.i.l.bf16.f32 v13  }
0x1a8: {  	v10 =	vadd.f32 v13, v10;
	v11 =	vadd.f32 v57, v11  }
0x1a9: {  	v58 =	vadd.bf16 v56, v19;
	v59 =	vunpack.i.u.bf16.f32 v12;
	v12 =	vunpack.i.l.bf16.f32 v12  }
0x1aa: {  	v10 =	vadd.f32 v12, v10;
	v11 =	vadd.f32 v59, v11  }
0x1ab: {  	v60 =	vunpack.i.u.bf16.f32 v58;
	v13 =	vunpack.i.l.bf16.f32 v58  }
0x1ac: {  	v10 =	vadd.f32 v13, v10;
	v11 =	vadd.f32 v60, v11;
	_ =	sdelay $0x1  }
0x1ad: {  	v10 =	vadd.f32 v10, v11;
	_ =	sdelay $0x1  }
0x1ae: {  	v11 =	vperm.xlane v10, v0;
	_ =	sdelay $0x1  }
0x1af: {  	v10 =	vadd.f32 v10, v11;
	_ =	sdelay $0x1  }
0x1b0: {  	v11 =	vperm.xlane v10, v2;
	_ =	sdelay $0x1  }
0x1b1: {  	v10 =	vadd.f32 v10, v11  }
0x1b2: {  	s13 =	simm.s32 @!p1 $0x10;
	s14 =	simm.s32 @!p1 $0x2000  }
0x1b3: {  	[tilespmem:s14], [sflag:$0x2] =	stream.indirect.gather @!p1 [hbm4b:s4+s13], $0x200, s26, s13, $0xb8;
	v11 =	vperm.xlane v10, v4;
	[tilespmem:$0x10E50] =	vst v63  }
0x1b4: {  	s14 =	simm.s32 @!p1 $0x6000;
	s26 =	sshll.u32 s25, $0x4  }
0x1b5: {  	[tilespmem:s14], [sflag:$0x2] =	stream.indirect.gather @!p1 [hbm4b:s5+s13], $0x200, s11, s13, $0xb8;
	v10 =	vadd.f32 v10, v11;
	[tilespmem:$0x10E50] =	vst v63  }
0x1b6: {  	s11 =	sadd.s32 s6, s26;
	v61 =	vld [tilespmem:s26+$0xD3A0]  }
0x1b7: {  	vm1 =	vmmov vm0;
	p1 =	slt.u32 s11, $0x27100;
	v62 =	vperm.xlane v10, v6  }
0x1b8: {  	vm1 =	vmneg @p1 vm1  }
0x1b9: {  	v63 =	vmov s16;
	p1 =	sne.s32 s24, $0x13A;
	v10 =	vadd.f32 v10, v62  }
.Ltmp5:
0x1ba: {  	vm2 =	veq.s32 v63, v7;
	(pc) =	sbr.rel @p1 .LBB2_7-.Ltmp5, $3  }
0x1bb: {  	v9 =	vsel vm2, v10, v9  }
0x1bc: {  	v8 =	vadd.f32 v9, v8;
	_ =	sdelay $0x1  }
0x1bd: {  	s25 =	smov.u32 s24;
	[tilespmem:v61+s30+$0x0] =	vst.idx.add.f32.msk vm1, v8  }
.Ltmp6:
0x1be: {  	(pc) =	sbr.rel @!p0 .LBB2_13-.Ltmp6, $1  }
0x1bf: {  	_ =	sdelay $0x3  }
0x1c0: {  	s11 =	rddreg [dreg:$0x5]  }
0x1c1: {  	[tilespmem:s19], [sflag:$0x5] =	stream.linear.gather [hbm4b:s11+s2], $0x10A0, $0x38;
	[tilespmem:$0x10E50] =	vst v63  }
0x1c2: {  	_ =	swait.ge [sflag:s20], $0x10A0  }
0x1c3: {  	[sflag:s20] =	ssyncset.done $0x0  }
0x1c4: {  	[sflag:s20] =	ssyncadd.s32 $0xFFFFEF60  }
0x1c5: {  	[tilespmem:$0xD0A0] =	vst v3  }
0x1c6: {  	[tilespmem:$0xD0B0] =	vst v3  }
0x1c7: {  	[tilespmem:$0xD0C0] =	vst v3  }
0x1c8: {  	[tilespmem:$0xD0D0] =	vst v3  }
0x1c9: {  	[tilespmem:$0xD0E0] =	vst v3  }
0x1ca: {  	[tilespmem:$0xD0F0] =	vst v3  }
0x1cb: {  	[tilespmem:$0xD100] =	vst v3  }
0x1cc: {  	[tilespmem:$0xD110] =	vst v3  }
0x1cd: {  	[tilespmem:$0xD120] =	vst v3  }
0x1ce: {  	[tilespmem:$0xD130] =	vst v3  }
0x1cf: {  	[tilespmem:$0xD140] =	vst v3  }
0x1d0: {  	[tilespmem:$0xD150] =	vst v3  }
0x1d1: {  	[tilespmem:$0xD160] =	vst v3  }
0x1d2: {  	[tilespmem:$0xD170] =	vst v3  }
0x1d3: {  	[tilespmem:$0xD180] =	vst v3  }
0x1d4: {  	[tilespmem:$0xD190] =	vst v3  }
0x1d5: {  	[tilespmem:$0xD1A0] =	vst v3  }
0x1d6: {  	[tilespmem:$0xD1B0] =	vst v3  }
0x1d7: {  	[tilespmem:$0xD1C0] =	vst v3  }
0x1d8: {  	[tilespmem:$0xD1D0] =	vst v3  }
0x1d9: {  	[tilespmem:$0xD1E0] =	vst v3  }
0x1da: {  	[tilespmem:$0xD1F0] =	vst v3  }
0x1db: {  	[tilespmem:$0xD200] =	vst v3  }
0x1dc: {  	[tilespmem:$0xD210] =	vst v3  }
0x1dd: {  	[tilespmem:$0xD220] =	vst v3  }
0x1de: {  	[tilespmem:$0xD230] =	vst v3  }
0x1df: {  	[tilespmem:$0xD240] =	vst v3  }
0x1e0: {  	[tilespmem:$0xD250] =	vst v3  }
0x1e1: {  	[tilespmem:$0xD260] =	vst v3  }
0x1e2: {  	[tilespmem:$0xD270] =	vst v3  }
0x1e3: {  	[tilespmem:$0xD280] =	vst v3  }
0x1e4: {  	[tilespmem:$0xD290] =	vst v3  }
0x1e5: {  	[tilespmem:$0xD2A0] =	vst v3  }
0x1e6: {  	[tilespmem:$0xD2B0] =	vst v3  }
0x1e7: {  	[tilespmem:$0xD2C0] =	vst v3  }
0x1e8: {  	[tilespmem:$0xD2D0] =	vst v3  }
0x1e9: {  	[tilespmem:$0xD2E0] =	vst v3  }
0x1ea: {  	[tilespmem:$0xD2F0] =	vst v3  }
0x1eb: {  	[tilespmem:$0xD300] =	vst v3  }
0x1ec: {  	[tilespmem:$0xD310] =	vst v3  }
0x1ed: {  	[tilespmem:$0xD320] =	vst v3  }
0x1ee: {  	[tilespmem:$0xD330] =	vst v3  }
0x1ef: {  	[tilespmem:$0xD340] =	vst v3  }
0x1f0: {  	[tilespmem:$0xD350] =	vst v3  }
0x1f1: {  	[tilespmem:$0xD360] =	vst v3  }
0x1f2: {  	[tilespmem:$0xD370] =	vst v3  }
0x1f3: {  	[tilespmem:$0xD380] =	vst v3  }
0x1f4: {  	s26 =	sadd.s32 $0x4C0C, s15;
	[tilespmem:$0xD390] =	vst v3  }
0x1f5: {  	[tilespmem:s22], [sflag:$0x5] =	stream.linear.gather [hbm4b:s26+s2], $0x10A0, $0x38;
	[tilespmem:$0x10E50] =	vst v63  }
0x1f6: {  	_ =	swait.ge [sflag:s20], $0x10A0  }
0x1f7: {  	[sflag:s20] =	ssyncset.done $0x0  }
0x1f8: {  	[sflag:s20] =	ssyncadd.s32 $0xFFFFEF60  }
0x1f9: {  	[tilespmem:$0xE440] =	vst v3  }
0x1fa: {  	[tilespmem:$0xE450] =	vst v3  }
0x1fb: {  	[tilespmem:$0xE460] =	vst v3  }
0x1fc: {  	[tilespmem:$0xE470] =	vst v3  }
0x1fd: {  	[tilespmem:$0xE480] =	vst v3  }
0x1fe: {  	[tilespmem:$0xE490] =	vst v3  }
0x1ff: {  	[tilespmem:$0xE4A0] =	vst v3  }
0x200: {  	[tilespmem:$0xE4B0] =	vst v3  }
0x201: {  	[tilespmem:$0xE4C0] =	vst v3  }
0x202: {  	[tilespmem:$0xE4D0] =	vst v3  }
0x203: {  	[tilespmem:$0xE4E0] =	vst v3  }
0x204: {  	[tilespmem:$0xE4F0] =	vst v3  }
0x205: {  	[tilespmem:$0xE500] =	vst v3  }
0x206: {  	[tilespmem:$0xE510] =	vst v3  }
0x207: {  	[tilespmem:$0xE520] =	vst v3  }
0x208: {  	[tilespmem:$0xE530] =	vst v3  }
0x209: {  	[tilespmem:$0xE540] =	vst v3  }
0x20a: {  	[tilespmem:$0xE550] =	vst v3  }
0x20b: {  	[tilespmem:$0xE560] =	vst v3  }
0x20c: {  	[tilespmem:$0xE570] =	vst v3  }
0x20d: {  	[tilespmem:$0xE580] =	vst v3  }
0x20e: {  	[tilespmem:$0xE590] =	vst v3  }
0x20f: {  	[tilespmem:$0xE5A0] =	vst v3  }
0x210: {  	[tilespmem:$0xE5B0] =	vst v3  }
0x211: {  	[tilespmem:$0xE5C0] =	vst v3  }
0x212: {  	[tilespmem:$0xE5D0] =	vst v3  }
0x213: {  	[tilespmem:$0xE5E0] =	vst v3  }
0x214: {  	[tilespmem:$0xE5F0] =	vst v3  }
0x215: {  	[tilespmem:$0xE600] =	vst v3  }
0x216: {  	[tilespmem:$0xE610] =	vst v3  }
0x217: {  	[tilespmem:$0xE620] =	vst v3  }
0x218: {  	[tilespmem:$0xE630] =	vst v3  }
0x219: {  	[tilespmem:$0xE640] =	vst v3  }
0x21a: {  	[tilespmem:$0xE650] =	vst v3  }
0x21b: {  	[tilespmem:$0xE660] =	vst v3  }
0x21c: {  	[tilespmem:$0xE670] =	vst v3  }
0x21d: {  	[tilespmem:$0xE680] =	vst v3  }
0x21e: {  	[tilespmem:$0xE690] =	vst v3  }
0x21f: {  	[tilespmem:$0xE6A0] =	vst v3  }
0x220: {  	[tilespmem:$0xE6B0] =	vst v3  }
0x221: {  	[tilespmem:$0xE6C0] =	vst v3  }
0x222: {  	[tilespmem:$0xE6D0] =	vst v3  }
0x223: {  	[tilespmem:$0xE6E0] =	vst v3  }
.Ltmp7:
0x224: {  	[tilespmem:$0xE6F0] =	vst v3;
	(pc) =	sbr.rel .LBB2_15-.Ltmp7, $4  }
0x225: {  	[tilespmem:$0xE700] =	vst v3  }
0x226: {  	[tilespmem:$0xE710] =	vst v3  }
0x227: {  	[tilespmem:$0xE720] =	vst v3  }
0x228: {  	[tilespmem:$0xE730] =	vst v3  }
.LBB2_13:
0x229: {  	s11 =	rddreg [dreg:$0x4]  }
0x22a: {  	[tilespmem:s19], [sflag:$0x5] =	stream.linear.gather [hbm4b:s11+s2], $0x13A0, $0x38;
	[tilespmem:$0x10E50] =	vst v63  }
0x22b: {  	_ =	swait.ge [sflag:s20], $0x13A0  }
0x22c: {  	[sflag:s20] =	ssyncset.done $0x0  }
0x22d: {  	s26 =	sadd.s32 s10, s15;
	[sflag:s20] =	ssyncadd.s32 $0xFFFFEC60  }
0x22e: {  	[tilespmem:s22], [sflag:$0x5] =	stream.linear.gather [hbm4b:s26+s2], $0x13A0, $0x38;
	[tilespmem:$0x10E50] =	vst v63  }
0x22f: {  	_ =	swait.ge [sflag:s20], $0x13A0  }
0x230: {  	[sflag:s20] =	ssyncset.done $0x0  }
0x231: {  	[sflag:s20] =	ssyncadd.s32 $0xFFFFEC60  }
.LBB2_15:
0x232: {  	s11 =	simm.s32 $0x8000  }
0x233: {  	[tilespmem:s11], [sflag:$0x3] =	stream.indirect.gather [hbm4b:s8+s23], $0x100, s19, s23, $0xb8;
	[tilespmem:$0x10E50] =	vst v63  }
0x234: {  	s21 =	simm.s32 $0xA000  }
0x235: {  	[tilespmem:s21], [sflag:$0x3] =	stream.indirect.gather [hbm4b:s9+s23], $0x100, s22, s23, $0xb8;
	[tilespmem:$0x10E50] =	vst v63  }
0x236: {  	s24 =	simm.s32 $0xC010;
	s13 =	simm.s32 $0x9000  }
0x237: {  	[tilespmem:s13], [sflag:$0x4] =	stream.indirect.gather [hbm4b:s8+s23], $0x100, s24, s23, $0xb8;
	[tilespmem:$0x10E50] =	vst v63  }
0x238: {  	s25 =	simm.s32 $0xD3B0;
	s26 =	simm.s32 $0xB000;
	s24 =	simm.s32 $0x0  }
0x239: {  	[tilespmem:s26], [sflag:$0x4] =	stream.indirect.gather [hbm4b:s9+s23], $0x100, s25, s23, $0xb8;
	[tilespmem:$0x10E50] =	vst v63  }
.LBB2_16:
0x23a: {  	_ =	swait.ge [sflag:s31], $0x1000  }
0x23b: {  	[sflag:s31] =	ssyncset.done $0x0  }
0x23c: {  	[sflag:s31] =	ssyncadd.s32 $0xFFFFF000  }
0x23d: {  	_ =	swait.ge [sflag:s31], $0x1000  }
0x23e: {  	[sflag:s31] =	ssyncset.done $0x0  }
0x23f: {  	s11 =	simm.s32 $0x8080;
	[sflag:s31] =	ssyncadd.s32 $0xFFFFF000  }
0x240: {  	s13 =	simm.s32 $0xA080;
	v8 =	vld [tilespmem:s11+$0x50]  }
0x241: {  	v9 =	vld [tilespmem:s13+$0x50]  }
0x242: {  	v11 =	vld [tilespmem:s11+$0xFFFFFFF0]  }
0x243: {  	v12 =	vld [tilespmem:s11+$0x30]  }
0x244: {  	v13 =	vld [tilespmem:s13+$0x30]  }
0x245: {  	v14 =	vld [tilespmem:s11+$0x40]  }
0x246: {  	v15 =	vld [tilespmem:s11+$0xFFFFFFD0]  }
0x247: {  	v16 =	vld [tilespmem:s13+$0xFFFFFFD0]  }
0x248: {  	v17 =	vld [tilespmem:s11+$0x10]  }
0x249: {  	v18 =	vld [tilespmem:s13+$0x10]  }
0x24a: {  	v19 =	vld [tilespmem:s11+$0x20]  }
0x24b: {  	v20 =	vld [tilespmem:s13+$0x20]  }
0x24c: {  	v21 =	vld [tilespmem:s11+$0xFFFFFFB0]  }
0x24d: {  	v22 =	vld [tilespmem:s13+$0xFFFFFFB0]  }
0x24e: {  	v23 =	vld [tilespmem:s11+$0xFFFFFFC0]  }
0x24f: {  	v24 =	vld [tilespmem:s11+$0x0]  }
0x250: {  	v25 =	vld [tilespmem:s11+$0xFFFFFF90]  }
0x251: {  	v26 =	vld [tilespmem:s13+$0xFFFFFF90]  }
0x252: {  	v27 =	vld [tilespmem:s11+$0xFFFFFF80]  }
0x253: {  	v28 =	vld [tilespmem:s13+$0xFFFFFF80]  }
0x254: {  	v29 =	vld [tilespmem:s11+$0xFFFFFFA0]  }
0x255: {  	v31 =	vld [tilespmem:s13+$0x0]  }
0x256: {  	v30 =	vld [tilespmem:s13+$0xFFFFFFA0]  }
0x257: {  	v8 =	vmul.bf16 v9, v8;
	v9 =	vld [tilespmem:s13+$0xFFFFFFC0]  }
0x258: {  	v15 =	vmul.bf16 v16, v15;
	v16 =	vmul.bf16 v28, v27;
	v27 =	vld [tilespmem:s11+$0xFFFFFFE0]  }
0x259: {  	v13 =	vmul.bf16 v13, v12;
	v12 =	vmul.bf16 v18, v17;
	v17 =	vld [tilespmem:s13+$0xFFFFFFE0]  }
0x25a: {  	v18 =	vmul.bf16 v26, v25;
	v26 =	vld [tilespmem:s13+$0x40];
	v24 =	vmul.bf16 v31, v24  }
0x25b: {  	v25 =	vmul.bf16 v30, v29;
	v21 =	vmul.bf16 v22, v21;
	v22 =	vld [tilespmem:s13+$0xFFFFFFF0];
	v16 =	vadd.bf16 v5, v16  }
0x25c: {  	s14 =	simm.s32 $0xA180;
	v10 =	vld [tilespmem:s11+$0x60];
	v19 =	vmul.bf16 v20, v19;
	v18 =	vadd.bf16 v5, v18;
	v20 =	vadd.bf16 v5, v24  }
0x25d: {  	v28 =	vld [tilespmem:s14+$0xFFFFFF90];
	v24 =	vadd.bf16 v5, v12;
	v16 =	vadd.bf16 v25, v16;
	v9 =	vmul.bf16 v9, v23  }
0x25e: {  	v18 =	vadd.bf16 v21, v18;
	v19 =	vadd.bf16 v19, v20;
	v23 =	vld [tilespmem:s13+$0x60]  }
0x25f: {  	v25 =	vld [tilespmem:s11+$0x70];
	v20 =	vadd.bf16 v13, v24;
	v9 =	vadd.bf16 v9, v16;
	v16 =	vmul.bf16 v17, v27  }
0x260: {  	v14 =	vmul.bf16 v26, v14;
	v11 =	vmul.bf16 v22, v11;
	v15 =	vadd.bf16 v15, v18;
	v17 =	vld [tilespmem:s13+$0x70]  }
0x261: {  	v30 =	vld [tilespmem:s14+$0xFFFFFF80];
	v8 =	vadd.bf16 v8, v20;
	v16 =	vadd.bf16 v16, v9  }
0x262: {  	v13 =	vld [tilespmem:s14+$0x50];
	v18 =	vadd.bf16 v14, v19;
	v11 =	vadd.bf16 v11, v15  }
0x263: {  	s11 =	simm.s32 $0x8180;
	v24 =	vld [tilespmem:s14+$0xFFFFFFB0];
	v19 =	vmul.bf16 v23, v10;
	v15 =	vunpack.i.u.bf16.f32 v16;
	v16 =	vunpack.i.l.bf16.f32 v16  }
0x264: {  	v12 =	vld [tilespmem:s11+$0x50];
	v22 =	vunpack.i.l.bf16.f32 v11;
	v16 =	vadd.f32 $0.0e+00, v16;
	v20 =	vadd.f32 $0.0e+00, v15  }
0x265: {  	v26 =	vld [tilespmem:s11+$0x0];
	v21 =	vmul.bf16 v17, v25;
	v17 =	vunpack.i.u.bf16.f32 v11;
	v18 =	vadd.bf16 v19, v18  }
0x266: {  	v29 =	vld [tilespmem:s11+$0xFFFFFF80];
	v16 =	vadd.f32 v22, v16;
	v19 =	vadd.f32 v17, v20  }
0x267: {  	v14 =	vld [tilespmem:s11+$0x30];
	v8 =	vadd.bf16 v21, v8;
	v20 =	vunpack.i.u.bf16.f32 v18;
	v18 =	vunpack.i.l.bf16.f32 v18  }
0x268: {  	v27 =	vld [tilespmem:s11+$0xFFFFFF90];
	v16 =	vadd.f32 v18, v16;
	v18 =	vadd.f32 v20, v19  }
0x269: {  	v9 =	vld [tilespmem:s11+$0x60];
	v19 =	vunpack.i.u.bf16.f32 v8;
	v8 =	vunpack.i.l.bf16.f32 v8  }
0x26a: {  	v10 =	vld [tilespmem:s11+$0xFFFFFFF0];
	v8 =	vadd.f32 v8, v16;
	v16 =	vadd.f32 v19, v18  }
0x26b: {  	v23 =	vld [tilespmem:s14+$0xFFFFFFD0]  }
0x26c: {  	v15 =	vld [tilespmem:s14+$0x30];
	v8 =	vadd.f32 v8, v16  }
0x26d: {  	v11 =	vld [tilespmem:s11+$0x40]  }
0x26e: {  	v25 =	vld [tilespmem:s14+$0x10];
	v16 =	vperm.xlane v8, v0  }
0x26f: {  	v17 =	vld [tilespmem:s11+$0xFFFFFFD0]  }
0x270: {  	v21 =	vld [tilespmem:s11+$0x10];
	v16 =	vadd.f32 v8, v16  }
0x271: {  	v22 =	vld [tilespmem:s11+$0xFFFFFFB0]  }
0x272: {  	v20 =	vld [tilespmem:s14+$0x20];
	v31 =	vperm.xlane v16, v2  }
0x273: {  	v18 =	vld [tilespmem:s11+$0x20]  }
0x274: {  	s21 =	simm.s32 $0x2;
	s16 =	simm.s32 $0x0;
	s13 =	simm.s32 $0x1;
	v19 =	vld [tilespmem:s11+$0xFFFFFFC0];
	v8 =	vimm.f32 $0.0e+00;
	v16 =	vadd.f32 v16, v31  }
.LBB2_17:
0x275: {  	p1 =	sne.s32 s21, $0xF;
	v31 =	vld [tilespmem:s11+$0xFFFFFFA0]  }
0x276: {  	v32 =	vld [tilespmem:s14+$0xFFFFFFA0];
	v33 =	vperm.xlane v16, v4  }
0x277: {  	v35 =	vmul.bf16 v13, v12;
	v34 =	vld [tilespmem:s14+$0x0]  }
0x278: {  	v17 =	vmul.bf16 v23, v17;
	v13 =	vmul.bf16 v15, v14;
	v12 =	vld [tilespmem:s14+$0xFFFFFFC0];
	v14 =	vadd.f32 v16, v33  }
0x279: {  	v21 =	vmul.bf16 v25, v21;
	v23 =	vmov s16;
	s16 =	smov.u32 s13;
	s13 =	smov.u32 s21;
	v15 =	vmul.bf16 v30, v29;
	v16 =	vld [tilespmem:s11+$0xFFFFFFE0]  }
0x27a: {  	v18 =	vmul.bf16 v20, v18;
	vm1 =	veq.s32 v23, v7;
	v25 =	vld [tilespmem:s14+$0xFFFFFFE0];
	v20 =	vperm.xlane v14, v6  }
0x27b: {  	v23 =	vmul.bf16 v28, v27;
	v15 =	vadd.bf16 v5, v15;
	v27 =	vmul.bf16 v32, v31;
	v28 =	vld [tilespmem:s14+$0x40]  }
0x27c: {  	v22 =	vmul.bf16 v24, v22;
	v24 =	vld [tilespmem:s14+$0xFFFFFFF0];
	v26 =	vmul.bf16 v34, v26;
	v14 =	vadd.f32 v14, v20  }
0x27d: {  	v20 =	vadd.bf16 v5, v23;
	v15 =	vadd.bf16 v27, v15;
	v12 =	vmul.bf16 v12, v19;
	v19 =	vld [tilespmem:s14+$0x60]  }
0x27e: {  	v21 =	vadd.bf16 v5, v21;
	v23 =	vadd.bf16 v5, v26;
	v26 =	vld [tilespmem:s11+$0x70];
	v8 =	vsel vm1, v14, v8  }
0x27f: {  	v14 =	vadd.bf16 v22, v20;
	s11 =	sadd.s32 $0x100, s11;
	v15 =	vadd.bf16 v12, v15;
	v16 =	vmul.bf16 v25, v16;
	v20 =	vld [tilespmem:s14+$0x70]  }
0x280: {  	v21 =	vadd.bf16 v13, v21;
	s14 =	sadd.s32 $0x100, s14;
	v12 =	vld [tilespmem:s11+$0x50];
	v18 =	vadd.bf16 v18, v23;
	v11 =	vmul.bf16 v28, v11  }
0x281: {  	v14 =	vadd.bf16 v17, v14;
	v13 =	vld [tilespmem:s14+$0x50];
	v15 =	vadd.bf16 v16, v15;
	v16 =	vmul.bf16 v24, v10  }
0x282: {  	v11 =	vadd.bf16 v11, v18;
	v18 =	vadd.bf16 v35, v21;
	v17 =	vmul.bf16 v19, v9;
	v9 =	vld [tilespmem:s11+$0x60]  }
0x283: {  	v10 =	vld [tilespmem:s11+$0xFFFFFFF0];
	v16 =	vadd.bf16 v16, v14;
	v19 =	vunpack.i.u.bf16.f32 v15;
	v15 =	vunpack.i.l.bf16.f32 v15  }
0x284: {  	v14 =	vld [tilespmem:s11+$0x30];
	v21 =	vadd.f32 $0.0e+00, v15;
	v19 =	vadd.f32 $0.0e+00, v19;
	v20 =	vmul.bf16 v20, v26  }
0x285: {  	v23 =	vadd.bf16 v17, v11;
	v15 =	vld [tilespmem:s14+$0x30];
	v22 =	vunpack.i.u.bf16.f32 v16;
	v16 =	vunpack.i.l.bf16.f32 v16  }
0x286: {  	v11 =	vld [tilespmem:s11+$0x40];
	v16 =	vadd.f32 v16, v21;
	v19 =	vadd.f32 v22, v19  }
0x287: {  	v18 =	vadd.bf16 v20, v18;
	v20 =	vunpack.i.u.bf16.f32 v23;
	v21 =	vunpack.i.l.bf16.f32 v23;
	v17 =	vld [tilespmem:s11+$0xFFFFFFD0]  }
0x288: {  	v23 =	vld [tilespmem:s14+$0xFFFFFFD0];
	v16 =	vadd.f32 v21, v16;
	v19 =	vadd.f32 v20, v19  }
0x289: {  	v20 =	vunpack.i.u.bf16.f32 v18;
	v18 =	vunpack.i.l.bf16.f32 v18;
	v21 =	vld [tilespmem:s11+$0x10]  }
0x28a: {  	v25 =	vld [tilespmem:s14+$0x10];
	v16 =	vadd.f32 v18, v16;
	v19 =	vadd.f32 v20, v19  }
0x28b: {  	v18 =	vld [tilespmem:s11+$0x20]  }
0x28c: {  	v20 =	vld [tilespmem:s14+$0x20];
	v16 =	vadd.f32 v16, v19  }
0x28d: {  	v22 =	vld [tilespmem:s11+$0xFFFFFFB0]  }
0x28e: {  	v24 =	vld [tilespmem:s14+$0xFFFFFFB0];
	v27 =	vperm.xlane v16, v0  }
0x28f: {  	v19 =	vld [tilespmem:s11+$0xFFFFFFC0]  }
.Ltmp8:
0x290: {  	v26 =	vld [tilespmem:s11+$0x0];
	v16 =	vadd.f32 v16, v27;
	(pc) =	sbr.rel @p1 .LBB2_17-.Ltmp8, $4  }
0x291: {  	v27 =	vld [tilespmem:s11+$0xFFFFFF90]  }
0x292: {  	v28 =	vld [tilespmem:s14+$0xFFFFFF90];
	v31 =	vperm.xlane v16, v2  }
0x293: {  	v29 =	vld [tilespmem:s11+$0xFFFFFF80]  }
0x294: {  	s21 =	sadd.s32 $0x1, s21;
	v30 =	vld [tilespmem:s14+$0xFFFFFF80];
	v16 =	vadd.f32 v16, v31  }
0x295: {  	v31 =	vld [tilespmem:s11+$0xFFFFFFA0]  }
0x296: {  	v32 =	vld [tilespmem:s14+$0xFFFFFFA0]  }
0x297: {  	v33 =	vld [tilespmem:s14+$0x0];
	v12 =	vmul.bf16 v13, v12  }
0x298: {  	v13 =	vld [tilespmem:s14+$0xFFFFFFC0];
	v17 =	vmul.bf16 v23, v17;
	v14 =	vmul.bf16 v15, v14  }
0x299: {  	v15 =	vmul.bf16 v25, v21;
	v21 =	vld [tilespmem:s14+$0xFFFFFFE0];
	v23 =	vmul.bf16 v30, v29  }
0x29a: {  	v25 =	vmul.bf16 v28, v27;
	v29 =	vld [tilespmem:s11+$0xFFFFFFE0]  }
0x29b: {  	v22 =	vmul.bf16 v24, v22;
	v24 =	vld [tilespmem:s14+$0xFFFFFFF0];
	v27 =	vmul.bf16 v32, v31;
	v23 =	vadd.bf16 v5, v23  }
0x29c: {  	v28 =	vld [tilespmem:s14+$0x40];
	v25 =	vadd.bf16 v5, v25  }
0x29d: {  	v26 =	vmul.bf16 v33, v26;
	v13 =	vmul.bf16 v13, v19;
	v19 =	vld [tilespmem:s14+$0x60];
	v23 =	vadd.bf16 v27, v23  }
0x29e: {  	v18 =	vmul.bf16 v20, v18;
	v15 =	vadd.bf16 v5, v15;
	v22 =	vadd.bf16 v22, v25  }
0x29f: {  	v20 =	vadd.bf16 v5, v26;
	v26 =	vld [tilespmem:s11+$0x70];
	v21 =	vmul.bf16 v21, v29;
	v13 =	vadd.bf16 v13, v23  }
0x2a0: {  	v14 =	vadd.bf16 v14, v15;
	v10 =	vmul.bf16 v24, v10;
	v15 =	vadd.bf16 v17, v22;
	v23 =	vld [tilespmem:s14+$0x70]  }
0x2a1: {  	v11 =	vmul.bf16 v28, v11;
	v18 =	vadd.bf16 v18, v20;
	v13 =	vadd.bf16 v21, v13  }
0x2a2: {  	v12 =	vadd.bf16 v12, v14;
	v9 =	vmul.bf16 v19, v9;
	v10 =	vadd.bf16 v10, v15  }
0x2a3: {  	v11 =	vadd.bf16 v11, v18;
	v14 =	vunpack.i.u.bf16.f32 v13;
	v13 =	vunpack.i.l.bf16.f32 v13  }
0x2a4: {  	v17 =	vunpack.i.u.bf16.f32 v10;
	v13 =	vadd.f32 $0.0e+00, v13;
	v14 =	vadd.f32 $0.0e+00, v14  }
0x2a5: {  	v10 =	vunpack.i.l.bf16.f32 v10;
	v9 =	vadd.bf16 v9, v11;
	v15 =	vmul.bf16 v23, v26  }
0x2a6: {  	v10 =	vadd.f32 v10, v13;
	v11 =	vadd.f32 v17, v14  }
0x2a7: {  	v12 =	vadd.bf16 v15, v12;
	v13 =	vunpack.i.u.bf16.f32 v9;
	v9 =	vunpack.i.l.bf16.f32 v9  }
0x2a8: {  	v9 =	vadd.f32 v9, v10;
	v10 =	vadd.f32 v13, v11  }
0x2a9: {  	v11 =	vunpack.i.u.bf16.f32 v12;
	v12 =	vunpack.i.l.bf16.f32 v12  }
0x2aa: {  	v9 =	vadd.f32 v12, v9;
	v10 =	vadd.f32 v11, v10;
	_ =	sdelay $0x1  }
0x2ab: {  	v9 =	vadd.f32 v9, v10;
	_ =	sdelay $0x1  }
0x2ac: {  	v10 =	vperm.xlane v9, v0;
	_ =	sdelay $0x1  }
0x2ad: {  	v9 =	vadd.f32 v9, v10;
	_ =	sdelay $0x1  }
0x2ae: {  	p1 =	seq.s32 s24, $0x9C;
	s11 =	sshll.u32 s24, $0x5;
	v10 =	vperm.xlane v9, v2  }
0x2af: {  	s21 =	simm.s32 @!p1 $0x10;
	s25 =	simm.s32 @!p1 $0x8000;
	s14 =	sadd.s32 @!p1 $0xC020, s11  }
0x2b0: {  	[tilespmem:s25], [sflag:$0x3] =	stream.indirect.gather @!p1 [hbm4b:s8+s21], $0x100, s14, s21, $0xb8;
	v9 =	vadd.f32 v9, v10;
	[tilespmem:$0x10E50] =	vst v63  }
0x2b1: {  	s14 =	sadd.s32 @!p1 $0xD3C0, s11;
	s25 =	simm.s32 @!p1 $0xA000;
	v10 =	vperm.xlane v16, v4  }
0x2b2: {  	[tilespmem:s25], [sflag:$0x3] =	stream.indirect.gather @!p1 [hbm4b:s9+s21], $0x100, s14, s21, $0xb8;
	v11 =	vperm.xlane v9, v4;
	[tilespmem:$0x10E50] =	vst v63  }
0x2b3: {  	s21 =	sadd.s32 s6, s11;
	v12 =	vld [tilespmem:s11+$0xD3A0];
	v10 =	vadd.f32 v16, v10  }
0x2b4: {  	vm1 =	vmmov vm0;
	p2 =	slt.u32 s21, $0x27100;
	v9 =	vadd.f32 v9, v11  }
0x2b5: {  	vm1 =	vmneg @p2 vm1;
	v11 =	vperm.xlane v10, v6  }
0x2b6: {  	v13 =	vperm.xlane v9, v6  }
0x2b7: {  	v14 =	vmov s16;
	v10 =	vadd.f32 v10, v11  }
0x2b8: {  	vm2 =	veq.s32 v14, v7;
	v11 =	vmov s13;
	v9 =	vadd.f32 v9, v13  }
0x2b9: {  	v8 =	vsel vm2, v10, v8;
	vm2 =	veq.s32 v11, v7  }
0x2ba: {  	v8 =	vsel vm2, v9, v8  }
0x2bb: {  	[tilespmem:v12+s30+$0x0] =	vst.idx.add.f32.msk vm1, v8  }
0x2bc: {  	_ =	swait.ge [sflag:s0], $0x1000  }
0x2bd: {  	[sflag:s0] =	ssyncset.done $0x0  }
0x2be: {  	[sflag:s0] =	ssyncadd.s32 $0xFFFFF000  }
0x2bf: {  	_ =	swait.ge [sflag:s0], $0x1000  }
0x2c0: {  	[sflag:s0] =	ssyncset.done $0x0  }
0x2c1: {  	s25 =	simm.s32 $0x9080;
	[sflag:s0] =	ssyncadd.s32 $0xFFFFF000  }
0x2c2: {  	s26 =	simm.s32 $0xB080;
	v8 =	vld [tilespmem:s25+$0x50]  }
0x2c3: {  	v9 =	vld [tilespmem:s26+$0x50]  }
0x2c4: {  	v11 =	vld [tilespmem:s25+$0xFFFFFFF0]  }
0x2c5: {  	v12 =	vld [tilespmem:s25+$0x30]  }
0x2c6: {  	v13 =	vld [tilespmem:s26+$0x30]  }
0x2c7: {  	v14 =	vld [tilespmem:s25+$0x40]  }
0x2c8: {  	v15 =	vld [tilespmem:s25+$0xFFFFFFD0]  }
0x2c9: {  	v16 =	vld [tilespmem:s26+$0xFFFFFFD0]  }
0x2ca: {  	v17 =	vld [tilespmem:s25+$0x10]  }
0x2cb: {  	v18 =	vld [tilespmem:s26+$0x10]  }
0x2cc: {  	v19 =	vld [tilespmem:s25+$0x20]  }
0x2cd: {  	v20 =	vld [tilespmem:s26+$0x20]  }
0x2ce: {  	v21 =	vld [tilespmem:s25+$0xFFFFFFB0]  }
0x2cf: {  	v22 =	vld [tilespmem:s26+$0xFFFFFFB0]  }
0x2d0: {  	v23 =	vld [tilespmem:s25+$0xFFFFFFC0]  }
0x2d1: {  	v24 =	vld [tilespmem:s25+$0x0]  }
0x2d2: {  	v25 =	vld [tilespmem:s25+$0xFFFFFF90]  }
0x2d3: {  	v26 =	vld [tilespmem:s26+$0xFFFFFF90]  }
0x2d4: {  	v27 =	vld [tilespmem:s25+$0xFFFFFF80]  }
0x2d5: {  	v28 =	vld [tilespmem:s26+$0xFFFFFF80]  }
0x2d6: {  	v29 =	vld [tilespmem:s25+$0xFFFFFFA0]  }
0x2d7: {  	v31 =	vld [tilespmem:s26+$0x0]  }
0x2d8: {  	v30 =	vld [tilespmem:s26+$0xFFFFFFA0]  }
0x2d9: {  	v8 =	vmul.bf16 v9, v8;
	v9 =	vld [tilespmem:s26+$0xFFFFFFC0]  }
0x2da: {  	v15 =	vmul.bf16 v16, v15;
	v16 =	vmul.bf16 v28, v27;
	v27 =	vld [tilespmem:s25+$0xFFFFFFE0]  }
0x2db: {  	v13 =	vmul.bf16 v13, v12;
	v12 =	vmul.bf16 v18, v17;
	v17 =	vld [tilespmem:s26+$0xFFFFFFE0]  }
0x2dc: {  	v18 =	vmul.bf16 v26, v25;
	v26 =	vld [tilespmem:s26+$0x40];
	v24 =	vmul.bf16 v31, v24  }
0x2dd: {  	v25 =	vmul.bf16 v30, v29;
	v21 =	vmul.bf16 v22, v21;
	v22 =	vld [tilespmem:s26+$0xFFFFFFF0];
	v16 =	vadd.bf16 v5, v16  }
0x2de: {  	s21 =	simm.s32 $0xB180;
	v10 =	vld [tilespmem:s25+$0x60];
	v19 =	vmul.bf16 v20, v19;
	v18 =	vadd.bf16 v5, v18;
	v20 =	vadd.bf16 v5, v24  }
0x2df: {  	v28 =	vld [tilespmem:s21+$0xFFFFFF90];
	v24 =	vadd.bf16 v5, v12;
	v16 =	vadd.bf16 v25, v16;
	v9 =	vmul.bf16 v9, v23  }
0x2e0: {  	v18 =	vadd.bf16 v21, v18;
	v19 =	vadd.bf16 v19, v20;
	v23 =	vld [tilespmem:s26+$0x60]  }
0x2e1: {  	v25 =	vld [tilespmem:s25+$0x70];
	v20 =	vadd.bf16 v13, v24;
	v9 =	vadd.bf16 v9, v16;
	v16 =	vmul.bf16 v17, v27  }
0x2e2: {  	s16 =	simm.s32 $0x9180;
	v14 =	vmul.bf16 v26, v14;
	v11 =	vmul.bf16 v22, v11;
	v15 =	vadd.bf16 v15, v18;
	v17 =	vld [tilespmem:s26+$0x70]  }
0x2e3: {  	v29 =	vld [tilespmem:s16+$0xFFFFFF80];
	v8 =	vadd.bf16 v8, v20;
	v16 =	vadd.bf16 v16, v9  }
0x2e4: {  	v30 =	vld [tilespmem:s21+$0xFFFFFF80];
	v18 =	vadd.bf16 v14, v19;
	v11 =	vadd.bf16 v11, v15  }
0x2e5: {  	v12 =	vld [tilespmem:s16+$0x50];
	v19 =	vmul.bf16 v23, v10;
	v15 =	vunpack.i.u.bf16.f32 v16;
	v16 =	vunpack.i.l.bf16.f32 v16  }
0x2e6: {  	v13 =	vld [tilespmem:s21+$0x50];
	v21 =	vunpack.i.u.bf16.f32 v11;
	v16 =	vadd.f32 $0.0e+00, v16;
	v20 =	vadd.f32 $0.0e+00, v15  }
0x2e7: {  	v24 =	vld [tilespmem:s21+$0xFFFFFFB0];
	v22 =	vunpack.i.l.bf16.f32 v11;
	v17 =	vmul.bf16 v17, v25;
	v18 =	vadd.bf16 v19, v18  }
0x2e8: {  	v26 =	vld [tilespmem:s16+$0x0];
	v19 =	vadd.f32 v22, v16;
	v20 =	vadd.f32 v21, v20  }
0x2e9: {  	v14 =	vld [tilespmem:s16+$0x30];
	v8 =	vadd.bf16 v17, v8;
	v17 =	vunpack.i.u.bf16.f32 v18;
	v18 =	vunpack.i.l.bf16.f32 v18  }
0x2ea: {  	v27 =	vld [tilespmem:s16+$0xFFFFFF90];
	v18 =	vadd.f32 v18, v19;
	v17 =	vadd.f32 v17, v20  }
0x2eb: {  	v9 =	vld [tilespmem:s16+$0x60];
	v19 =	vunpack.i.u.bf16.f32 v8;
	v8 =	vunpack.i.l.bf16.f32 v8  }
0x2ec: {  	v10 =	vld [tilespmem:s16+$0xFFFFFFF0];
	v8 =	vadd.f32 v8, v18;
	v17 =	vadd.f32 v19, v17  }
0x2ed: {  	v11 =	vld [tilespmem:s16+$0x40]  }
0x2ee: {  	v23 =	vld [tilespmem:s21+$0xFFFFFFD0];
	v8 =	vadd.f32 v8, v17  }
0x2ef: {  	v15 =	vld [tilespmem:s21+$0x30]  }
0x2f0: {  	v25 =	vld [tilespmem:s21+$0x10];
	v17 =	vperm.xlane v8, v0  }
0x2f1: {  	v16 =	vld [tilespmem:s16+$0xFFFFFFD0]  }
0x2f2: {  	v21 =	vld [tilespmem:s16+$0x10];
	v17 =	vadd.f32 v8, v17  }
0x2f3: {  	v22 =	vld [tilespmem:s16+$0xFFFFFFB0]  }
0x2f4: {  	v20 =	vld [tilespmem:s21+$0x20];
	v31 =	vperm.xlane v17, v2  }
0x2f5: {  	v18 =	vld [tilespmem:s16+$0x20]  }
0x2f6: {  	s14 =	simm.s32 $0x0;
	s13 =	simm.s32 $0x1;
	s25 =	simm.s32 $0x2;
	v19 =	vld [tilespmem:s16+$0xFFFFFFC0];
	v8 =	vimm.f32 $0.0e+00;
	v17 =	vadd.f32 v17, v31  }
.LBB2_19:
0x2f7: {  	p2 =	sne.s32 s25, $0xF;
	v31 =	vld [tilespmem:s16+$0xFFFFFFA0]  }
0x2f8: {  	v32 =	vld [tilespmem:s21+$0xFFFFFFA0];
	v33 =	vperm.xlane v17, v4  }
0x2f9: {  	v35 =	vmul.bf16 v13, v12;
	v34 =	vld [tilespmem:s21+$0x0]  }
0x2fa: {  	v16 =	vmul.bf16 v23, v16;
	v13 =	vmul.bf16 v15, v14;
	v12 =	vld [tilespmem:s21+$0xFFFFFFC0];
	v14 =	vadd.f32 v17, v33  }
0x2fb: {  	v21 =	vmul.bf16 v25, v21;
	v23 =	vmov s14;
	s14 =	smov.u32 s13;
	s13 =	smov.u32 s25;
	v15 =	vmul.bf16 v30, v29;
	v17 =	vld [tilespmem:s16+$0xFFFFFFE0]  }
0x2fc: {  	v18 =	vmul.bf16 v20, v18;
	vm1 =	veq.s32 v23, v7;
	v25 =	vld [tilespmem:s21+$0xFFFFFFE0];
	v20 =	vperm.xlane v14, v6  }
0x2fd: {  	v23 =	vmul.bf16 v28, v27;
	v15 =	vadd.bf16 v5, v15;
	v27 =	vmul.bf16 v32, v31;
	v28 =	vld [tilespmem:s21+$0x40]  }
0x2fe: {  	v22 =	vmul.bf16 v24, v22;
	v24 =	vld [tilespmem:s21+$0xFFFFFFF0];
	v26 =	vmul.bf16 v34, v26;
	v14 =	vadd.f32 v14, v20  }
0x2ff: {  	v20 =	vadd.bf16 v5, v23;
	v15 =	vadd.bf16 v27, v15;
	v12 =	vmul.bf16 v12, v19;
	v19 =	vld [tilespmem:s21+$0x60]  }
0x300: {  	v21 =	vadd.bf16 v5, v21;
	v23 =	vadd.bf16 v5, v26;
	v26 =	vld [tilespmem:s16+$0x70];
	v8 =	vsel vm1, v14, v8  }
0x301: {  	v14 =	vadd.bf16 v22, v20;
	s16 =	sadd.s32 $0x100, s16;
	v15 =	vadd.bf16 v12, v15;
	v17 =	vmul.bf16 v25, v17;
	v20 =	vld [tilespmem:s21+$0x70]  }
0x302: {  	v21 =	vadd.bf16 v13, v21;
	s21 =	sadd.s32 $0x100, s21;
	v12 =	vld [tilespmem:s16+$0x50];
	v18 =	vadd.bf16 v18, v23;
	v11 =	vmul.bf16 v28, v11  }
0x303: {  	v14 =	vadd.bf16 v16, v14;
	v13 =	vld [tilespmem:s21+$0x50];
	v15 =	vadd.bf16 v17, v15;
	v16 =	vmul.bf16 v24, v10  }
0x304: {  	v17 =	vadd.bf16 v35, v21;
	v11 =	vadd.bf16 v11, v18;
	v18 =	vmul.bf16 v19, v9;
	v9 =	vld [tilespmem:s16+$0x60]  }
0x305: {  	v10 =	vld [tilespmem:s16+$0xFFFFFFF0];
	v16 =	vadd.bf16 v16, v14;
	v19 =	vunpack.i.u.bf16.f32 v15;
	v15 =	vunpack.i.l.bf16.f32 v15  }
0x306: {  	v14 =	vld [tilespmem:s16+$0x30];
	v21 =	vadd.f32 $0.0e+00, v15;
	v19 =	vadd.f32 $0.0e+00, v19;
	v20 =	vmul.bf16 v20, v26  }
0x307: {  	v18 =	vadd.bf16 v18, v11;
	v15 =	vld [tilespmem:s21+$0x30];
	v22 =	vunpack.i.u.bf16.f32 v16;
	v16 =	vunpack.i.l.bf16.f32 v16  }
0x308: {  	v11 =	vld [tilespmem:s16+$0x40];
	v21 =	vadd.f32 v16, v21;
	v19 =	vadd.f32 v22, v19  }
0x309: {  	v17 =	vadd.bf16 v20, v17;
	v20 =	vunpack.i.u.bf16.f32 v18;
	v18 =	vunpack.i.l.bf16.f32 v18;
	v16 =	vld [tilespmem:s16+$0xFFFFFFD0]  }
0x30a: {  	v23 =	vld [tilespmem:s21+$0xFFFFFFD0];
	v18 =	vadd.f32 v18, v21;
	v19 =	vadd.f32 v20, v19  }
0x30b: {  	v20 =	vunpack.i.u.bf16.f32 v17;
	v17 =	vunpack.i.l.bf16.f32 v17;
	v21 =	vld [tilespmem:s16+$0x10]  }
0x30c: {  	v25 =	vld [tilespmem:s21+$0x10];
	v17 =	vadd.f32 v17, v18;
	v19 =	vadd.f32 v20, v19  }
0x30d: {  	v18 =	vld [tilespmem:s16+$0x20]  }
0x30e: {  	v20 =	vld [tilespmem:s21+$0x20];
	v17 =	vadd.f32 v17, v19  }
0x30f: {  	v22 =	vld [tilespmem:s16+$0xFFFFFFB0]  }
0x310: {  	v24 =	vld [tilespmem:s21+$0xFFFFFFB0];
	v27 =	vperm.xlane v17, v0  }
0x311: {  	v19 =	vld [tilespmem:s16+$0xFFFFFFC0]  }
.Ltmp9:
0x312: {  	v26 =	vld [tilespmem:s16+$0x0];
	v17 =	vadd.f32 v17, v27;
	(pc) =	sbr.rel @p2 .LBB2_19-.Ltmp9, $4  }
0x313: {  	v27 =	vld [tilespmem:s16+$0xFFFFFF90]  }
0x314: {  	v28 =	vld [tilespmem:s21+$0xFFFFFF90];
	v31 =	vperm.xlane v17, v2  }
0x315: {  	v29 =	vld [tilespmem:s16+$0xFFFFFF80]  }
0x316: {  	s25 =	sadd.s32 $0x1, s25;
	v30 =	vld [tilespmem:s21+$0xFFFFFF80];
	v17 =	vadd.f32 v17, v31  }
0x317: {  	v31 =	vld [tilespmem:s16+$0xFFFFFFA0]  }
0x318: {  	v32 =	vld [tilespmem:s21+$0xFFFFFFA0]  }
0x319: {  	v33 =	vld [tilespmem:s21+$0x0]  }
0x31a: {  	v36 =	vld [tilespmem:s21+$0xFFFFFFC0]  }
0x31b: {  	v12 =	vmul.bf16 v13, v12;
	v38 =	vld [tilespmem:s16+$0xFFFFFFE0];
	v37 =	vmul.bf16 v30, v29  }
0x31c: {  	v16 =	vmul.bf16 v23, v16;
	v40 =	vld [tilespmem:s21+$0xFFFFFFE0];
	v41 =	vmul.bf16 v28, v27  }
0x31d: {  	v14 =	vmul.bf16 v15, v14;
	v44 =	vld [tilespmem:s21+$0xFFFFFFF0];
	v42 =	vmul.bf16 v32, v31;
	v23 =	vadd.bf16 v5, v37  }
0x31e: {  	v39 =	vmul.bf16 v25, v21;
	v43 =	vld [tilespmem:s21+$0x40];
	v22 =	vmul.bf16 v24, v22;
	v25 =	vadd.bf16 v5, v41  }
0x31f: {  	v45 =	vld [tilespmem:s21+$0x60];
	v26 =	vmul.bf16 v33, v26;
	v13 =	vmul.bf16 v36, v19;
	v23 =	vadd.bf16 v42, v23  }
0x320: {  	v18 =	vmul.bf16 v20, v18;
	v47 =	vld [tilespmem:s16+$0x70];
	v15 =	vadd.bf16 v5, v39;
	v22 =	vadd.bf16 v22, v25  }
0x321: {  	v48 =	vld [tilespmem:s21+$0x70];
	v21 =	vmul.bf16 v40, v38;
	v46 =	vadd.bf16 v5, v26;
	v13 =	vadd.bf16 v13, v23  }
0x322: {  	v14 =	vadd.bf16 v14, v15;
	v10 =	vmul.bf16 v44, v10;
	v49 =	vadd.bf16 v16, v22  }
0x323: {  	v11 =	vmul.bf16 v43, v11;
	v18 =	vadd.bf16 v18, v46;
	v13 =	vadd.bf16 v21, v13  }
0x324: {  	v9 =	vmul.bf16 v45, v9;
	v12 =	vadd.bf16 v12, v14;
	v10 =	vadd.bf16 v10, v49  }
0x325: {  	v11 =	vadd.bf16 v11, v18;
	v50 =	vunpack.i.u.bf16.f32 v13;
	v13 =	vunpack.i.l.bf16.f32 v13  }
0x326: {  	v51 =	vmul.bf16 v48, v47;
	v13 =	vadd.f32 $0.0e+00, v13;
	v14 =	vadd.f32 $0.0e+00, v50  }
0x327: {  	v52 =	vunpack.i.u.bf16.f32 v10;
	v10 =	vunpack.i.l.bf16.f32 v10;
	v9 =	vadd.bf16 v9, v11  }
0x328: {  	v10 =	vadd.f32 v10, v13;
	v53 =	vadd.f32 v52, v14  }
0x329: {  	v12 =	vadd.bf16 v51, v12;
	v54 =	vunpack.i.u.bf16.f32 v9;
	v9 =	vunpack.i.l.bf16.f32 v9  }
0x32a: {  	v9 =	vadd.f32 v9, v10;
	v55 =	vadd.f32 v54, v53  }
0x32b: {  	v56 =	vunpack.i.u.bf16.f32 v12;
	v12 =	vunpack.i.l.bf16.f32 v12  }
0x32c: {  	v9 =	vadd.f32 v12, v9;
	v10 =	vadd.f32 v56, v55;
	_ =	sdelay $0x1  }
0x32d: {  	v9 =	vadd.f32 v9, v10;
	_ =	sdelay $0x1  }
0x32e: {  	v10 =	vperm.xlane v9, v0;
	_ =	sdelay $0x1  }
0x32f: {  	v9 =	vadd.f32 v9, v10;
	_ =	sdelay $0x1  }
0x330: {  	s16 =	sadd.s32 @!p1 $0xC030, s11;
	s21 =	simm.s32 @!p1 $0x10;
	s25 =	simm.s32 @!p1 $0x9000;
	v10 =	vperm.xlane v9, v2  }
0x331: {  	[tilespmem:s25], [sflag:$0x4] =	stream.indirect.gather @!p1 [hbm4b:s8+s21], $0x100, s16, s21, $0xb8;
	[tilespmem:$0x10E50] =	vst v63  }
0x332: {  	s16 =	sadd.s32 @!p1 $0xD3D0, s11;
	s25 =	simm.s32 @!p1 $0xB000;
	v9 =	vadd.f32 v9, v10  }
0x333: {  	v57 =	vperm.xlane v17, v4;
	[tilespmem:s25], [sflag:$0x4] =	stream.indirect.gather @!p1 [hbm4b:s9+s21], $0x100, s16, s21, $0xb8;
	[tilespmem:$0x10E50] =	vst v63  }
0x334: {  	s25 =	sadd.s32 s11, s6;
	v58 =	vperm.xlane v9, v4  }
0x335: {  	v59 =	vld [tilespmem:s11+$0xD3B0];
	s26 =	sadd.s32 $0x10, s25;
	v10 =	vadd.f32 v17, v57  }
0x336: {  	vm1 =	vmmov vm0;
	p1 =	slt.u32 s26, $0x27100;
	v9 =	vadd.f32 v9, v58  }
0x337: {  	s24 =	sadd.s32 $0x1, s24;
	vm1 =	vmneg @p1 vm1;
	v60 =	vperm.xlane v10, v6  }
0x338: {  	p1 =	sne.s32 s24, $0x9D;
	v61 =	vperm.xlane v9, v6  }
.Ltmp10:
0x339: {  	v62 =	vmov s14;
	v10 =	vadd.f32 v10, v60;
	(pc) =	sbr.rel @p1 .LBB2_16-.Ltmp10, $4  }
0x33a: {  	v63 =	vmov s13;
	vm2 =	veq.s32 v62, v7;
	v9 =	vadd.f32 v9, v61  }
0x33b: {  	v8 =	vsel vm2, v10, v8;
	vm2 =	veq.s32 v63, v7  }
0x33c: {  	v8 =	vsel vm2, v9, v8  }
0x33d: {  	[tilespmem:v59+s30+$0x0] =	vst.idx.add.f32.msk vm1, v8  }
0x33e: {  	s1 =	sadd.s32 $0x1, s1  }
0x33f: {  	p1 =	sne.s32 s1, s18  }
.Ltmp11:
0x340: {  	_ = 	snop;
	(pc) =	sbr.rel @p1 .LBB2_1-.Ltmp11, $4  }
0x341: {  	[hbm4b:s17+s2] =	stream.linear.scatter [tilespmem:s30], [sflag:$0x5], $0x2710, $0x38;
	[tilespmem:$0x10E50] =	vst v63  }
0x342: {  	_ =	swait.ge [sflag:s20], $0x2710  }
0x343: {  	[sflag:s20] =	ssyncset.done $0x0  }
0x344: {  	[sflag:s20] =	ssyncadd.s32 $0xFFFFD8F0  }
0x345: {  	_ =	sfence.sel $0x180000  }
0x346: {  	[bflag:$0x0] =	sbarrier.arrive $0xFFFF  }
0x347: {  	_ =	strace $0x90000047  }
0x348: {  	s0 =	stileid.u32;
	[bflag:$0x2] =	sbarrier.arrive $0xFFFF  }
0x349: {  	p0 =	sne.s32 s0, $0x0;
	s0 =	rddreg [dreg:$0x1]  }
0x34a: {  	s0 =	sadd.s32 @!p0 $0x100000, s0  }
0x34b: {  	[sflag:s0] =	ssyncadd.tile.s32 @!p0 $0x1;
	_ =	shalt  }
.Lfunc_end2:
_tile_overlayer_lowered:
.L_overlay_start_2:
0x34c: {  	(tag) =	ssettag $0x2  }
0x34d: {  	s0 =	rddreg [dreg:$0x0];
	s2 =	stileid.u32  }
0x34e: {  	s1 =	rddreg [dreg:$0x1];
	p0 =	sne.s32 s2, $0x0  }
0x34f: {  	s3 =	rddreg [dreg:$0x2];
	[bflag:$0x3] =	sbarrier.arrive $0xFFFF;
	s2 =	simm.s32 @!p0 $0x1C05  }
0x350: {  	[timem:s3], [sflag:s2] =	dma.local @!p0 [hbm:s0], s1  }
0x351: {  	s0 =	simm.s32 @!p0 $0x5  }
0x352: {  	_ =	swait.ge @!p0 [sflag:s0], s1  }
0x353: {  	s1 =	ssub.s32 @!p0 $0x0, s1;
	[sflag:s0] =	ssyncset.done @!p0 $0x0  }
0x354: {  	[sflag:s0] =	ssyncadd.s32 @!p0 s1  }
0x355: {  	[bflag:$0x3] =	sbarrier.arrive $0xFFFF  }
0x356: {  	_ =	shalt  }

</sc_bundles>
